<compile_context>
chip_gen: v7x
topology: tpu7x:2x2x1
jax: 0.10.2.dev20260603
libtpu: 0.0.44.dev20260713+nightly
codegen_flags: <defaults>
</compile_context>

<pallas_src>
import functools

import jax
import jax.numpy as jnp
from jax import lax
from jax.experimental import pallas as pl
from jax.experimental.pallas import tpu as pltpu
from jax.experimental.pallas import tpu_sc as plsc

NC = 2
NS = 16
NW = NC * NS
CHUNK = 128
DEG_W = 8
N_PAD = 10240
ROW_BLK = 1000


def _sc_degree(n_pad, g):
    rpt = n_pad // NS
    nfill = rpt // CHUNK
    mesh = plsc.VectorSubcoreMesh(
        core_axis_name="c", subcore_axis_name="s",
        num_cores=NC, num_subcores=NS)

    def body(dsts, out, dbuf, rows, acc, sem):
        c = lax.axis_index("c")
        s = lax.axis_index("s")
        wid = s * NC + c
        base = s * rpt

        def fill(i, val):
            for j in range(DEG_W // 16):
                rows[i, pl.ds(j * 16, 16)] = jnp.full((16,), val, jnp.float32)
            return val

        lax.fori_loop(0, CHUNK, fill, 0.0)
        for k in range(nfill):
            pltpu.sync_copy(rows, acc.at[pl.ds(base + k * CHUNK, CHUNK)])
        lax.fori_loop(0, CHUNK, fill, 1.0)
        plsc.subcore_barrier()

        def step(gi, carry):
            pltpu.sync_copy(dsts.at[wid, gi], dbuf.at[0])
            pltpu.sync_copy(rows, acc.at[dbuf.at[0]], add=True)
            return carry

        lax.fori_loop(0, g, step, 0)
        plsc.subcore_barrier()
        for k in range(nfill):
            r0 = base + k * CHUNK
            pltpu.sync_copy(acc.at[pl.ds(r0, CHUNK)], rows)
            pltpu.sync_copy(rows, out.at[c, pl.ds(r0, CHUNK)])

    return pl.kernel(
        body,
        out_type=jax.ShapeDtypeStruct((NC, n_pad, DEG_W), jnp.float32),
        mesh=mesh,
        scratch_types=[
            pltpu.VMEM((1, CHUNK), jnp.int32),
            pltpu.VMEM((CHUNK, DEG_W), jnp.float32),
            pltpu.VMEM_SHARED((n_pad, DEG_W), jnp.float32),
            pltpu.SemaphoreType.DMA,
        ],
    )


def _sc_scatter(n_pad, dh, g):
    rpt = n_pad // NS
    nfill = rpt // CHUNK
    assert g % 2 == 0
    mesh = plsc.VectorSubcoreMesh(
        core_axis_name="c", subcore_axis_name="s",
        num_cores=NC, num_subcores=NS)

    def body(t0, t1, idx, out, iba, ibb, rows_a, rows_b, tsp, acc,
             sem_ia, sem_ib, sem_a, sem_b):
        c = lax.axis_index("c")
        s = lax.axis_index("s")
        base = s * rpt

        def fill(i, val):
            for j in range(dh // 16):
                rows_a[i, pl.ds(j * 16, 16)] = jnp.full((16,), val, jnp.float32)
            return val

        lax.fori_loop(0, CHUNK, fill, 0.0)
        for k in range(nfill):
            pltpu.sync_copy(rows_a, acc.at[pl.ds(base + k * CHUNK, CHUNK)])

        @pl.when(c == 0)
        def _():
            pltpu.sync_copy(t0.at[pl.ds(base, rpt)], tsp.at[pl.ds(base, rpt)])

        @pl.when(c == 1)
        def _():
            pltpu.sync_copy(t1.at[pl.ds(base, rpt)], tsp.at[pl.ds(base, rpt)])

        plsc.subcore_barrier()

        def step(gi, carry):
            pltpu.sync_copy(idx.at[s, gi], iba)
            pltpu.async_copy(tsp.at[iba.at[0]], rows_a, sem_a).wait()
            pltpu.sync_copy(rows_a, acc.at[iba.at[1]], add=True)
            return carry

        lax.fori_loop(0, g, step, 0)
        plsc.subcore_barrier()
        for k in range(nfill):
            r0 = base + k * CHUNK
            pltpu.sync_copy(acc.at[pl.ds(r0, CHUNK)], rows_a)
            pltpu.sync_copy(rows_a, out.at[c, pl.ds(r0, CHUNK)])

    return pl.kernel(
        body,
        out_type=jax.ShapeDtypeStruct((NC, n_pad, dh), jnp.float32),
        mesh=mesh,
        compiler_params=pltpu.CompilerParams(use_tc_tiling_on_sc=False),
        scratch_types=[
            pltpu.VMEM((2, CHUNK), jnp.int32),
            pltpu.VMEM((2, CHUNK), jnp.int32),
            pltpu.VMEM((CHUNK, dh), jnp.float32),
            pltpu.VMEM((CHUNK, dh), jnp.float32),
            pltpu.VMEM_SHARED((n_pad, dh), jnp.float32),
            pltpu.VMEM_SHARED((n_pad, dh), jnp.float32),
            pltpu.SemaphoreType.DMA,
            pltpu.SemaphoreType.DMA,
            pltpu.SemaphoreType.DMA,
            pltpu.SemaphoreType.DMA,
        ],
    )


def _deg_rsqrt(dp0, dp1):
    deg = dp0[:, 0:1] + dp1[:, 0:1] + 1.0
    return lax.rsqrt(deg)


def _tc1_body(dp0, dp1, x, w, o0, o1):
    d = _deg_rsqrt(dp0[...], dp1[...])
    y = d * jnp.dot(x[...], w[...], preferred_element_type=jnp.float32)
    dh = y.shape[1] // 2
    o0[...] = y[:, :dh]
    o1[...] = y[:, dh:]


def _tc2_body(dp0, dp1, p0, p1, y0, y1, b, w, o0, o1):
    d = _deg_rsqrt(dp0[...], dp1[...])
    s = jnp.concatenate([p0[...] + y0[...], p1[...] + y1[...]], axis=1)
    h = jnp.maximum(d * s + b[...], 0.0)
    y = d * jnp.dot(h, w[...], preferred_element_type=jnp.float32)
    dh = y.shape[1] // 2
    o0[...] = y[:, :dh]
    o1[...] = y[:, dh:]


def _tc3_body(dp0, dp1, q0, q1, y0, y1, b, o):
    d = _deg_rsqrt(dp0[...], dp1[...])
    z = jnp.concatenate([q0[...] + y0[...], q1[...] + y1[...]], axis=1)
    z = d * z + b[...]
    m = jnp.max(z, axis=1, keepdims=True)
    e = jnp.exp(z - m)
    o[...] = (z - m) - jnp.log(jnp.sum(e, axis=1, keepdims=True))


def _row_spec(width):
    return pl.BlockSpec((ROW_BLK, width), lambda i: (i, 0))


def _full_spec(shape):
    return pl.BlockSpec(shape, lambda i: tuple(0 for _ in shape))


def kernel(x, edge_index, W1, b1, W2, b2):
    n, d_in = x.shape
    d_hid = W1.shape[1]
    d_out = W2.shape[1]
    e = edge_index.shape[1]
    grid = (n // ROW_BLK,)

    ei = edge_index.astype(jnp.int32)

    gd = -(-e // (NW * CHUNK))
    dstd = jnp.full((NW * gd * CHUNK,), n, jnp.int32).at[:e].set(ei[1])
    dstd = dstd.reshape(NW, gd, CHUNK)

    gs = -(-e // (NS * CHUNK))
    gs += gs % 2
    es = NS * gs * CHUNK
    src = jnp.full((es,), 0, jnp.int32).at[:e].set(ei[0]).reshape(NS, gs, CHUNK)
    dst = jnp.full((es,), n, jnp.int32).at[:e].set(ei[1]).reshape(NS, gs, CHUNK)
    idx = jnp.stack([src, dst], axis=2)
    pad = jnp.concatenate(
        [jnp.zeros((NS, 2, 1, CHUNK), jnp.int32),
         jnp.full((NS, 2, 1, CHUNK), n, jnp.int32)], axis=2)
    idx = jnp.concatenate([idx, pad], axis=1)

    dhid = d_hid // 2
    dout = d_out // 2

    degp = _sc_degree(N_PAD, gd)(dstd)
    dp0 = degp[0, :n, :]
    dp1 = degp[1, :n, :]

    y10, y11 = pl.pallas_call(
        _tc1_body,
        grid=grid,
        in_specs=[_row_spec(DEG_W), _row_spec(DEG_W),
                  _row_spec(d_in), _full_spec((d_in, d_hid))],
        out_specs=[_row_spec(dhid), _row_spec(dhid)],
        out_shape=[jax.ShapeDtypeStruct((N_PAD, dhid), jnp.float32),
                   jax.ShapeDtypeStruct((N_PAD, dhid), jnp.float32)],
    )(dp0, dp1, x, W1)

    p = _sc_scatter(N_PAD, dhid, gs)(y10, y11, idx)

    y20, y21 = pl.pallas_call(
        _tc2_body,
        grid=grid,
        in_specs=[_row_spec(DEG_W), _row_spec(DEG_W),
                  _row_spec(dhid), _row_spec(dhid),
                  _row_spec(dhid), _row_spec(dhid),
                  _full_spec((1, d_hid)), _full_spec((d_hid, d_out))],
        out_specs=[_row_spec(dout), _row_spec(dout)],
        out_shape=[jax.ShapeDtypeStruct((N_PAD, dout), jnp.float32),
                   jax.ShapeDtypeStruct((N_PAD, dout), jnp.float32)],
    )(dp0, dp1, p[0, :n, :], p[1, :n, :], y10[:n], y11[:n],
      b1.reshape(1, d_hid), W2)

    q = _sc_scatter(N_PAD, dout, gs)(y20, y21, idx)

    out = pl.pallas_call(
        _tc3_body,
        grid=grid,
        in_specs=[_row_spec(DEG_W), _row_spec(DEG_W),
                  _row_spec(dout), _row_spec(dout),
                  _row_spec(dout), _row_spec(dout),
                  _full_spec((1, d_out))],
        out_specs=_row_spec(d_out),
        out_shape=jax.ShapeDtypeStruct((n, d_out), jnp.float32),
    )(dp0, dp1, q[0, :n, :], q[1, :n, :], y20[:n], y21[:n],
      b2.reshape(1, d_out))

    return out

# --- scband reference (transcript-rebuilt; emitter-appended) ---
"""Pipeline reference for scband-gcnmodel-4148938408550 (READ-ONLY COPY).

The authoritative reference and input builder live on the scoring server;
editing this copy changes nothing except your own understanding.
"""

import jax, jax.numpy as jnp
import numpy as np

N_NODES = 10000
N_EDGES = 320000
D_IN = 128
D_HID = 128
D_OUT = 64


def setup_inputs(seed: int = 0) -> dict:
    key = jax.random.key(seed)
    k1, k2, k3, k4, k5, k6 = jax.random.split(key, 6)
    x = jax.random.normal(k1, (N_NODES, D_IN), dtype=jnp.float32)
    edge_index = jax.random.randint(k2, (2, N_EDGES), 0, N_NODES, dtype=jnp.int64)
    W1 = jax.random.normal(k3, (D_IN, D_HID), dtype=jnp.float32) * (1.0 / np.sqrt(D_IN))
    b1 = jnp.zeros((D_HID,), dtype=jnp.float32)
    W2 = jax.random.normal(k4, (D_HID, D_OUT), dtype=jnp.float32) * (1.0 / np.sqrt(D_HID))
    b2 = jnp.zeros((D_OUT,), dtype=jnp.float32)
    return {"x": x, "edge_index": edge_index, "W1": W1, "b1": b1, "W2": W2, "b2": b2}


def _gcn_conv(x, edge_index, W, b):
    # Faithful PyG GCNConv: linear transform, add self-loops, symmetric
    # degree normalization, message = x_j * norm, scatter-add aggregation.
    N = x.shape[0]
    x = x @ W
    self_loops = jnp.arange(N, dtype=edge_index.dtype)
    src = jnp.concatenate([edge_index[0], self_loops])
    dst = jnp.concatenate([edge_index[1], self_loops])
    ones = jnp.ones(src.shape[0], dtype=x.dtype)
    deg = jnp.zeros((N,), dtype=x.dtype).at[dst].add(ones)
    deg_inv_sqrt = jnp.where(deg > 0, jax.lax.rsqrt(jnp.maximum(deg, 1e-12)), 0.0)
    norm = deg_inv_sqrt[src] * deg_inv_sqrt[dst]
    msg = x[src] * norm[:, None]
    out = jnp.zeros_like(x).at[dst].add(msg)
    return out + b


def reference(x, edge_index, W1, b1, W2, b2):
    h = _gcn_conv(x, edge_index, W1, b1)
    h = jax.nn.relu(h)
    # F.dropout with training=False is identity (eval-mode reference)
    h = _gcn_conv(h, edge_index, W2, b2)
    return jax.nn.log_softmax(h, axis=1)

if __name__ == "__main__":
    import jax
    _d = setup_inputs()
    print(jax.jit(kernel)(*tuple(_d.values())))

</pallas_src>

<mosaic_0001>
#map = affine_map<(d0, d1) -> (0, 0, 0)>
module attributes {stable_mosaic.version = 14 : i64} {
  func.func @body(%arg0: i32, %arg1: i32, %arg2: memref<32x79x128xi32, #tpu.memory_space<hbm>>, %arg3: memref<2x10240x8xf32, #tpu.memory_space<hbm>>, %arg4: memref<1x128xi32, #tpu.memory_space<vmem>>, %arg5: memref<128x8xf32, #tpu.memory_space<vmem>>, %arg6: memref<10240x8xf32, #tpu.memory_space<vmem_shared>>, %arg7: memref<!tpu.dma_semaphore, #tpu.memory_space<semaphore_mem>>) attributes {dimension_semantics = [#tpu.dimension_semantics<core_parallel>, #tpu.dimension_semantics<subcore_parallel>], iteration_bounds = array<i64: 2, 16>, scalar_prefetch = 0 : i64, scratch_operands = 4 : i64, tpu.core_type = #tpu.core_type<sc_vector_subcore>, window_params = [{transform_indices = #map}, {transform_indices = #map}]} {
    %mul3A = arith.constant 2 : i32
    %mul3A_0 = arith.muli %arg1, %mul3A : i32
    %add3A = arith.addi %mul3A_0, %arg0 : i32
    %mul3A_1 = arith.constant 640 : i32
    %mul3A_2 = arith.muli %arg1, %mul3A_1 : i32
    %scan3A = arith.constant 0.000000e+00 : f32
    %scan3A_3 = arith.constant 0 : i32
    %scan3A_4 = arith.constant 128 : i32
    %scan3A_5 = arith.addi %scan3A_3, %scan3A_4 : i32
    %scan3A_6 = arith.constant 1 : i32
    scf.for %scan3A_41 = %scan3A_3 to %scan3A_5 step %scan3A_6  : i32 {
    }
    %scan3A_7 = arith.constant 128 : i32
    %add3A_8 = arith.constant 0 : i32
    %add3A_9 = arith.addi %mul3A_2, %add3A_8 : i32
    "tpu.region"() ({
      %run_scoped3A = tpu.sem_alloc : memref<!tpu.dma_semaphore, #tpu.memory_space<semaphore_mem>>
      %dma_start3A = arith.constant 0 : i32
      %dma_start3A_41 = tpu.memref_slice %arg6[%add3A_9, %dma_start3A] : memref<10240x8xf32, #tpu.memory_space<vmem_shared>> -> memref<128x8xf32, #tpu.memory_space<vmem_shared>>
      %dma_start3A_42 = arith.constant 0 : i32
      %dma_start3A_43 = tpu.memref_slice %arg6[%add3A_9, %dma_start3A_42] : memref<10240x8xf32, #tpu.memory_space<vmem_shared>> -> memref<128x8xf32, #tpu.memory_space<vmem_shared>>
      tpu.enqueue_dma source(%arg5 : memref<128x8xf32, #tpu.memory_space<vmem>>) target(%dma_start3A_43 : memref<128x8xf32, #tpu.memory_space<vmem_shared>>) target_semaphore(%run_scoped3A : memref<!tpu.dma_semaphore, #tpu.memory_space<semaphore_mem>>)
      %dma_wait3A = arith.constant 0 : i32
      %dma_wait3A_44 = tpu.memref_slice %arg6[%add3A_9, %dma_wait3A] : memref<10240x8xf32, #tpu.memory_space<vmem_shared>> -> memref<128x8xf32, #tpu.memory_space<vmem_shared>>
      %dma_wait3A_45 = arith.constant 0 : i32
      %dma_wait3A_46 = tpu.memref_slice %arg6[%add3A_9, %dma_wait3A_45] : memref<10240x8xf32, #tpu.memory_space<vmem_shared>> -> memref<128x8xf32, #tpu.memory_space<vmem_shared>>
      tpu.wait_dma2 semaphore(%run_scoped3A : memref<!tpu.dma_semaphore, #tpu.memory_space<semaphore_mem>>) src(%arg5 : memref<128x8xf32, #tpu.memory_space<vmem>>) dst(%dma_wait3A_46 : memref<128x8xf32, #tpu.memory_space<vmem_shared>>)
      tpu.yield
    }) : () -> ()
    %add3A_10 = arith.constant 128 : i32
    %add3A_11 = arith.addi %mul3A_2, %add3A_10 : i32
    "tpu.region"() ({
      %run_scoped3A = tpu.sem_alloc : memref<!tpu.dma_semaphore, #tpu.memory_space<semaphore_mem>>
      %dma_start3A = arith.constant 0 : i32
      %dma_start3A_41 = tpu.memref_slice %arg6[%add3A_11, %dma_start3A] : memref<10240x8xf32, #tpu.memory_space<vmem_shared>> -> memref<128x8xf32, #tpu.memory_space<vmem_shared>>
      %dma_start3A_42 = arith.constant 0 : i32
      %dma_start3A_43 = tpu.memref_slice %arg6[%add3A_11, %dma_start3A_42] : memref<10240x8xf32, #tpu.memory_space<vmem_shared>> -> memref<128x8xf32, #tpu.memory_space<vmem_shared>>
      tpu.enqueue_dma source(%arg5 : memref<128x8xf32, #tpu.memory_space<vmem>>) target(%dma_start3A_43 : memref<128x8xf32, #tpu.memory_space<vmem_shared>>) target_semaphore(%run_scoped3A : memref<!tpu.dma_semaphore, #tpu.memory_space<semaphore_mem>>)
      %dma_wait3A = arith.constant 0 : i32
      %dma_wait3A_44 = tpu.memref_slice %arg6[%add3A_11, %dma_wait3A] : memref<10240x8xf32, #tpu.memory_space<vmem_shared>> -> memref<128x8xf32, #tpu.memory_space<vmem_shared>>
      %dma_wait3A_45 = arith.constant 0 : i32
      %dma_wait3A_46 = tpu.memref_slice %arg6[%add3A_11, %dma_wait3A_45] : memref<10240x8xf32, #tpu.memory_space<vmem_shared>> -> memref<128x8xf32, #tpu.memory_space<vmem_shared>>
      tpu.wait_dma2 semaphore(%run_scoped3A : memref<!tpu.dma_semaphore, #tpu.memory_space<semaphore_mem>>) src(%arg5 : memref<128x8xf32, #tpu.memory_space<vmem>>) dst(%dma_wait3A_46 : memref<128x8xf32, #tpu.memory_space<vmem_shared>>)
      tpu.yield
    }) : () -> ()
    %add3A_12 = arith.constant 256 : i32
    %add3A_13 = arith.addi %mul3A_2, %add3A_12 : i32
    "tpu.region"() ({
      %run_scoped3A = tpu.sem_alloc : memref<!tpu.dma_semaphore, #tpu.memory_space<semaphore_mem>>
      %dma_start3A = arith.constant 0 : i32
      %dma_start3A_41 = tpu.memref_slice %arg6[%add3A_13, %dma_start3A] : memref<10240x8xf32, #tpu.memory_space<vmem_shared>> -> memref<128x8xf32, #tpu.memory_space<vmem_shared>>
      %dma_start3A_42 = arith.constant 0 : i32
      %dma_start3A_43 = tpu.memref_slice %arg6[%add3A_13, %dma_start3A_42] : memref<10240x8xf32, #tpu.memory_space<vmem_shared>> -> memref<128x8xf32, #tpu.memory_space<vmem_shared>>
      tpu.enqueue_dma source(%arg5 : memref<128x8xf32, #tpu.memory_space<vmem>>) target(%dma_start3A_43 : memref<128x8xf32, #tpu.memory_space<vmem_shared>>) target_semaphore(%run_scoped3A : memref<!tpu.dma_semaphore, #tpu.memory_space<semaphore_mem>>)
      %dma_wait3A = arith.constant 0 : i32
      %dma_wait3A_44 = tpu.memref_slice %arg6[%add3A_13, %dma_wait3A] : memref<10240x8xf32, #tpu.memory_space<vmem_shared>> -> memref<128x8xf32, #tpu.memory_space<vmem_shared>>
      %dma_wait3A_45 = arith.constant 0 : i32
      %dma_wait3A_46 = tpu.memref_slice %arg6[%add3A_13, %dma_wait3A_45] : memref<10240x8xf32, #tpu.memory_space<vmem_shared>> -> memref<128x8xf32, #tpu.memory_space<vmem_shared>>
      tpu.wait_dma2 semaphore(%run_scoped3A : memref<!tpu.dma_semaphore, #tpu.memory_space<semaphore_mem>>) src(%arg5 : memref<128x8xf32, #tpu.memory_space<vmem>>) dst(%dma_wait3A_46 : memref<128x8xf32, #tpu.memory_space<vmem_shared>>)
      tpu.yield
    }) : () -> ()
    %add3A_14 = arith.constant 384 : i32
    %add3A_15 = arith.addi %mul3A_2, %add3A_14 : i32
    "tpu.region"() ({
      %run_scoped3A = tpu.sem_alloc : memref<!tpu.dma_semaphore, #tpu.memory_space<semaphore_mem>>
      %dma_start3A = arith.constant 0 : i32
      %dma_start3A_41 = tpu.memref_slice %arg6[%add3A_15, %dma_start3A] : memref<10240x8xf32, #tpu.memory_space<vmem_shared>> -> memref<128x8xf32, #tpu.memory_space<vmem_shared>>
      %dma_start3A_42 = arith.constant 0 : i32
      %dma_start3A_43 = tpu.memref_slice %arg6[%add3A_15, %dma_start3A_42] : memref<10240x8xf32, #tpu.memory_space<vmem_shared>> -> memref<128x8xf32, #tpu.memory_space<vmem_shared>>
      tpu.enqueue_dma source(%arg5 : memref<128x8xf32, #tpu.memory_space<vmem>>) target(%dma_start3A_43 : memref<128x8xf32, #tpu.memory_space<vmem_shared>>) target_semaphore(%run_scoped3A : memref<!tpu.dma_semaphore, #tpu.memory_space<semaphore_mem>>)
      %dma_wait3A = arith.constant 0 : i32
      %dma_wait3A_44 = tpu.memref_slice %arg6[%add3A_15, %dma_wait3A] : memref<10240x8xf32, #tpu.memory_space<vmem_shared>> -> memref<128x8xf32, #tpu.memory_space<vmem_shared>>
      %dma_wait3A_45 = arith.constant 0 : i32
      %dma_wait3A_46 = tpu.memref_slice %arg6[%add3A_15, %dma_wait3A_45] : memref<10240x8xf32, #tpu.memory_space<vmem_shared>> -> memref<128x8xf32, #tpu.memory_space<vmem_shared>>
      tpu.wait_dma2 semaphore(%run_scoped3A : memref<!tpu.dma_semaphore, #tpu.memory_space<semaphore_mem>>) src(%arg5 : memref<128x8xf32, #tpu.memory_space<vmem>>) dst(%dma_wait3A_46 : memref<128x8xf32, #tpu.memory_space<vmem_shared>>)
      tpu.yield
    }) : () -> ()
    %add3A_16 = arith.constant 512 : i32
    %add3A_17 = arith.addi %mul3A_2, %add3A_16 : i32
    "tpu.region"() ({
      %run_scoped3A = tpu.sem_alloc : memref<!tpu.dma_semaphore, #tpu.memory_space<semaphore_mem>>
      %dma_start3A = arith.constant 0 : i32
      %dma_start3A_41 = tpu.memref_slice %arg6[%add3A_17, %dma_start3A] : memref<10240x8xf32, #tpu.memory_space<vmem_shared>> -> memref<128x8xf32, #tpu.memory_space<vmem_shared>>
      %dma_start3A_42 = arith.constant 0 : i32
      %dma_start3A_43 = tpu.memref_slice %arg6[%add3A_17, %dma_start3A_42] : memref<10240x8xf32, #tpu.memory_space<vmem_shared>> -> memref<128x8xf32, #tpu.memory_space<vmem_shared>>
      tpu.enqueue_dma source(%arg5 : memref<128x8xf32, #tpu.memory_space<vmem>>) target(%dma_start3A_43 : memref<128x8xf32, #tpu.memory_space<vmem_shared>>) target_semaphore(%run_scoped3A : memref<!tpu.dma_semaphore, #tpu.memory_space<semaphore_mem>>)
      %dma_wait3A = arith.constant 0 : i32
      %dma_wait3A_44 = tpu.memref_slice %arg6[%add3A_17, %dma_wait3A] : memref<10240x8xf32, #tpu.memory_space<vmem_shared>> -> memref<128x8xf32, #tpu.memory_space<vmem_shared>>
      %dma_wait3A_45 = arith.constant 0 : i32
      %dma_wait3A_46 = tpu.memref_slice %arg6[%add3A_17, %dma_wait3A_45] : memref<10240x8xf32, #tpu.memory_space<vmem_shared>> -> memref<128x8xf32, #tpu.memory_space<vmem_shared>>
      tpu.wait_dma2 semaphore(%run_scoped3A : memref<!tpu.dma_semaphore, #tpu.memory_space<semaphore_mem>>) src(%arg5 : memref<128x8xf32, #tpu.memory_space<vmem>>) dst(%dma_wait3A_46 : memref<128x8xf32, #tpu.memory_space<vmem_shared>>)
      tpu.yield
    }) : () -> ()
    %scan3A_18 = arith.constant 1.000000e+00 : f32
    %scan3A_19 = arith.constant 0 : i32
    %scan3A_20 = arith.constant 128 : i32
    %scan3A_21 = arith.addi %scan3A_19, %scan3A_20 : i32
    %scan3A_22 = arith.constant 1 : i32
    scf.for %scan3A_41 = %scan3A_19 to %scan3A_21 step %scan3A_22  : i32 {
    }
    %scan3A_23 = arith.constant 128 : i32
    %barrier3A = arith.constant 0 : index
    tpu.barrier barrier_id(%barrier3A)
    %scan3A_24 = arith.constant 0 : i32
    %scan3A_25 = arith.constant 0 : i32
    %scan3A_26 = arith.constant 79 : i32
    %scan3A_27 = arith.addi %scan3A_25, %scan3A_26 : i32
    %scan3A_28 = arith.constant 1 : i32
    scf.for %scan3A_41 = %scan3A_25 to %scan3A_27 step %scan3A_28  : i32 {
      %run_scoped3A = arith.constant 0 : i32
      "tpu.region"() ({
        %run_scoped3A_43 = tpu.sem_alloc : memref<!tpu.dma_semaphore, #tpu.memory_space<semaphore_mem>>
        %dma_start3A = arith.constant 0 : i32
        %dma_start3A_44 = tpu.memref_slice %arg4[%run_scoped3A, %dma_start3A] : memref<1x128xi32, #tpu.memory_space<vmem>> -> memref<1x128xi32, #tpu.memory_space<vmem>>
        %dma_start3A_45 = tpu.memref_squeeze %dma_start3A_44 : memref<1x128xi32, #tpu.memory_space<vmem>> -> memref<128xi32, #tpu.memory_space<vmem>>
        %dma_start3A_46 = arith.constant 0 : i32
        %dma_start3A_47 = tpu.memref_slice %arg2[%add3A, %scan3A_41, %dma_start3A_46] : memref<32x79x128xi32, #tpu.memory_space<hbm>> -> memref<1x1x128xi32, #tpu.memory_space<hbm>>
        %dma_start3A_48 = tpu.memref_squeeze %dma_start3A_47 : memref<1x1x128xi32, #tpu.memory_space<hbm>> -> memref<128xi32, #tpu.memory_space<hbm>>
        %dma_start3A_49 = arith.constant 0 : i32
        %dma_start3A_50 = tpu.memref_slice %arg4[%run_scoped3A, %dma_start3A_49] : memref<1x128xi32, #tpu.memory_space<vmem>> -> memref<1x128xi32, #tpu.memory_space<vmem>>
        %dma_start3A_51 = tpu.memref_squeeze %dma_start3A_50 : memref<1x128xi32, #tpu.memory_space<vmem>> -> memref<128xi32, #tpu.memory_space<vmem>>
        %dma_start3A_52 = arith.constant 0 : i32
        %dma_start3A_53 = tpu.memref_slice %arg2[%add3A, %scan3A_41, %dma_start3A_52] : memref<32x79x128xi32, #tpu.memory_space<hbm>> -> memref<1x1x128xi32, #tpu.memory_space<hbm>>
        %dma_start3A_54 = tpu.memref_squeeze %dma_start3A_53 : memref<1x1x128xi32, #tpu.memory_space<hbm>> -> memref<128xi32, #tpu.memory_space<hbm>>
        tpu.enqueue_dma source(%dma_start3A_54 : memref<128xi32, #tpu.memory_space<hbm>>) target(%dma_start3A_51 : memref<128xi32, #tpu.memory_space<vmem>>) target_semaphore(%run_scoped3A_43 : memref<!tpu.dma_semaphore, #tpu.memory_space<semaphore_mem>>)
        %dma_wait3A = arith.constant 0 : i32
        %dma_wait3A_55 = tpu.memref_slice %arg4[%run_scoped3A, %dma_wait3A] : memref<1x128xi32, #tpu.memory_space<vmem>> -> memref<1x128xi32, #tpu.memory_space<vmem>>
        %dma_wait3A_56 = tpu.memref_squeeze %dma_wait3A_55 : memref<1x128xi32, #tpu.memory_space<vmem>> -> memref<128xi32, #tpu.memory_space<vmem>>
        %dma_wait3A_57 = arith.constant 0 : i32
        %dma_wait3A_58 = tpu.memref_slice %arg2[%add3A, %scan3A_41, %dma_wait3A_57] : memref<32x79x128xi32, #tpu.memory_space<hbm>> -> memref<1x1x128xi32, #tpu.memory_space<hbm>>
        %dma_wait3A_59 = tpu.memref_squeeze %dma_wait3A_58 : memref<1x1x128xi32, #tpu.memory_space<hbm>> -> memref<128xi32, #tpu.memory_space<hbm>>
        %dma_wait3A_60 = arith.constant 0 : i32
        %dma_wait3A_61 = tpu.memref_slice %arg4[%run_scoped3A, %dma_wait3A_60] : memref<1x128xi32, #tpu.memory_space<vmem>> -> memref<1x128xi32, #tpu.memory_space<vmem>>
        %dma_wait3A_62 = tpu.memref_squeeze %dma_wait3A_61 : memref<1x128xi32, #tpu.memory_space<vmem>> -> memref<128xi32, #tpu.memory_space<vmem>>
        %dma_wait3A_63 = arith.constant 0 : i32
        %dma_wait3A_64 = tpu.memref_slice %arg2[%add3A, %scan3A_41, %dma_wait3A_63] : memref<32x79x128xi32, #tpu.memory_space<hbm>> -> memref<1x1x128xi32, #tpu.memory_space<hbm>>
        %dma_wait3A_65 = tpu.memref_squeeze %dma_wait3A_64 : memref<1x1x128xi32, #tpu.memory_space<hbm>> -> memref<128xi32, #tpu.memory_space<hbm>>
        tpu.wait_dma2 semaphore(%run_scoped3A_43 : memref<!tpu.dma_semaphore, #tpu.memory_space<semaphore_mem>>) src(%dma_wait3A_65 : memref<128xi32, #tpu.memory_space<hbm>>) dst(%dma_wait3A_62 : memref<128xi32, #tpu.memory_space<vmem>>)
        tpu.yield
      }) : () -> ()
      %run_scoped3A_42 = arith.constant 0 : i32
      "tpu.region"() ({
        %run_scoped3A_43 = tpu.sem_alloc : memref<!tpu.dma_semaphore, #tpu.memory_space<semaphore_mem>>
        %dma_start3A = arith.constant 0 : i32
        %dma_start3A_44 = tpu.memref_slice %arg4[%run_scoped3A_42, %dma_start3A] : memref<1x128xi32, #tpu.memory_space<vmem>> -> memref<1x128xi32, #tpu.memory_space<vmem>>
        %dma_start3A_45 = tpu.memref_squeeze %dma_start3A_44 : memref<1x128xi32, #tpu.memory_space<vmem>> -> memref<128xi32, #tpu.memory_space<vmem>>
        %dma_start3A_46 = arith.constant 0 : i32
        %dma_start3A_47 = arith.constant 0 : i32
        %dma_start3A_48 = tpu.memref_slice %arg6[%dma_start3A_46, %dma_start3A_47] : memref<10240x8xf32, #tpu.memory_space<vmem_shared>> -> memref<10240x8xf32, #tpu.memory_space<vmem_shared>>
        tpu.enqueue_indirect_dma source(%arg5 : memref<128x8xf32, #tpu.memory_space<vmem>>) target(%dma_start3A_48 : memref<10240x8xf32, #tpu.memory_space<vmem_shared>>) offsets(%dma_start3A_45 : memref<128xi32, #tpu.memory_space<vmem>>) semaphore(%run_scoped3A_43 : memref<!tpu.dma_semaphore, #tpu.memory_space<semaphore_mem>>) {add = true}
        %dma_wait3A = arith.constant 0 : i32
        %dma_wait3A_49 = tpu.memref_slice %arg4[%run_scoped3A_42, %dma_wait3A] : memref<1x128xi32, #tpu.memory_space<vmem>> -> memref<1x128xi32, #tpu.memory_space<vmem>>
        %dma_wait3A_50 = tpu.memref_squeeze %dma_wait3A_49 : memref<1x128xi32, #tpu.memory_space<vmem>> -> memref<128xi32, #tpu.memory_space<vmem>>
        %dma_wait3A_51 = arith.constant 0 : i32
        %dma_wait3A_52 = arith.constant 0 : i32
        %dma_wait3A_53 = tpu.memref_slice %arg6[%dma_wait3A_51, %dma_wait3A_52] : memref<10240x8xf32, #tpu.memory_space<vmem_shared>> -> memref<10240x8xf32, #tpu.memory_space<vmem_shared>>
        tpu.wait_indirect_dma semaphore(%run_scoped3A_43 : memref<!tpu.dma_semaphore, #tpu.memory_space<semaphore_mem>>) src(%arg5 : memref<128x8xf32, #tpu.memory_space<vmem>>) dst(%dma_wait3A_53 : memref<10240x8xf32, #tpu.memory_space<vmem_shared>>)
        tpu.yield
      }) : () -> ()
    }
    %scan3A_29 = arith.constant 79 : i32
    %barrier3A_30 = arith.constant 0 : index
    tpu.barrier barrier_id(%barrier3A_30)
    %add3A_31 = arith.constant 0 : i32
    %add3A_32 = arith.addi %mul3A_2, %add3A_31 : i32
    "tpu.region"() ({
      %run_scoped3A = tpu.sem_alloc : memref<!tpu.dma_semaphore, #tpu.memory_space<semaphore_mem>>
      %dma_start3A = arith.constant 0 : i32
      %dma_start3A_41 = tpu.memref_slice %arg6[%add3A_32, %dma_start3A] : memref<10240x8xf32, #tpu.memory_space<vmem_shared>> -> memref<128x8xf32, #tpu.memory_space<vmem_shared>>
      %dma_start3A_42 = arith.constant 0 : i32
      %dma_start3A_43 = tpu.memref_slice %arg6[%add3A_32, %dma_start3A_42] : memref<10240x8xf32, #tpu.memory_space<vmem_shared>> -> memref<128x8xf32, #tpu.memory_space<vmem_shared>>
      tpu.enqueue_dma source(%dma_start3A_43 : memref<128x8xf32, #tpu.memory_space<vmem_shared>>) target(%arg5 : memref<128x8xf32, #tpu.memory_space<vmem>>) target_semaphore(%run_scoped3A : memref<!tpu.dma_semaphore, #tpu.memory_space<semaphore_mem>>)
      %dma_wait3A = arith.constant 0 : i32
      %dma_wait3A_44 = tpu.memref_slice %arg6[%add3A_32, %dma_wait3A] : memref<10240x8xf32, #tpu.memory_space<vmem_shared>> -> memref<128x8xf32, #tpu.memory_space<vmem_shared>>
      %dma_wait3A_45 = arith.constant 0 : i32
      %dma_wait3A_46 = tpu.memref_slice %arg6[%add3A_32, %dma_wait3A_45] : memref<10240x8xf32, #tpu.memory_space<vmem_shared>> -> memref<128x8xf32, #tpu.memory_space<vmem_shared>>
      tpu.wait_dma2 semaphore(%run_scoped3A : memref<!tpu.dma_semaphore, #tpu.memory_space<semaphore_mem>>) src(%dma_wait3A_46 : memref<128x8xf32, #tpu.memory_space<vmem_shared>>) dst(%arg5 : memref<128x8xf32, #tpu.memory_space<vmem>>)
      tpu.yield
    }) : () -> ()
    "tpu.region"() ({
      %run_scoped3A = tpu.sem_alloc : memref<!tpu.dma_semaphore, #tpu.memory_space<semaphore_mem>>
      %dma_start3A = arith.constant 0 : i32
      %dma_start3A_41 = tpu.memref_slice %arg3[%arg0, %add3A_32, %dma_start3A] : memref<2x10240x8xf32, #tpu.memory_space<hbm>> -> memref<1x128x8xf32, #tpu.memory_space<hbm>>
      %dma_start3A_42 = tpu.memref_squeeze %dma_start3A_41 : memref<1x128x8xf32, #tpu.memory_space<hbm>> -> memref<128x8xf32, #tpu.memory_space<hbm>>
      %dma_start3A_43 = arith.constant 0 : i32
      %dma_start3A_44 = tpu.memref_slice %arg3[%arg0, %add3A_32, %dma_start3A_43] : memref<2x10240x8xf32, #tpu.memory_space<hbm>> -> memref<1x128x8xf32, #tpu.memory_space<hbm>>
      %dma_start3A_45 = tpu.memref_squeeze %dma_start3A_44 : memref<1x128x8xf32, #tpu.memory_space<hbm>> -> memref<128x8xf32, #tpu.memory_space<hbm>>
      tpu.enqueue_dma source(%arg5 : memref<128x8xf32, #tpu.memory_space<vmem>>) target(%dma_start3A_45 : memref<128x8xf32, #tpu.memory_space<hbm>>) target_semaphore(%run_scoped3A : memref<!tpu.dma_semaphore, #tpu.memory_space<semaphore_mem>>)
      %dma_wait3A = arith.constant 0 : i32
      %dma_wait3A_46 = tpu.memref_slice %arg3[%arg0, %add3A_32, %dma_wait3A] : memref<2x10240x8xf32, #tpu.memory_space<hbm>> -> memref<1x128x8xf32, #tpu.memory_space<hbm>>
      %dma_wait3A_47 = tpu.memref_squeeze %dma_wait3A_46 : memref<1x128x8xf32, #tpu.memory_space<hbm>> -> memref<128x8xf32, #tpu.memory_space<hbm>>
      %dma_wait3A_48 = arith.constant 0 : i32
      %dma_wait3A_49 = tpu.memref_slice %arg3[%arg0, %add3A_32, %dma_wait3A_48] : memref<2x10240x8xf32, #tpu.memory_space<hbm>> -> memref<1x128x8xf32, #tpu.memory_space<hbm>>
      %dma_wait3A_50 = tpu.memref_squeeze %dma_wait3A_49 : memref<1x128x8xf32, #tpu.memory_space<hbm>> -> memref<128x8xf32, #tpu.memory_space<hbm>>
      tpu.wait_dma2 semaphore(%run_scoped3A : memref<!tpu.dma_semaphore, #tpu.memory_space<semaphore_mem>>) src(%arg5 : memref<128x8xf32, #tpu.memory_space<vmem>>) dst(%dma_wait3A_50 : memref<128x8xf32, #tpu.memory_space<hbm>>)
      tpu.yield
    }) : () -> ()
    %add3A_33 = arith.constant 128 : i32
    %add3A_34 = arith.addi %mul3A_2, %add3A_33 : i32
    "tpu.region"() ({
      %run_scoped3A = tpu.sem_alloc : memref<!tpu.dma_semaphore, #tpu.memory_space<semaphore_mem>>
      %dma_start3A = arith.constant 0 : i32
      %dma_start3A_41 = tpu.memref_slice %arg6[%add3A_34, %dma_start3A] : memref<10240x8xf32, #tpu.memory_space<vmem_shared>> -> memref<128x8xf32, #tpu.memory_space<vmem_shared>>
      %dma_start3A_42 = arith.constant 0 : i32
      %dma_start3A_43 = tpu.memref_slice %arg6[%add3A_34, %dma_start3A_42] : memref<10240x8xf32, #tpu.memory_space<vmem_shared>> -> memref<128x8xf32, #tpu.memory_space<vmem_shared>>
      tpu.enqueue_dma source(%dma_start3A_43 : memref<128x8xf32, #tpu.memory_space<vmem_shared>>) target(%arg5 : memref<128x8xf32, #tpu.memory_space<vmem>>) target_semaphore(%run_scoped3A : memref<!tpu.dma_semaphore, #tpu.memory_space<semaphore_mem>>)
      %dma_wait3A = arith.constant 0 : i32
      %dma_wait3A_44 = tpu.memref_slice %arg6[%add3A_34, %dma_wait3A] : memref<10240x8xf32, #tpu.memory_space<vmem_shared>> -> memref<128x8xf32, #tpu.memory_space<vmem_shared>>
      %dma_wait3A_45 = arith.constant 0 : i32
      %dma_wait3A_46 = tpu.memref_slice %arg6[%add3A_34, %dma_wait3A_45] : memref<10240x8xf32, #tpu.memory_space<vmem_shared>> -> memref<128x8xf32, #tpu.memory_space<vmem_shared>>
      tpu.wait_dma2 semaphore(%run_scoped3A : memref<!tpu.dma_semaphore, #tpu.memory_space<semaphore_mem>>) src(%dma_wait3A_46 : memref<128x8xf32, #tpu.memory_space<vmem_shared>>) dst(%arg5 : memref<128x8xf32, #tpu.memory_space<vmem>>)
      tpu.yield
    }) : () -> ()
    "tpu.region"() ({
      %run_scoped3A = tpu.sem_alloc : memref<!tpu.dma_semaphore, #tpu.memory_space<semaphore_mem>>
      %dma_start3A = arith.constant 0 : i32
      %dma_start3A_41 = tpu.memref_slice %arg3[%arg0, %add3A_34, %dma_start3A] : memref<2x10240x8xf32, #tpu.memory_space<hbm>> -> memref<1x128x8xf32, #tpu.memory_space<hbm>>
      %dma_start3A_42 = tpu.memref_squeeze %dma_start3A_41 : memref<1x128x8xf32, #tpu.memory_space<hbm>> -> memref<128x8xf32, #tpu.memory_space<hbm>>
      %dma_start3A_43 = arith.constant 0 : i32
      %dma_start3A_44 = tpu.memref_slice %arg3[%arg0, %add3A_34, %dma_start3A_43] : memref<2x10240x8xf32, #tpu.memory_space<hbm>> -> memref<1x128x8xf32, #tpu.memory_space<hbm>>
      %dma_start3A_45 = tpu.memref_squeeze %dma_start3A_44 : memref<1x128x8xf32, #tpu.memory_space<hbm>> -> memref<128x8xf32, #tpu.memory_space<hbm>>
      tpu.enqueue_dma source(%arg5 : memref<128x8xf32, #tpu.memory_space<vmem>>) target(%dma_start3A_45 : memref<128x8xf32, #tpu.memory_space<hbm>>) target_semaphore(%run_scoped3A : memref<!tpu.dma_semaphore, #tpu.memory_space<semaphore_mem>>)
      %dma_wait3A = arith.constant 0 : i32
      %dma_wait3A_46 = tpu.memref_slice %arg3[%arg0, %add3A_34, %dma_wait3A] : memref<2x10240x8xf32, #tpu.memory_space<hbm>> -> memref<1x128x8xf32, #tpu.memory_space<hbm>>
      %dma_wait3A_47 = tpu.memref_squeeze %dma_wait3A_46 : memref<1x128x8xf32, #tpu.memory_space<hbm>> -> memref<128x8xf32, #tpu.memory_space<hbm>>
      %dma_wait3A_48 = arith.constant 0 : i32
      %dma_wait3A_49 = tpu.memref_slice %arg3[%arg0, %add3A_34, %dma_wait3A_48] : memref<2x10240x8xf32, #tpu.memory_space<hbm>> -> memref<1x128x8xf32, #tpu.memory_space<hbm>>
      %dma_wait3A_50 = tpu.memref_squeeze %dma_wait3A_49 : memref<1x128x8xf32, #tpu.memory_space<hbm>> -> memref<128x8xf32, #tpu.memory_space<hbm>>
      tpu.wait_dma2 semaphore(%run_scoped3A : memref<!tpu.dma_semaphore, #tpu.memory_space<semaphore_mem>>) src(%arg5 : memref<128x8xf32, #tpu.memory_space<vmem>>) dst(%dma_wait3A_50 : memref<128x8xf32, #tpu.memory_space<hbm>>)
      tpu.yield
    }) : () -> ()
    %add3A_35 = arith.constant 256 : i32
    %add3A_36 = arith.addi %mul3A_2, %add3A_35 : i32
    "tpu.region"() ({
      %run_scoped3A = tpu.sem_alloc : memref<!tpu.dma_semaphore, #tpu.memory_space<semaphore_mem>>
      %dma_start3A = arith.constant 0 : i32
      %dma_start3A_41 = tpu.memref_slice %arg6[%add3A_36, %dma_start3A] : memref<10240x8xf32, #tpu.memory_space<vmem_shared>> -> memref<128x8xf32, #tpu.memory_space<vmem_shared>>
      %dma_start3A_42 = arith.constant 0 : i32
      %dma_start3A_43 = tpu.memref_slice %arg6[%add3A_36, %dma_start3A_42] : memref<10240x8xf32, #tpu.memory_space<vmem_shared>> -> memref<128x8xf32, #tpu.memory_space<vmem_shared>>
      tpu.enqueue_dma source(%dma_start3A_43 : memref<128x8xf32, #tpu.memory_space<vmem_shared>>) target(%arg5 : memref<128x8xf32, #tpu.memory_space<vmem>>) target_semaphore(%run_scoped3A : memref<!tpu.dma_semaphore, #tpu.memory_space<semaphore_mem>>)
      %dma_wait3A = arith.constant 0 : i32
      %dma_wait3A_44 = tpu.memref_slice %arg6[%add3A_36, %dma_wait3A] : memref<10240x8xf32, #tpu.memory_space<vmem_shared>> -> memref<128x8xf32, #tpu.memory_space<vmem_shared>>
      %dma_wait3A_45 = arith.constant 0 : i32
      %dma_wait3A_46 = tpu.memref_slice %arg6[%add3A_36, %dma_wait3A_45] : memref<10240x8xf32, #tpu.memory_space<vmem_shared>> -> memref<128x8xf32, #tpu.memory_space<vmem_shared>>
      tpu.wait_dma2 semaphore(%run_scoped3A : memref<!tpu.dma_semaphore, #tpu.memory_space<semaphore_mem>>) src(%dma_wait3A_46 : memref<128x8xf32, #tpu.memory_space<vmem_shared>>) dst(%arg5 : memref<128x8xf32, #tpu.memory_space<vmem>>)
      tpu.yield
    }) : () -> ()
    "tpu.region"() ({
      %run_scoped3A = tpu.sem_alloc : memref<!tpu.dma_semaphore, #tpu.memory_space<semaphore_mem>>
      %dma_start3A = arith.constant 0 : i32
      %dma_start3A_41 = tpu.memref_slice %arg3[%arg0, %add3A_36, %dma_start3A] : memref<2x10240x8xf32, #tpu.memory_space<hbm>> -> memref<1x128x8xf32, #tpu.memory_space<hbm>>
      %dma_start3A_42 = tpu.memref_squeeze %dma_start3A_41 : memref<1x128x8xf32, #tpu.memory_space<hbm>> -> memref<128x8xf32, #tpu.memory_space<hbm>>
      %dma_start3A_43 = arith.constant 0 : i32
      %dma_start3A_44 = tpu.memref_slice %arg3[%arg0, %add3A_36, %dma_start3A_43] : memref<2x10240x8xf32, #tpu.memory_space<hbm>> -> memref<1x128x8xf32, #tpu.memory_space<hbm>>
      %dma_start3A_45 = tpu.memref_squeeze %dma_start3A_44 : memref<1x128x8xf32, #tpu.memory_space<hbm>> -> memref<128x8xf32, #tpu.memory_space<hbm>>
      tpu.enqueue_dma source(%arg5 : memref<128x8xf32, #tpu.memory_space<vmem>>) target(%dma_start3A_45 : memref<128x8xf32, #tpu.memory_space<hbm>>) target_semaphore(%run_scoped3A : memref<!tpu.dma_semaphore, #tpu.memory_space<semaphore_mem>>)
      %dma_wait3A = arith.constant 0 : i32
      %dma_wait3A_46 = tpu.memref_slice %arg3[%arg0, %add3A_36, %dma_wait3A] : memref<2x10240x8xf32, #tpu.memory_space<hbm>> -> memref<1x128x8xf32, #tpu.memory_space<hbm>>
      %dma_wait3A_47 = tpu.memref_squeeze %dma_wait3A_46 : memref<1x128x8xf32, #tpu.memory_space<hbm>> -> memref<128x8xf32, #tpu.memory_space<hbm>>
      %dma_wait3A_48 = arith.constant 0 : i32
      %dma_wait3A_49 = tpu.memref_slice %arg3[%arg0, %add3A_36, %dma_wait3A_48] : memref<2x10240x8xf32, #tpu.memory_space<hbm>> -> memref<1x128x8xf32, #tpu.memory_space<hbm>>
      %dma_wait3A_50 = tpu.memref_squeeze %dma_wait3A_49 : memref<1x128x8xf32, #tpu.memory_space<hbm>> -> memref<128x8xf32, #tpu.memory_space<hbm>>
      tpu.wait_dma2 semaphore(%run_scoped3A : memref<!tpu.dma_semaphore, #tpu.memory_space<semaphore_mem>>) src(%arg5 : memref<128x8xf32, #tpu.memory_space<vmem>>) dst(%dma_wait3A_50 : memref<128x8xf32, #tpu.memory_space<hbm>>)
      tpu.yield
    }) : () -> ()
    %add3A_37 = arith.constant 384 : i32
    %add3A_38 = arith.addi %mul3A_2, %add3A_37 : i32
    "tpu.region"() ({
      %run_scoped3A = tpu.sem_alloc : memref<!tpu.dma_semaphore, #tpu.memory_space<semaphore_mem>>
      %dma_start3A = arith.constant 0 : i32
      %dma_start3A_41 = tpu.memref_slice %arg6[%add3A_38, %dma_start3A] : memref<10240x8xf32, #tpu.memory_space<vmem_shared>> -> memref<128x8xf32, #tpu.memory_space<vmem_shared>>
      %dma_start3A_42 = arith.constant 0 : i32
      %dma_start3A_43 = tpu.memref_slice %arg6[%add3A_38, %dma_start3A_42] : memref<10240x8xf32, #tpu.memory_space<vmem_shared>> -> memref<128x8xf32, #tpu.memory_space<vmem_shared>>
      tpu.enqueue_dma source(%dma_start3A_43 : memref<128x8xf32, #tpu.memory_space<vmem_shared>>) target(%arg5 : memref<128x8xf32, #tpu.memory_space<vmem>>) target_semaphore(%run_scoped3A : memref<!tpu.dma_semaphore, #tpu.memory_space<semaphore_mem>>)
      %dma_wait3A = arith.constant 0 : i32
      %dma_wait3A_44 = tpu.memref_slice %arg6[%add3A_38, %dma_wait3A] : memref<10240x8xf32, #tpu.memory_space<vmem_shared>> -> memref<128x8xf32, #tpu.memory_space<vmem_shared>>
      %dma_wait3A_45 = arith.constant 0 : i32
      %dma_wait3A_46 = tpu.memref_slice %arg6[%add3A_38, %dma_wait3A_45] : memref<10240x8xf32, #tpu.memory_space<vmem_shared>> -> memref<128x8xf32, #tpu.memory_space<vmem_shared>>
      tpu.wait_dma2 semaphore(%run_scoped3A : memref<!tpu.dma_semaphore, #tpu.memory_space<semaphore_mem>>) src(%dma_wait3A_46 : memref<128x8xf32, #tpu.memory_space<vmem_shared>>) dst(%arg5 : memref<128x8xf32, #tpu.memory_space<vmem>>)
      tpu.yield
    }) : () -> ()
    "tpu.region"() ({
      %run_scoped3A = tpu.sem_alloc : memref<!tpu.dma_semaphore, #tpu.memory_space<semaphore_mem>>
      %dma_start3A = arith.constant 0 : i32
      %dma_start3A_41 = tpu.memref_slice %arg3[%arg0, %add3A_38, %dma_start3A] : memref<2x10240x8xf32, #tpu.memory_space<hbm>> -> memref<1x128x8xf32, #tpu.memory_space<hbm>>
      %dma_start3A_42 = tpu.memref_squeeze %dma_start3A_41 : memref<1x128x8xf32, #tpu.memory_space<hbm>> -> memref<128x8xf32, #tpu.memory_space<hbm>>
      %dma_start3A_43 = arith.constant 0 : i32
      %dma_start3A_44 = tpu.memref_slice %arg3[%arg0, %add3A_38, %dma_start3A_43] : memref<2x10240x8xf32, #tpu.memory_space<hbm>> -> memref<1x128x8xf32, #tpu.memory_space<hbm>>
      %dma_start3A_45 = tpu.memref_squeeze %dma_start3A_44 : memref<1x128x8xf32, #tpu.memory_space<hbm>> -> memref<128x8xf32, #tpu.memory_space<hbm>>
      tpu.enqueue_dma source(%arg5 : memref<128x8xf32, #tpu.memory_space<vmem>>) target(%dma_start3A_45 : memref<128x8xf32, #tpu.memory_space<hbm>>) target_semaphore(%run_scoped3A : memref<!tpu.dma_semaphore, #tpu.memory_space<semaphore_mem>>)
      %dma_wait3A = arith.constant 0 : i32
      %dma_wait3A_46 = tpu.memref_slice %arg3[%arg0, %add3A_38, %dma_wait3A] : memref<2x10240x8xf32, #tpu.memory_space<hbm>> -> memref<1x128x8xf32, #tpu.memory_space<hbm>>
      %dma_wait3A_47 = tpu.memref_squeeze %dma_wait3A_46 : memref<1x128x8xf32, #tpu.memory_space<hbm>> -> memref<128x8xf32, #tpu.memory_space<hbm>>
      %dma_wait3A_48 = arith.constant 0 : i32
      %dma_wait3A_49 = tpu.memref_slice %arg3[%arg0, %add3A_38, %dma_wait3A_48] : memref<2x10240x8xf32, #tpu.memory_space<hbm>> -> memref<1x128x8xf32, #tpu.memory_space<hbm>>
      %dma_wait3A_50 = tpu.memref_squeeze %dma_wait3A_49 : memref<1x128x8xf32, #tpu.memory_space<hbm>> -> memref<128x8xf32, #tpu.memory_space<hbm>>
      tpu.wait_dma2 semaphore(%run_scoped3A : memref<!tpu.dma_semaphore, #tpu.memory_space<semaphore_mem>>) src(%arg5 : memref<128x8xf32, #tpu.memory_space<vmem>>) dst(%dma_wait3A_50 : memref<128x8xf32, #tpu.memory_space<hbm>>)
      tpu.yield
    }) : () -> ()
    %add3A_39 = arith.constant 512 : i32
    %add3A_40 = arith.addi %mul3A_2, %add3A_39 : i32
    "tpu.region"() ({
      %run_scoped3A = tpu.sem_alloc : memref<!tpu.dma_semaphore, #tpu.memory_space<semaphore_mem>>
      %dma_start3A = arith.constant 0 : i32
      %dma_start3A_41 = tpu.memref_slice %arg6[%add3A_40, %dma_start3A] : memref<10240x8xf32, #tpu.memory_space<vmem_shared>> -> memref<128x8xf32, #tpu.memory_space<vmem_shared>>
      %dma_start3A_42 = arith.constant 0 : i32
      %dma_start3A_43 = tpu.memref_slice %arg6[%add3A_40, %dma_start3A_42] : memref<10240x8xf32, #tpu.memory_space<vmem_shared>> -> memref<128x8xf32, #tpu.memory_space<vmem_shared>>
      tpu.enqueue_dma source(%dma_start3A_43 : memref<128x8xf32, #tpu.memory_space<vmem_shared>>) target(%arg5 : memref<128x8xf32, #tpu.memory_space<vmem>>) target_semaphore(%run_scoped3A : memref<!tpu.dma_semaphore, #tpu.memory_space<semaphore_mem>>)
      %dma_wait3A = arith.constant 0 : i32
      %dma_wait3A_44 = tpu.memref_slice %arg6[%add3A_40, %dma_wait3A] : memref<10240x8xf32, #tpu.memory_space<vmem_shared>> -> memref<128x8xf32, #tpu.memory_space<vmem_shared>>
      %dma_wait3A_45 = arith.constant 0 : i32
      %dma_wait3A_46 = tpu.memref_slice %arg6[%add3A_40, %dma_wait3A_45] : memref<10240x8xf32, #tpu.memory_space<vmem_shared>> -> memref<128x8xf32, #tpu.memory_space<vmem_shared>>
      tpu.wait_dma2 semaphore(%run_scoped3A : memref<!tpu.dma_semaphore, #tpu.memory_space<semaphore_mem>>) src(%dma_wait3A_46 : memref<128x8xf32, #tpu.memory_space<vmem_shared>>) dst(%arg5 : memref<128x8xf32, #tpu.memory_space<vmem>>)
      tpu.yield
    }) : () -> ()
    "tpu.region"() ({
      %run_scoped3A = tpu.sem_alloc : memref<!tpu.dma_semaphore, #tpu.memory_space<semaphore_mem>>
      %dma_start3A = arith.constant 0 : i32
      %dma_start3A_41 = tpu.memref_slice %arg3[%arg0, %add3A_40, %dma_start3A] : memref<2x10240x8xf32, #tpu.memory_space<hbm>> -> memref<1x128x8xf32, #tpu.memory_space<hbm>>
      %dma_start3A_42 = tpu.memref_squeeze %dma_start3A_41 : memref<1x128x8xf32, #tpu.memory_space<hbm>> -> memref<128x8xf32, #tpu.memory_space<hbm>>
      %dma_start3A_43 = arith.constant 0 : i32
      %dma_start3A_44 = tpu.memref_slice %arg3[%arg0, %add3A_40, %dma_start3A_43] : memref<2x10240x8xf32, #tpu.memory_space<hbm>> -> memref<1x128x8xf32, #tpu.memory_space<hbm>>
      %dma_start3A_45 = tpu.memref_squeeze %dma_start3A_44 : memref<1x128x8xf32, #tpu.memory_space<hbm>> -> memref<128x8xf32, #tpu.memory_space<hbm>>
      tpu.enqueue_dma source(%arg5 : memref<128x8xf32, #tpu.memory_space<vmem>>) target(%dma_start3A_45 : memref<128x8xf32, #tpu.memory_space<hbm>>) target_semaphore(%run_scoped3A : memref<!tpu.dma_semaphore, #tpu.memory_space<semaphore_mem>>)
      %dma_wait3A = arith.constant 0 : i32
      %dma_wait3A_46 = tpu.memref_slice %arg3[%arg0, %add3A_40, %dma_wait3A] : memref<2x10240x8xf32, #tpu.memory_space<hbm>> -> memref<1x128x8xf32, #tpu.memory_space<hbm>>
      %dma_wait3A_47 = tpu.memref_squeeze %dma_wait3A_46 : memref<1x128x8xf32, #tpu.memory_space<hbm>> -> memref<128x8xf32, #tpu.memory_space<hbm>>
      %dma_wait3A_48 = arith.constant 0 : i32
      %dma_wait3A_49 = tpu.memref_slice %arg3[%arg0, %add3A_40, %dma_wait3A_48] : memref<2x10240x8xf32, #tpu.memory_space<hbm>> -> memref<1x128x8xf32, #tpu.memory_space<hbm>>
      %dma_wait3A_50 = tpu.memref_squeeze %dma_wait3A_49 : memref<1x128x8xf32, #tpu.memory_space<hbm>> -> memref<128x8xf32, #tpu.memory_space<hbm>>
      tpu.wait_dma2 semaphore(%run_scoped3A : memref<!tpu.dma_semaphore, #tpu.memory_space<semaphore_mem>>) src(%arg5 : memref<128x8xf32, #tpu.memory_space<vmem>>) dst(%dma_wait3A_50 : memref<128x8xf32, #tpu.memory_space<hbm>>)
      tpu.yield
    }) : () -> ()
    return
  }
}

#map = affine_map<(d0, d1) -> (0, 0)>
#map1 = affine_map<(d0, d1) -> (0, 0, 0, 0)>
#map2 = affine_map<(d0, d1) -> (0, 0, 0)>
module attributes {stable_mosaic.version = 14 : i64} {
  func.func @body(%arg0: i32, %arg1: i32, %arg2: memref<10240x32xf32, #tpu.memory_space<hbm>>, %arg3: memref<10240x32xf32, #tpu.memory_space<hbm>>, %arg4: memref<16x160x2x128xi32, #tpu.memory_space<hbm>>, %arg5: memref<2x10240x32xf32, #tpu.memory_space<hbm>>, %arg6: memref<2x128xi32, #tpu.memory_space<vmem>>, %arg7: memref<2x128xi32, #tpu.memory_space<vmem>>, %arg8: memref<128x32xf32, #tpu.memory_space<vmem>>, %arg9: memref<128x32xf32, #tpu.memory_space<vmem>>, %arg10: memref<10240x32xf32, #tpu.memory_space<vmem_shared>>, %arg11: memref<10240x32xf32, #tpu.memory_space<vmem_shared>>, %arg12: memref<!tpu.dma_semaphore, #tpu.memory_space<semaphore_mem>>, %arg13: memref<!tpu.dma_semaphore, #tpu.memory_space<semaphore_mem>>, %arg14: memref<!tpu.dma_semaphore, #tpu.memory_space<semaphore_mem>>, %arg15: memref<!tpu.dma_semaphore, #tpu.memory_space<semaphore_mem>>) attributes {dimension_semantics = [#tpu.dimension_semantics<core_parallel>, #tpu.dimension_semantics<subcore_parallel>], iteration_bounds = array<i64: 2, 16>, scalar_prefetch = 0 : i64, scratch_operands = 10 : i64, tpu.core_type = #tpu.core_type<sc_vector_subcore>, window_params = [{transform_indices = #map}, {transform_indices = #map}, {transform_indices = #map1}, {transform_indices = #map2}]} {
    %mul3A = arith.constant 640 : i32
    %mul3A_0 = arith.muli %arg1, %mul3A : i32
    %scan3A = arith.constant 0.000000e+00 : f32
    %scan3A_1 = arith.constant 0 : i32
    %scan3A_2 = arith.constant 128 : i32
    %scan3A_3 = arith.addi %scan3A_1, %scan3A_2 : i32
    %scan3A_4 = arith.constant 1 : i32
    scf.for %scan3A_39 = %scan3A_1 to %scan3A_3 step %scan3A_4  : i32 {
      %broadcast_in_dim3A = vector.broadcast %scan3A : f32 to vector<16xf32>
      %swap3A = arith.index_cast %scan3A_39 : i32 to index
      %swap3A_40 = arith.constant 0 : index
      %swap3A_41 = tpu.vector_load %arg8[%swap3A, %swap3A_40] {strides = array<i32>} : memref<128x32xf32, #tpu.memory_space<vmem>>, vector<1x16xf32>,
      %swap3A_42 = vector.shape_cast %swap3A_41 : vector<1x16xf32> to vector<16xf32>
      %swap3A_43 = vector.shape_cast %broadcast_in_dim3A : vector<16xf32> to vector<1x16xf32>
      tpu.vector_store %arg8[%swap3A, %swap3A_40], %swap3A_43 {strides = array<i32>} : memref<128x32xf32, #tpu.memory_space<vmem>>, vector<1x16xf32>,
      %broadcast_in_dim3A_44 = vector.broadcast %scan3A : f32 to vector<16xf32>
      %swap3A_45 = arith.index_cast %scan3A_39 : i32 to index
      %swap3A_46 = arith.constant 16 : index
      %swap3A_47 = tpu.vector_load %arg8[%swap3A_45, %swap3A_46] {strides = array<i32>} : memref<128x32xf32, #tpu.memory_space<vmem>>, vector<1x16xf32>,
      %swap3A_48 = vector.shape_cast %swap3A_47 : vector<1x16xf32> to vector<16xf32>
      %swap3A_49 = vector.shape_cast %broadcast_in_dim3A_44 : vector<16xf32> to vector<1x16xf32>
      tpu.vector_store %arg8[%swap3A_45, %swap3A_46], %swap3A_49 {strides = array<i32>} : memref<128x32xf32, #tpu.memory_space<vmem>>, vector<1x16xf32>,
    }
    %scan3A_5 = arith.constant 128 : i32
    %add3A = arith.constant 0 : i32
    %add3A_6 = arith.addi %mul3A_0, %add3A : i32
    "tpu.region"() ({
      %run_scoped3A = tpu.sem_alloc : memref<!tpu.dma_semaphore, #tpu.memory_space<semaphore_mem>>
      %dma_start3A = arith.constant 0 : i32
      %dma_start3A_39 = tpu.memref_slice %arg11[%add3A_6, %dma_start3A] : memref<10240x32xf32, #tpu.memory_space<vmem_shared>> -> memref<128x32xf32, #tpu.memory_space<vmem_shared>>
      %dma_start3A_40 = arith.constant 0 : i32
      %dma_start3A_41 = tpu.memref_slice %arg11[%add3A_6, %dma_start3A_40] : memref<10240x32xf32, #tpu.memory_space<vmem_shared>> -> memref<128x32xf32, #tpu.memory_space<vmem_shared>>
      tpu.enqueue_dma source(%arg8 : memref<128x32xf32, #tpu.memory_space<vmem>>) target(%dma_start3A_41 : memref<128x32xf32, #tpu.memory_space<vmem_shared>>) target_semaphore(%run_scoped3A : memref<!tpu.dma_semaphore, #tpu.memory_space<semaphore_mem>>)
      %dma_wait3A = arith.constant 0 : i32
      %dma_wait3A_42 = tpu.memref_slice %arg11[%add3A_6, %dma_wait3A] : memref<10240x32xf32, #tpu.memory_space<vmem_shared>> -> memref<128x32xf32, #tpu.memory_space<vmem_shared>>
      %dma_wait3A_43 = arith.constant 0 : i32
      %dma_wait3A_44 = tpu.memref_slice %arg11[%add3A_6, %dma_wait3A_43] : memref<10240x32xf32, #tpu.memory_space<vmem_shared>> -> memref<128x32xf32, #tpu.memory_space<vmem_shared>>
      tpu.wait_dma2 semaphore(%run_scoped3A : memref<!tpu.dma_semaphore, #tpu.memory_space<semaphore_mem>>) src(%arg8 : memref<128x32xf32, #tpu.memory_space<vmem>>) dst(%dma_wait3A_44 : memref<128x32xf32, #tpu.memory_space<vmem_shared>>)
      tpu.yield
    }) : () -> ()
    %add3A_7 = arith.constant 128 : i32
    %add3A_8 = arith.addi %mul3A_0, %add3A_7 : i32
    "tpu.region"() ({
      %run_scoped3A = tpu.sem_alloc : memref<!tpu.dma_semaphore, #tpu.memory_space<semaphore_mem>>
      %dma_start3A = arith.constant 0 : i32
      %dma_start3A_39 = tpu.memref_slice %arg11[%add3A_8, %dma_start3A] : memref<10240x32xf32, #tpu.memory_space<vmem_shared>> -> memref<128x32xf32, #tpu.memory_space<vmem_shared>>
      %dma_start3A_40 = arith.constant 0 : i32
      %dma_start3A_41 = tpu.memref_slice %arg11[%add3A_8, %dma_start3A_40] : memref<10240x32xf32, #tpu.memory_space<vmem_shared>> -> memref<128x32xf32, #tpu.memory_space<vmem_shared>>
      tpu.enqueue_dma source(%arg8 : memref<128x32xf32, #tpu.memory_space<vmem>>) target(%dma_start3A_41 : memref<128x32xf32, #tpu.memory_space<vmem_shared>>) target_semaphore(%run_scoped3A : memref<!tpu.dma_semaphore, #tpu.memory_space<semaphore_mem>>)
      %dma_wait3A = arith.constant 0 : i32
      %dma_wait3A_42 = tpu.memref_slice %arg11[%add3A_8, %dma_wait3A] : memref<10240x32xf32, #tpu.memory_space<vmem_shared>> -> memref<128x32xf32, #tpu.memory_space<vmem_shared>>
      %dma_wait3A_43 = arith.constant 0 : i32
      %dma_wait3A_44 = tpu.memref_slice %arg11[%add3A_8, %dma_wait3A_43] : memref<10240x32xf32, #tpu.memory_space<vmem_shared>> -> memref<128x32xf32, #tpu.memory_space<vmem_shared>>
      tpu.wait_dma2 semaphore(%run_scoped3A : memref<!tpu.dma_semaphore, #tpu.memory_space<semaphore_mem>>) src(%arg8 : memref<128x32xf32, #tpu.memory_space<vmem>>) dst(%dma_wait3A_44 : memref<128x32xf32, #tpu.memory_space<vmem_shared>>)
      tpu.yield
    }) : () -> ()
    %add3A_9 = arith.constant 256 : i32
    %add3A_10 = arith.addi %mul3A_0, %add3A_9 : i32
    "tpu.region"() ({
      %run_scoped3A = tpu.sem_alloc : memref<!tpu.dma_semaphore, #tpu.memory_space<semaphore_mem>>
      %dma_start3A = arith.constant 0 : i32
      %dma_start3A_39 = tpu.memref_slice %arg11[%add3A_10, %dma_start3A] : memref<10240x32xf32, #tpu.memory_space<vmem_shared>> -> memref<128x32xf32, #tpu.memory_space<vmem_shared>>
      %dma_start3A_40 = arith.constant 0 : i32
      %dma_start3A_41 = tpu.memref_slice %arg11[%add3A_10, %dma_start3A_40] : memref<10240x32xf32, #tpu.memory_space<vmem_shared>> -> memref<128x32xf32, #tpu.memory_space<vmem_shared>>
      tpu.enqueue_dma source(%arg8 : memref<128x32xf32, #tpu.memory_space<vmem>>) target(%dma_start3A_41 : memref<128x32xf32, #tpu.memory_space<vmem_shared>>) target_semaphore(%run_scoped3A : memref<!tpu.dma_semaphore, #tpu.memory_space<semaphore_mem>>)
      %dma_wait3A = arith.constant 0 : i32
      %dma_wait3A_42 = tpu.memref_slice %arg11[%add3A_10, %dma_wait3A] : memref<10240x32xf32, #tpu.memory_space<vmem_shared>> -> memref<128x32xf32, #tpu.memory_space<vmem_shared>>
      %dma_wait3A_43 = arith.constant 0 : i32
      %dma_wait3A_44 = tpu.memref_slice %arg11[%add3A_10, %dma_wait3A_43] : memref<10240x32xf32, #tpu.memory_space<vmem_shared>> -> memref<128x32xf32, #tpu.memory_space<vmem_shared>>
      tpu.wait_dma2 semaphore(%run_scoped3A : memref<!tpu.dma_semaphore, #tpu.memory_space<semaphore_mem>>) src(%arg8 : memref<128x32xf32, #tpu.memory_space<vmem>>) dst(%dma_wait3A_44 : memref<128x32xf32, #tpu.memory_space<vmem_shared>>)
      tpu.yield
    }) : () -> ()
    %add3A_11 = arith.constant 384 : i32
    %add3A_12 = arith.addi %mul3A_0, %add3A_11 : i32
    "tpu.region"() ({
      %run_scoped3A = tpu.sem_alloc : memref<!tpu.dma_semaphore, #tpu.memory_space<semaphore_mem>>
      %dma_start3A = arith.constant 0 : i32
      %dma_start3A_39 = tpu.memref_slice %arg11[%add3A_12, %dma_start3A] : memref<10240x32xf32, #tpu.memory_space<vmem_shared>> -> memref<128x32xf32, #tpu.memory_space<vmem_shared>>
      %dma_start3A_40 = arith.constant 0 : i32
      %dma_start3A_41 = tpu.memref_slice %arg11[%add3A_12, %dma_start3A_40] : memref<10240x32xf32, #tpu.memory_space<vmem_shared>> -> memref<128x32xf32, #tpu.memory_space<vmem_shared>>
      tpu.enqueue_dma source(%arg8 : memref<128x32xf32, #tpu.memory_space<vmem>>) target(%dma_start3A_41 : memref<128x32xf32, #tpu.memory_space<vmem_shared>>) target_semaphore(%run_scoped3A : memref<!tpu.dma_semaphore, #tpu.memory_space<semaphore_mem>>)
      %dma_wait3A = arith.constant 0 : i32
      %dma_wait3A_42 = tpu.memref_slice %arg11[%add3A_12, %dma_wait3A] : memref<10240x32xf32, #tpu.memory_space<vmem_shared>> -> memref<128x32xf32, #tpu.memory_space<vmem_shared>>
      %dma_wait3A_43 = arith.constant 0 : i32
      %dma_wait3A_44 = tpu.memref_slice %arg11[%add3A_12, %dma_wait3A_43] : memref<10240x32xf32, #tpu.memory_space<vmem_shared>> -> memref<128x32xf32, #tpu.memory_space<vmem_shared>>
      tpu.wait_dma2 semaphore(%run_scoped3A : memref<!tpu.dma_semaphore, #tpu.memory_space<semaphore_mem>>) src(%arg8 : memref<128x32xf32, #tpu.memory_space<vmem>>) dst(%dma_wait3A_44 : memref<128x32xf32, #tpu.memory_space<vmem_shared>>)
      tpu.yield
    }) : () -> ()
    %add3A_13 = arith.constant 512 : i32
    %add3A_14 = arith.addi %mul3A_0, %add3A_13 : i32
    "tpu.region"() ({
      %run_scoped3A = tpu.sem_alloc : memref<!tpu.dma_semaphore, #tpu.memory_space<semaphore_mem>>
      %dma_start3A = arith.constant 0 : i32
      %dma_start3A_39 = tpu.memref_slice %arg11[%add3A_14, %dma_start3A] : memref<10240x32xf32, #tpu.memory_space<vmem_shared>> -> memref<128x32xf32, #tpu.memory_space<vmem_shared>>
      %dma_start3A_40 = arith.constant 0 : i32
      %dma_start3A_41 = tpu.memref_slice %arg11[%add3A_14, %dma_start3A_40] : memref<10240x32xf32, #tpu.memory_space<vmem_shared>> -> memref<128x32xf32, #tpu.memory_space<vmem_shared>>
      tpu.enqueue_dma source(%arg8 : memref<128x32xf32, #tpu.memory_space<vmem>>) target(%dma_start3A_41 : memref<128x32xf32, #tpu.memory_space<vmem_shared>>) target_semaphore(%run_scoped3A : memref<!tpu.dma_semaphore, #tpu.memory_space<semaphore_mem>>)
      %dma_wait3A = arith.constant 0 : i32
      %dma_wait3A_42 = tpu.memref_slice %arg11[%add3A_14, %dma_wait3A] : memref<10240x32xf32, #tpu.memory_space<vmem_shared>> -> memref<128x32xf32, #tpu.memory_space<vmem_shared>>
      %dma_wait3A_43 = arith.constant 0 : i32
      %dma_wait3A_44 = tpu.memref_slice %arg11[%add3A_14, %dma_wait3A_43] : memref<10240x32xf32, #tpu.memory_space<vmem_shared>> -> memref<128x32xf32, #tpu.memory_space<vmem_shared>>
      tpu.wait_dma2 semaphore(%run_scoped3A : memref<!tpu.dma_semaphore, #tpu.memory_space<semaphore_mem>>) src(%arg8 : memref<128x32xf32, #tpu.memory_space<vmem>>) dst(%dma_wait3A_44 : memref<128x32xf32, #tpu.memory_space<vmem_shared>>)
      tpu.yield
    }) : () -> ()
    %eq3A = arith.constant 0 : i32
    %eq3A_15 = arith.cmpi eq, %arg0, %eq3A : i32
    %convert_element_type3A = arith.extui %eq3A_15 : i1 to i32
    %cond3A = arith.constant 0 : i32
    %cond3A_16 = arith.cmpi ne, %convert_element_type3A, %cond3A : i32
    scf.if %cond3A_16 {
      "tpu.region"() ({
        %run_scoped3A = tpu.sem_alloc : memref<!tpu.dma_semaphore, #tpu.memory_space<semaphore_mem>>
        %dma_start3A = arith.constant 0 : i32
        %dma_start3A_39 = tpu.memref_slice %arg10[%mul3A_0, %dma_start3A] : memref<10240x32xf32, #tpu.memory_space<vmem_shared>> -> memref<640x32xf32, #tpu.memory_space<vmem_shared>>
        %dma_start3A_40 = arith.constant 0 : i32
        %dma_start3A_41 = tpu.memref_slice %arg2[%mul3A_0, %dma_start3A_40] : memref<10240x32xf32, #tpu.memory_space<hbm>> -> memref<640x32xf32, #tpu.memory_space<hbm>>
        tpu.enqueue_dma source(%dma_start3A_41 : memref<640x32xf32, #tpu.memory_space<hbm>>) target(%dma_start3A_39 : memref<640x32xf32, #tpu.memory_space<vmem_shared>>) target_semaphore(%run_scoped3A : memref<!tpu.dma_semaphore, #tpu.memory_space<semaphore_mem>>)
        %dma_wait3A = arith.constant 0 : i32
        %dma_wait3A_42 = tpu.memref_slice %arg10[%mul3A_0, %dma_wait3A] : memref<10240x32xf32, #tpu.memory_space<vmem_shared>> -> memref<640x32xf32, #tpu.memory_space<vmem_shared>>
        %dma_wait3A_43 = arith.constant 0 : i32
        %dma_wait3A_44 = tpu.memref_slice %arg2[%mul3A_0, %dma_wait3A_43] : memref<10240x32xf32, #tpu.memory_space<hbm>> -> memref<640x32xf32, #tpu.memory_space<hbm>>
        tpu.wait_dma2 semaphore(%run_scoped3A : memref<!tpu.dma_semaphore, #tpu.memory_space<semaphore_mem>>) src(%dma_wait3A_44 : memref<640x32xf32, #tpu.memory_space<hbm>>) dst(%dma_wait3A_42 : memref<640x32xf32, #tpu.memory_space<vmem_shared>>)
        tpu.yield
      }) : () -> ()
    } else {
    }
    %eq3A_17 = arith.constant 1 : i32
    %eq3A_18 = arith.cmpi eq, %arg0, %eq3A_17 : i32
    %convert_element_type3A_19 = arith.extui %eq3A_18 : i1 to i32
    %cond3A_20 = arith.constant 0 : i32
    %cond3A_21 = arith.cmpi ne, %convert_element_type3A_19, %cond3A_20 : i32
    scf.if %cond3A_21 {
      "tpu.region"() ({
        %run_scoped3A = tpu.sem_alloc : memref<!tpu.dma_semaphore, #tpu.memory_space<semaphore_mem>>
        %dma_start3A = arith.constant 0 : i32
        %dma_start3A_39 = tpu.memref_slice %arg10[%mul3A_0, %dma_start3A] : memref<10240x32xf32, #tpu.memory_space<vmem_shared>> -> memref<640x32xf32, #tpu.memory_space<vmem_shared>>
        %dma_start3A_40 = arith.constant 0 : i32
        %dma_start3A_41 = tpu.memref_slice %arg3[%mul3A_0, %dma_start3A_40] : memref<10240x32xf32, #tpu.memory_space<hbm>> -> memref<640x32xf32, #tpu.memory_space<hbm>>
        tpu.enqueue_dma source(%dma_start3A_41 : memref<640x32xf32, #tpu.memory_space<hbm>>) target(%dma_start3A_39 : memref<640x32xf32, #tpu.memory_space<vmem_shared>>) target_semaphore(%run_scoped3A : memref<!tpu.dma_semaphore, #tpu.memory_space<semaphore_mem>>)
        %dma_wait3A = arith.constant 0 : i32
        %dma_wait3A_42 = tpu.memref_slice %arg10[%mul3A_0, %dma_wait3A] : memref<10240x32xf32, #tpu.memory_space<vmem_shared>> -> memref<640x32xf32, #tpu.memory_space<vmem_shared>>
        %dma_wait3A_43 = arith.constant 0 : i32
        %dma_wait3A_44 = tpu.memref_slice %arg3[%mul3A_0, %dma_wait3A_43] : memref<10240x32xf32, #tpu.memory_space<hbm>> -> memref<640x32xf32, #tpu.memory_space<hbm>>
        tpu.wait_dma2 semaphore(%run_scoped3A : memref<!tpu.dma_semaphore, #tpu.memory_space<semaphore_mem>>) src(%dma_wait3A_44 : memref<640x32xf32, #tpu.memory_space<hbm>>) dst(%dma_wait3A_42 : memref<640x32xf32, #tpu.memory_space<vmem_shared>>)
        tpu.yield
      }) : () -> ()
    } else {
    }
    %barrier3A = arith.constant 0 : index
    tpu.barrier barrier_id(%barrier3A)
    %scan3A_22 = arith.constant 0 : i32
    %scan3A_23 = arith.constant 0 : i32
    %scan3A_24 = arith.constant 158 : i32
    %scan3A_25 = arith.addi %scan3A_23, %scan3A_24 : i32
    %scan3A_26 = arith.constant 1 : i32
    scf.for %scan3A_39 = %scan3A_23 to %scan3A_25 step %scan3A_26  : i32 {
      "tpu.region"() ({
        %run_scoped3A_52 = tpu.sem_alloc : memref<!tpu.dma_semaphore, #tpu.memory_space<semaphore_mem>>
        %dma_start3A_53 = arith.constant 0 : i32
        %dma_start3A_54 = arith.constant 0 : i32
        %dma_start3A_55 = tpu.memref_slice %arg4[%arg1, %scan3A_39, %dma_start3A_53, %dma_start3A_54] : memref<16x160x2x128xi32, #tpu.memory_space<hbm>> -> memref<1x1x2x128xi32, #tpu.memory_space<hbm>>
        %dma_start3A_56 = tpu.memref_squeeze %dma_start3A_55 : memref<1x1x2x128xi32, #tpu.memory_space<hbm>> -> memref<2x128xi32, #tpu.memory_space<hbm>>
        %dma_start3A_57 = arith.constant 0 : i32
        %dma_start3A_58 = arith.constant 0 : i32
        %dma_start3A_59 = tpu.memref_slice %arg4[%arg1, %scan3A_39, %dma_start3A_57, %dma_start3A_58] : memref<16x160x2x128xi32, #tpu.memory_space<hbm>> -> memref<1x1x2x128xi32, #tpu.memory_space<hbm>>
        %dma_start3A_60 = tpu.memref_squeeze %dma_start3A_59 : memref<1x1x2x128xi32, #tpu.memory_space<hbm>> -> memref<2x128xi32, #tpu.memory_space<hbm>>
        tpu.enqueue_dma source(%dma_start3A_60 : memref<2x128xi32, #tpu.memory_space<hbm>>) target(%arg6 : memref<2x128xi32, #tpu.memory_space<vmem>>) target_semaphore(%run_scoped3A_52 : memref<!tpu.dma_semaphore, #tpu.memory_space<semaphore_mem>>)
        %dma_wait3A_61 = arith.constant 0 : i32
        %dma_wait3A_62 = arith.constant 0 : i32
        %dma_wait3A_63 = tpu.memref_slice %arg4[%arg1, %scan3A_39, %dma_wait3A_61, %dma_wait3A_62] : memref<16x160x2x128xi32, #tpu.memory_space<hbm>> -> memref<1x1x2x128xi32, #tpu.memory_space<hbm>>
        %dma_wait3A_64 = tpu.memref_squeeze %dma_wait3A_63 : memref<1x1x2x128xi32, #tpu.memory_space<hbm>> -> memref<2x128xi32, #tpu.memory_space<hbm>>
        %dma_wait3A_65 = arith.constant 0 : i32
        %dma_wait3A_66 = arith.constant 0 : i32
        %dma_wait3A_67 = tpu.memref_slice %arg4[%arg1, %scan3A_39, %dma_wait3A_65, %dma_wait3A_66] : memref<16x160x2x128xi32, #tpu.memory_space<hbm>> -> memref<1x1x2x128xi32, #tpu.memory_space<hbm>>
        %dma_wait3A_68 = tpu.memref_squeeze %dma_wait3A_67 : memref<1x1x2x128xi32, #tpu.memory_space<hbm>> -> memref<2x128xi32, #tpu.memory_space<hbm>>
        tpu.wait_dma2 semaphore(%run_scoped3A_52 : memref<!tpu.dma_semaphore, #tpu.memory_space<semaphore_mem>>) src(%dma_wait3A_68 : memref<2x128xi32, #tpu.memory_space<hbm>>) dst(%arg6 : memref<2x128xi32, #tpu.memory_space<vmem>>)
        tpu.yield
      }) : () -> ()
      %dma_start3A = arith.constant 0 : i32
      %dma_start3A_40 = arith.constant 0 : i32
      %dma_start3A_41 = tpu.memref_slice %arg6[%dma_start3A, %dma_start3A_40] : memref<2x128xi32, #tpu.memory_space<vmem>> -> memref<1x128xi32, #tpu.memory_space<vmem>>
      %dma_start3A_42 = tpu.memref_squeeze %dma_start3A_41 : memref<1x128xi32, #tpu.memory_space<vmem>> -> memref<128xi32, #tpu.memory_space<vmem>>
      %dma_start3A_43 = arith.constant 0 : i32
      %dma_start3A_44 = arith.constant 0 : i32
      %dma_start3A_45 = tpu.memref_slice %arg10[%dma_start3A_43, %dma_start3A_44] : memref<10240x32xf32, #tpu.memory_space<vmem_shared>> -> memref<10240x32xf32, #tpu.memory_space<vmem_shared>>
      tpu.enqueue_indirect_dma source(%dma_start3A_45 : memref<10240x32xf32, #tpu.memory_space<vmem_shared>>) target(%arg8 : memref<128x32xf32, #tpu.memory_space<vmem>>) offsets(%dma_start3A_42 : memref<128xi32, #tpu.memory_space<vmem>>) semaphore(%arg14 : memref<!tpu.dma_semaphore, #tpu.memory_space<semaphore_mem>>)
      %dma_wait3A = arith.constant 0 : i32
      %dma_wait3A_46 = arith.constant 0 : i32
      %dma_wait3A_47 = tpu.memref_slice %arg6[%dma_wait3A, %dma_wait3A_46] : memref<2x128xi32, #tpu.memory_space<vmem>> -> memref<1x128xi32, #tpu.memory_space<vmem>>
      %dma_wait3A_48 = tpu.memref_squeeze %dma_wait3A_47 : memref<1x128xi32, #tpu.memory_space<vmem>> -> memref<128xi32, #tpu.memory_space<vmem>>
      %dma_wait3A_49 = arith.constant 0 : i32
      %dma_wait3A_50 = arith.constant 0 : i32
      %dma_wait3A_51 = tpu.memref_slice %arg10[%dma_wait3A_49, %dma_wait3A_50] : memref<10240x32xf32, #tpu.memory_space<vmem_shared>> -> memref<10240x32xf32, #tpu.memory_space<vmem_shared>>
      tpu.wait_indirect_dma semaphore(%arg14 : memref<!tpu.dma_semaphore, #tpu.memory_space<semaphore_mem>>) src(%dma_wait3A_51 : memref<10240x32xf32, #tpu.memory_space<vmem_shared>>) dst(%arg8 : memref<128x32xf32, #tpu.memory_space<vmem>>)
      %run_scoped3A = arith.constant 1 : i32
      "tpu.region"() ({
        %run_scoped3A_52 = tpu.sem_alloc : memref<!tpu.dma_semaphore, #tpu.memory_space<semaphore_mem>>
        %dma_start3A_53 = arith.constant 0 : i32
        %dma_start3A_54 = tpu.memref_slice %arg6[%run_scoped3A, %dma_start3A_53] : memref<2x128xi32, #tpu.memory_space<vmem>> -> memref<1x128xi32, #tpu.memory_space<vmem>>
        %dma_start3A_55 = tpu.memref_squeeze %dma_start3A_54 : memref<1x128xi32, #tpu.memory_space<vmem>> -> memref<128xi32, #tpu.memory_space<vmem>>
        %dma_start3A_56 = arith.constant 0 : i32
        %dma_start3A_57 = arith.constant 0 : i32
        %dma_start3A_58 = tpu.memref_slice %arg11[%dma_start3A_56, %dma_start3A_57] : memref<10240x32xf32, #tpu.memory_space<vmem_shared>> -> memref<10240x32xf32, #tpu.memory_space<vmem_shared>>
        tpu.enqueue_indirect_dma source(%arg8 : memref<128x32xf32, #tpu.memory_space<vmem>>) target(%dma_start3A_58 : memref<10240x32xf32, #tpu.memory_space<vmem_shared>>) offsets(%dma_start3A_55 : memref<128xi32, #tpu.memory_space<vmem>>) semaphore(%run_scoped3A_52 : memref<!tpu.dma_semaphore, #tpu.memory_space<semaphore_mem>>) {add = true}
        %dma_wait3A_59 = arith.constant 0 : i32
        %dma_wait3A_60 = tpu.memref_slice %arg6[%run_scoped3A, %dma_wait3A_59] : memref<2x128xi32, #tpu.memory_space<vmem>> -> memref<1x128xi32, #tpu.memory_space<vmem>>
        %dma_wait3A_61 = tpu.memref_squeeze %dma_wait3A_60 : memref<1x128xi32, #tpu.memory_space<vmem>> -> memref<128xi32, #tpu.memory_space<vmem>>
        %dma_wait3A_62 = arith.constant 0 : i32
        %dma_wait3A_63 = arith.constant 0 : i32
        %dma_wait3A_64 = tpu.memref_slice %arg11[%dma_wait3A_62, %dma_wait3A_63] : memref<10240x32xf32, #tpu.memory_space<vmem_shared>> -> memref<10240x32xf32, #tpu.memory_space<vmem_shared>>
        tpu.wait_indirect_dma semaphore(%run_scoped3A_52 : memref<!tpu.dma_semaphore, #tpu.memory_space<semaphore_mem>>) src(%arg8 : memref<128x32xf32, #tpu.memory_space<vmem>>) dst(%dma_wait3A_64 : memref<10240x32xf32, #tpu.memory_space<vmem_shared>>)
        tpu.yield
      }) : () -> ()
    }
    %scan3A_27 = arith.constant 158 : i32
    %barrier3A_28 = arith.constant 0 : index
    tpu.barrier barrier_id(%barrier3A_28)
    %add3A_29 = arith.constant 0 : i32
    %add3A_30 = arith.addi %mul3A_0, %add3A_29 : i32
    "tpu.region"() ({
      %run_scoped3A = tpu.sem_alloc : memref<!tpu.dma_semaphore, #tpu.memory_space<semaphore_mem>>
      %dma_start3A = arith.constant 0 : i32
      %dma_start3A_39 = tpu.memref_slice %arg11[%add3A_30, %dma_start3A] : memref<10240x32xf32, #tpu.memory_space<vmem_shared>> -> memref<128x32xf32, #tpu.memory_space<vmem_shared>>
      %dma_start3A_40 = arith.constant 0 : i32
      %dma_start3A_41 = tpu.memref_slice %arg11[%add3A_30, %dma_start3A_40] : memref<10240x32xf32, #tpu.memory_space<vmem_shared>> -> memref<128x32xf32, #tpu.memory_space<vmem_shared>>
      tpu.enqueue_dma source(%dma_start3A_41 : memref<128x32xf32, #tpu.memory_space<vmem_shared>>) target(%arg8 : memref<128x32xf32, #tpu.memory_space<vmem>>) target_semaphore(%run_scoped3A : memref<!tpu.dma_semaphore, #tpu.memory_space<semaphore_mem>>)
      %dma_wait3A = arith.constant 0 : i32
      %dma_wait3A_42 = tpu.memref_slice %arg11[%add3A_30, %dma_wait3A] : memref<10240x32xf32, #tpu.memory_space<vmem_shared>> -> memref<128x32xf32, #tpu.memory_space<vmem_shared>>
      %dma_wait3A_43 = arith.constant 0 : i32
      %dma_wait3A_44 = tpu.memref_slice %arg11[%add3A_30, %dma_wait3A_43] : memref<10240x32xf32, #tpu.memory_space<vmem_shared>> -> memref<128x32xf32, #tpu.memory_space<vmem_shared>>
      tpu.wait_dma2 semaphore(%run_scoped3A : memref<!tpu.dma_semaphore, #tpu.memory_space<semaphore_mem>>) src(%dma_wait3A_44 : memref<128x32xf32, #tpu.memory_space<vmem_shared>>) dst(%arg8 : memref<128x32xf32, #tpu.memory_space<vmem>>)
      tpu.yield
    }) : () -> ()
    "tpu.region"() ({
      %run_scoped3A = tpu.sem_alloc : memref<!tpu.dma_semaphore, #tpu.memory_space<semaphore_mem>>
      %dma_start3A = arith.constant 0 : i32
      %dma_start3A_39 = tpu.memref_slice %arg5[%arg0, %add3A_30, %dma_start3A] : memref<2x10240x32xf32, #tpu.memory_space<hbm>> -> memref<1x128x32xf32, #tpu.memory_space<hbm>>
      %dma_start3A_40 = tpu.memref_squeeze %dma_start3A_39 : memref<1x128x32xf32, #tpu.memory_space<hbm>> -> memref<128x32xf32, #tpu.memory_space<hbm>>
      %dma_start3A_41 = arith.constant 0 : i32
      %dma_start3A_42 = tpu.memref_slice %arg5[%arg0, %add3A_30, %dma_start3A_41] : memref<2x10240x32xf32, #tpu.memory_space<hbm>> -> memref<1x128x32xf32, #tpu.memory_space<hbm>>
      %dma_start3A_43 = tpu.memref_squeeze %dma_start3A_42 : memref<1x128x32xf32, #tpu.memory_space<hbm>> -> memref<128x32xf32, #tpu.memory_space<hbm>>
      tpu.enqueue_dma source(%arg8 : memref<128x32xf32, #tpu.memory_space<vmem>>) target(%dma_start3A_43 : memref<128x32xf32, #tpu.memory_space<hbm>>) target_semaphore(%run_scoped3A : memref<!tpu.dma_semaphore, #tpu.memory_space<semaphore_mem>>)
      %dma_wait3A = arith.constant 0 : i32
      %dma_wait3A_44 = tpu.memref_slice %arg5[%arg0, %add3A_30, %dma_wait3A] : memref<2x10240x32xf32, #tpu.memory_space<hbm>> -> memref<1x128x32xf32, #tpu.memory_space<hbm>>
      %dma_wait3A_45 = tpu.memref_squeeze %dma_wait3A_44 : memref<1x128x32xf32, #tpu.memory_space<hbm>> -> memref<128x32xf32, #tpu.memory_space<hbm>>
      %dma_wait3A_46 = arith.constant 0 : i32
      %dma_wait3A_47 = tpu.memref_slice %arg5[%arg0, %add3A_30, %dma_wait3A_46] : memref<2x10240x32xf32, #tpu.memory_space<hbm>> -> memref<1x128x32xf32, #tpu.memory_space<hbm>>
      %dma_wait3A_48 = tpu.memref_squeeze %dma_wait3A_47 : memref<1x128x32xf32, #tpu.memory_space<hbm>> -> memref<128x32xf32, #tpu.memory_space<hbm>>
      tpu.wait_dma2 semaphore(%run_scoped3A : memref<!tpu.dma_semaphore, #tpu.memory_space<semaphore_mem>>) src(%arg8 : memref<128x32xf32, #tpu.memory_space<vmem>>) dst(%dma_wait3A_48 : memref<128x32xf32, #tpu.memory_space<hbm>>)
      tpu.yield
    }) : () -> ()
    %add3A_31 = arith.constant 128 : i32
    %add3A_32 = arith.addi %mul3A_0, %add3A_31 : i32
    "tpu.region"() ({
      %run_scoped3A = tpu.sem_alloc : memref<!tpu.dma_semaphore, #tpu.memory_space<semaphore_mem>>
      %dma_start3A = arith.constant 0 : i32
      %dma_start3A_39 = tpu.memref_slice %arg11[%add3A_32, %dma_start3A] : memref<10240x32xf32, #tpu.memory_space<vmem_shared>> -> memref<128x32xf32, #tpu.memory_space<vmem_shared>>
      %dma_start3A_40 = arith.constant 0 : i32
      %dma_start3A_41 = tpu.memref_slice %arg11[%add3A_32, %dma_start3A_40] : memref<10240x32xf32, #tpu.memory_space<vmem_shared>> -> memref<128x32xf32, #tpu.memory_space<vmem_shared>>
      tpu.enqueue_dma source(%dma_start3A_41 : memref<128x32xf32, #tpu.memory_space<vmem_shared>>) target(%arg8 : memref<128x32xf32, #tpu.memory_space<vmem>>) target_semaphore(%run_scoped3A : memref<!tpu.dma_semaphore, #tpu.memory_space<semaphore_mem>>)
      %dma_wait3A = arith.constant 0 : i32
      %dma_wait3A_42 = tpu.memref_slice %arg11[%add3A_32, %dma_wait3A] : memref<10240x32xf32, #tpu.memory_space<vmem_shared>> -> memref<128x32xf32, #tpu.memory_space<vmem_shared>>
      %dma_wait3A_43 = arith.constant 0 : i32
      %dma_wait3A_44 = tpu.memref_slice %arg11[%add3A_32, %dma_wait3A_43] : memref<10240x32xf32, #tpu.memory_space<vmem_shared>> -> memref<128x32xf32, #tpu.memory_space<vmem_shared>>
      tpu.wait_dma2 semaphore(%run_scoped3A : memref<!tpu.dma_semaphore, #tpu.memory_space<semaphore_mem>>) src(%dma_wait3A_44 : memref<128x32xf32, #tpu.memory_space<vmem_shared>>) dst(%arg8 : memref<128x32xf32, #tpu.memory_space<vmem>>)
      tpu.yield
    }) : () -> ()
    "tpu.region"() ({
      %run_scoped3A = tpu.sem_alloc : memref<!tpu.dma_semaphore, #tpu.memory_space<semaphore_mem>>
      %dma_start3A = arith.constant 0 : i32
      %dma_start3A_39 = tpu.memref_slice %arg5[%arg0, %add3A_32, %dma_start3A] : memref<2x10240x32xf32, #tpu.memory_space<hbm>> -> memref<1x128x32xf32, #tpu.memory_space<hbm>>
      %dma_start3A_40 = tpu.memref_squeeze %dma_start3A_39 : memref<1x128x32xf32, #tpu.memory_space<hbm>> -> memref<128x32xf32, #tpu.memory_space<hbm>>
      %dma_start3A_41 = arith.constant 0 : i32
      %dma_start3A_42 = tpu.memref_slice %arg5[%arg0, %add3A_32, %dma_start3A_41] : memref<2x10240x32xf32, #tpu.memory_space<hbm>> -> memref<1x128x32xf32, #tpu.memory_space<hbm>>
      %dma_start3A_43 = tpu.memref_squeeze %dma_start3A_42 : memref<1x128x32xf32, #tpu.memory_space<hbm>> -> memref<128x32xf32, #tpu.memory_space<hbm>>
      tpu.enqueue_dma source(%arg8 : memref<128x32xf32, #tpu.memory_space<vmem>>) target(%dma_start3A_43 : memref<128x32xf32, #tpu.memory_space<hbm>>) target_semaphore(%run_scoped3A : memref<!tpu.dma_semaphore, #tpu.memory_space<semaphore_mem>>)
      %dma_wait3A = arith.constant 0 : i32
      %dma_wait3A_44 = tpu.memref_slice %arg5[%arg0, %add3A_32, %dma_wait3A] : memref<2x10240x32xf32, #tpu.memory_space<hbm>> -> memref<1x128x32xf32, #tpu.memory_space<hbm>>
      %dma_wait3A_45 = tpu.memref_squeeze %dma_wait3A_44 : memref<1x128x32xf32, #tpu.memory_space<hbm>> -> memref<128x32xf32, #tpu.memory_space<hbm>>
      %dma_wait3A_46 = arith.constant 0 : i32
      %dma_wait3A_47 = tpu.memref_slice %arg5[%arg0, %add3A_32, %dma_wait3A_46] : memref<2x10240x32xf32, #tpu.memory_space<hbm>> -> memref<1x128x32xf32, #tpu.memory_space<hbm>>
      %dma_wait3A_48 = tpu.memref_squeeze %dma_wait3A_47 : memref<1x128x32xf32, #tpu.memory_space<hbm>> -> memref<128x32xf32, #tpu.memory_space<hbm>>
      tpu.wait_dma2 semaphore(%run_scoped3A : memref<!tpu.dma_semaphore, #tpu.memory_space<semaphore_mem>>) src(%arg8 : memref<128x32xf32, #tpu.memory_space<vmem>>) dst(%dma_wait3A_48 : memref<128x32xf32, #tpu.memory_space<hbm>>)
      tpu.yield
    }) : () -> ()
    %add3A_33 = arith.constant 256 : i32
    %add3A_34 = arith.addi %mul3A_0, %add3A_33 : i32
    "tpu.region"() ({
      %run_scoped3A = tpu.sem_alloc : memref<!tpu.dma_semaphore, #tpu.memory_space<semaphore_mem>>
      %dma_start3A = arith.constant 0 : i32
      %dma_start3A_39 = tpu.memref_slice %arg11[%add3A_34, %dma_start3A] : memref<10240x32xf32, #tpu.memory_space<vmem_shared>> -> memref<128x32xf32, #tpu.memory_space<vmem_shared>>
      %dma_start3A_40 = arith.constant 0 : i32
      %dma_start3A_41 = tpu.memref_slice %arg11[%add3A_34, %dma_start3A_40] : memref<10240x32xf32, #tpu.memory_space<vmem_shared>> -> memref<128x32xf32, #tpu.memory_space<vmem_shared>>
      tpu.enqueue_dma source(%dma_start3A_41 : memref<128x32xf32, #tpu.memory_space<vmem_shared>>) target(%arg8 : memref<128x32xf32, #tpu.memory_space<vmem>>) target_semaphore(%run_scoped3A : memref<!tpu.dma_semaphore, #tpu.memory_space<semaphore_mem>>)
      %dma_wait3A = arith.constant 0 : i32
      %dma_wait3A_42 = tpu.memref_slice %arg11[%add3A_34, %dma_wait3A] : memref<10240x32xf32, #tpu.memory_space<vmem_shared>> -> memref<128x32xf32, #tpu.memory_space<vmem_shared>>
      %dma_wait3A_43 = arith.constant 0 : i32
      %dma_wait3A_44 = tpu.memref_slice %arg11[%add3A_34, %dma_wait3A_43] : memref<10240x32xf32, #tpu.memory_space<vmem_shared>> -> memref<128x32xf32, #tpu.memory_space<vmem_shared>>
      tpu.wait_dma2 semaphore(%run_scoped3A : memref<!tpu.dma_semaphore, #tpu.memory_space<semaphore_mem>>) src(%dma_wait3A_44 : memref<128x32xf32, #tpu.memory_space<vmem_shared>>) dst(%arg8 : memref<128x32xf32, #tpu.memory_space<vmem>>)
      tpu.yield
    }) : () -> ()
    "tpu.region"() ({
      %run_scoped3A = tpu.sem_alloc : memref<!tpu.dma_semaphore, #tpu.memory_space<semaphore_mem>>
      %dma_start3A = arith.constant 0 : i32
      %dma_start3A_39 = tpu.memref_slice %arg5[%arg0, %add3A_34, %dma_start3A] : memref<2x10240x32xf32, #tpu.memory_space<hbm>> -> memref<1x128x32xf32, #tpu.memory_space<hbm>>
      %dma_start3A_40 = tpu.memref_squeeze %dma_start3A_39 : memref<1x128x32xf32, #tpu.memory_space<hbm>> -> memref<128x32xf32, #tpu.memory_space<hbm>>
      %dma_start3A_41 = arith.constant 0 : i32
      %dma_start3A_42 = tpu.memref_slice %arg5[%arg0, %add3A_34, %dma_start3A_41] : memref<2x10240x32xf32, #tpu.memory_space<hbm>> -> memref<1x128x32xf32, #tpu.memory_space<hbm>>
      %dma_start3A_43 = tpu.memref_squeeze %dma_start3A_42 : memref<1x128x32xf32, #tpu.memory_space<hbm>> -> memref<128x32xf32, #tpu.memory_space<hbm>>
      tpu.enqueue_dma source(%arg8 : memref<128x32xf32, #tpu.memory_space<vmem>>) target(%dma_start3A_43 : memref<128x32xf32, #tpu.memory_space<hbm>>) target_semaphore(%run_scoped3A : memref<!tpu.dma_semaphore, #tpu.memory_space<semaphore_mem>>)
      %dma_wait3A = arith.constant 0 : i32
      %dma_wait3A_44 = tpu.memref_slice %arg5[%arg0, %add3A_34, %dma_wait3A] : memref<2x10240x32xf32, #tpu.memory_space<hbm>> -> memref<1x128x32xf32, #tpu.memory_space<hbm>>
      %dma_wait3A_45 = tpu.memref_squeeze %dma_wait3A_44 : memref<1x128x32xf32, #tpu.memory_space<hbm>> -> memref<128x32xf32, #tpu.memory_space<hbm>>
      %dma_wait3A_46 = arith.constant 0 : i32
      %dma_wait3A_47 = tpu.memref_slice %arg5[%arg0, %add3A_34, %dma_wait3A_46] : memref<2x10240x32xf32, #tpu.memory_space<hbm>> -> memref<1x128x32xf32, #tpu.memory_space<hbm>>
      %dma_wait3A_48 = tpu.memref_squeeze %dma_wait3A_47 : memref<1x128x32xf32, #tpu.memory_space<hbm>> -> memref<128x32xf32, #tpu.memory_space<hbm>>
      tpu.wait_dma2 semaphore(%run_scoped3A : memref<!tpu.dma_semaphore, #tpu.memory_space<semaphore_mem>>) src(%arg8 : memref<128x32xf32, #tpu.memory_space<vmem>>) dst(%dma_wait3A_48 : memref<128x32xf32, #tpu.memory_space<hbm>>)
      tpu.yield
    }) : () -> ()
    %add3A_35 = arith.constant 384 : i32
    %add3A_36 = arith.addi %mul3A_0, %add3A_35 : i32
    "tpu.region"() ({
      %run_scoped3A = tpu.sem_alloc : memref<!tpu.dma_semaphore, #tpu.memory_space<semaphore_mem>>
      %dma_start3A = arith.constant 0 : i32
      %dma_start3A_39 = tpu.memref_slice %arg11[%add3A_36, %dma_start3A] : memref<10240x32xf32, #tpu.memory_space<vmem_shared>> -> memref<128x32xf32, #tpu.memory_space<vmem_shared>>
      %dma_start3A_40 = arith.constant 0 : i32
      %dma_start3A_41 = tpu.memref_slice %arg11[%add3A_36, %dma_start3A_40] : memref<10240x32xf32, #tpu.memory_space<vmem_shared>> -> memref<128x32xf32, #tpu.memory_space<vmem_shared>>
      tpu.enqueue_dma source(%dma_start3A_41 : memref<128x32xf32, #tpu.memory_space<vmem_shared>>) target(%arg8 : memref<128x32xf32, #tpu.memory_space<vmem>>) target_semaphore(%run_scoped3A : memref<!tpu.dma_semaphore, #tpu.memory_space<semaphore_mem>>)
      %dma_wait3A = arith.constant 0 : i32
      %dma_wait3A_42 = tpu.memref_slice %arg11[%add3A_36, %dma_wait3A] : memref<10240x32xf32, #tpu.memory_space<vmem_shared>> -> memref<128x32xf32, #tpu.memory_space<vmem_shared>>
      %dma_wait3A_43 = arith.constant 0 : i32
      %dma_wait3A_44 = tpu.memref_slice %arg11[%add3A_36, %dma_wait3A_43] : memref<10240x32xf32, #tpu.memory_space<vmem_shared>> -> memref<128x32xf32, #tpu.memory_space<vmem_shared>>
      tpu.wait_dma2 semaphore(%run_scoped3A : memref<!tpu.dma_semaphore, #tpu.memory_space<semaphore_mem>>) src(%dma_wait3A_44 : memref<128x32xf32, #tpu.memory_space<vmem_shared>>) dst(%arg8 : memref<128x32xf32, #tpu.memory_space<vmem>>)
      tpu.yield
    }) : () -> ()
    "tpu.region"() ({
      %run_scoped3A = tpu.sem_alloc : memref<!tpu.dma_semaphore, #tpu.memory_space<semaphore_mem>>
      %dma_start3A = arith.constant 0 : i32
      %dma_start3A_39 = tpu.memref_slice %arg5[%arg0, %add3A_36, %dma_start3A] : memref<2x10240x32xf32, #tpu.memory_space<hbm>> -> memref<1x128x32xf32, #tpu.memory_space<hbm>>
      %dma_start3A_40 = tpu.memref_squeeze %dma_start3A_39 : memref<1x128x32xf32, #tpu.memory_space<hbm>> -> memref<128x32xf32, #tpu.memory_space<hbm>>
      %dma_start3A_41 = arith.constant 0 : i32
      %dma_start3A_42 = tpu.memref_slice %arg5[%arg0, %add3A_36, %dma_start3A_41] : memref<2x10240x32xf32, #tpu.memory_space<hbm>> -> memref<1x128x32xf32, #tpu.memory_space<hbm>>
      %dma_start3A_43 = tpu.memref_squeeze %dma_start3A_42 : memref<1x128x32xf32, #tpu.memory_space<hbm>> -> memref<128x32xf32, #tpu.memory_space<hbm>>
      tpu.enqueue_dma source(%arg8 : memref<128x32xf32, #tpu.memory_space<vmem>>) target(%dma_start3A_43 : memref<128x32xf32, #tpu.memory_space<hbm>>) target_semaphore(%run_scoped3A : memref<!tpu.dma_semaphore, #tpu.memory_space<semaphore_mem>>)
      %dma_wait3A = arith.constant 0 : i32
      %dma_wait3A_44 = tpu.memref_slice %arg5[%arg0, %add3A_36, %dma_wait3A] : memref<2x10240x32xf32, #tpu.memory_space<hbm>> -> memref<1x128x32xf32, #tpu.memory_space<hbm>>
      %dma_wait3A_45 = tpu.memref_squeeze %dma_wait3A_44 : memref<1x128x32xf32, #tpu.memory_space<hbm>> -> memref<128x32xf32, #tpu.memory_space<hbm>>
      %dma_wait3A_46 = arith.constant 0 : i32
      %dma_wait3A_47 = tpu.memref_slice %arg5[%arg0, %add3A_36, %dma_wait3A_46] : memref<2x10240x32xf32, #tpu.memory_space<hbm>> -> memref<1x128x32xf32, #tpu.memory_space<hbm>>
      %dma_wait3A_48 = tpu.memref_squeeze %dma_wait3A_47 : memref<1x128x32xf32, #tpu.memory_space<hbm>> -> memref<128x32xf32, #tpu.memory_space<hbm>>
      tpu.wait_dma2 semaphore(%run_scoped3A : memref<!tpu.dma_semaphore, #tpu.memory_space<semaphore_mem>>) src(%arg8 : memref<128x32xf32, #tpu.memory_space<vmem>>) dst(%dma_wait3A_48 : memref<128x32xf32, #tpu.memory_space<hbm>>)
      tpu.yield
    }) : () -> ()
    %add3A_37 = arith.constant 512 : i32
    %add3A_38 = arith.addi %mul3A_0, %add3A_37 : i32
    "tpu.region"() ({
      %run_scoped3A = tpu.sem_alloc : memref<!tpu.dma_semaphore, #tpu.memory_space<semaphore_mem>>
      %dma_start3A = arith.constant 0 : i32
      %dma_start3A_39 = tpu.memref_slice %arg11[%add3A_38, %dma_start3A] : memref<10240x32xf32, #tpu.memory_space<vmem_shared>> -> memref<128x32xf32, #tpu.memory_space<vmem_shared>>
      %dma_start3A_40 = arith.constant 0 : i32
      %dma_start3A_41 = tpu.memref_slice %arg11[%add3A_38, %dma_start3A_40] : memref<10240x32xf32, #tpu.memory_space<vmem_shared>> -> memref<128x32xf32, #tpu.memory_space<vmem_shared>>
      tpu.enqueue_dma source(%dma_start3A_41 : memref<128x32xf32, #tpu.memory_space<vmem_shared>>) target(%arg8 : memref<128x32xf32, #tpu.memory_space<vmem>>) target_semaphore(%run_scoped3A : memref<!tpu.dma_semaphore, #tpu.memory_space<semaphore_mem>>)
      %dma_wait3A = arith.constant 0 : i32
      %dma_wait3A_42 = tpu.memref_slice %arg11[%add3A_38, %dma_wait3A] : memref<10240x32xf32, #tpu.memory_space<vmem_shared>> -> memref<128x32xf32, #tpu.memory_space<vmem_shared>>
      %dma_wait3A_43 = arith.constant 0 : i32
      %dma_wait3A_44 = tpu.memref_slice %arg11[%add3A_38, %dma_wait3A_43] : memref<10240x32xf32, #tpu.memory_space<vmem_shared>> -> memref<128x32xf32, #tpu.memory_space<vmem_shared>>
      tpu.wait_dma2 semaphore(%run_scoped3A : memref<!tpu.dma_semaphore, #tpu.memory_space<semaphore_mem>>) src(%dma_wait3A_44 : memref<128x32xf32, #tpu.memory_space<vmem_shared>>) dst(%arg8 : memref<128x32xf32, #tpu.memory_space<vmem>>)
      tpu.yield
    }) : () -> ()
    "tpu.region"() ({
      %run_scoped3A = tpu.sem_alloc : memref<!tpu.dma_semaphore, #tpu.memory_space<semaphore_mem>>
      %dma_start3A = arith.constant 0 : i32
      %dma_start3A_39 = tpu.memref_slice %arg5[%arg0, %add3A_38, %dma_start3A] : memref<2x10240x32xf32, #tpu.memory_space<hbm>> -> memref<1x128x32xf32, #tpu.memory_space<hbm>>
      %dma_start3A_40 = tpu.memref_squeeze %dma_start3A_39 : memref<1x128x32xf32, #tpu.memory_space<hbm>> -> memref<128x32xf32, #tpu.memory_space<hbm>>
      %dma_start3A_41 = arith.constant 0 : i32
      %dma_start3A_42 = tpu.memref_slice %arg5[%arg0, %add3A_38, %dma_start3A_41] : memref<2x10240x32xf32, #tpu.memory_space<hbm>> -> memref<1x128x32xf32, #tpu.memory_space<hbm>>
      %dma_start3A_43 = tpu.memref_squeeze %dma_start3A_42 : memref<1x128x32xf32, #tpu.memory_space<hbm>> -> memref<128x32xf32, #tpu.memory_space<hbm>>
      tpu.enqueue_dma source(%arg8 : memref<128x32xf32, #tpu.memory_space<vmem>>) target(%dma_start3A_43 : memref<128x32xf32, #tpu.memory_space<hbm>>) target_semaphore(%run_scoped3A : memref<!tpu.dma_semaphore, #tpu.memory_space<semaphore_mem>>)
      %dma_wait3A = arith.constant 0 : i32
      %dma_wait3A_44 = tpu.memref_slice %arg5[%arg0, %add3A_38, %dma_wait3A] : memref<2x10240x32xf32, #tpu.memory_space<hbm>> -> memref<1x128x32xf32, #tpu.memory_space<hbm>>
      %dma_wait3A_45 = tpu.memref_squeeze %dma_wait3A_44 : memref<1x128x32xf32, #tpu.memory_space<hbm>> -> memref<128x32xf32, #tpu.memory_space<hbm>>
      %dma_wait3A_46 = arith.constant 0 : i32
      %dma_wait3A_47 = tpu.memref_slice %arg5[%arg0, %add3A_38, %dma_wait3A_46] : memref<2x10240x32xf32, #tpu.memory_space<hbm>> -> memref<1x128x32xf32, #tpu.memory_space<hbm>>
      %dma_wait3A_48 = tpu.memref_squeeze %dma_wait3A_47 : memref<1x128x32xf32, #tpu.memory_space<hbm>> -> memref<128x32xf32, #tpu.memory_space<hbm>>
      tpu.wait_dma2 semaphore(%run_scoped3A : memref<!tpu.dma_semaphore, #tpu.memory_space<semaphore_mem>>) src(%arg8 : memref<128x32xf32, #tpu.memory_space<vmem>>) dst(%dma_wait3A_48 : memref<128x32xf32, #tpu.memory_space<hbm>>)
      tpu.yield
    }) : () -> ()
    return
  }
}

#map = affine_map<(d0, d1) -> (0, 0)>
#map1 = affine_map<(d0, d1) -> (0, 0, 0, 0)>
#map2 = affine_map<(d0, d1) -> (0, 0, 0)>
module attributes {stable_mosaic.version = 14 : i64} {
  func.func @body(%arg0: i32, %arg1: i32, %arg2: memref<10240x64xf32, #tpu.memory_space<hbm>>, %arg3: memref<10240x64xf32, #tpu.memory_space<hbm>>, %arg4: memref<16x160x2x128xi32, #tpu.memory_space<hbm>>, %arg5: memref<2x10240x64xf32, #tpu.memory_space<hbm>>, %arg6: memref<2x128xi32, #tpu.memory_space<vmem>>, %arg7: memref<2x128xi32, #tpu.memory_space<vmem>>, %arg8: memref<128x64xf32, #tpu.memory_space<vmem>>, %arg9: memref<128x64xf32, #tpu.memory_space<vmem>>, %arg10: memref<10240x64xf32, #tpu.memory_space<vmem_shared>>, %arg11: memref<10240x64xf32, #tpu.memory_space<vmem_shared>>, %arg12: memref<!tpu.dma_semaphore, #tpu.memory_space<semaphore_mem>>, %arg13: memref<!tpu.dma_semaphore, #tpu.memory_space<semaphore_mem>>, %arg14: memref<!tpu.dma_semaphore, #tpu.memory_space<semaphore_mem>>, %arg15: memref<!tpu.dma_semaphore, #tpu.memory_space<semaphore_mem>>) attributes {dimension_semantics = [#tpu.dimension_semantics<core_parallel>, #tpu.dimension_semantics<subcore_parallel>], iteration_bounds = array<i64: 2, 16>, scalar_prefetch = 0 : i64, scratch_operands = 10 : i64, tpu.core_type = #tpu.core_type<sc_vector_subcore>, window_params = [{transform_indices = #map}, {transform_indices = #map}, {transform_indices = #map1}, {transform_indices = #map2}]} {
    %mul3A = arith.constant 640 : i32
    %mul3A_0 = arith.muli %arg1, %mul3A : i32
    %scan3A = arith.constant 0.000000e+00 : f32
    %scan3A_1 = arith.constant 0 : i32
    %scan3A_2 = arith.constant 128 : i32
    %scan3A_3 = arith.addi %scan3A_1, %scan3A_2 : i32
    %scan3A_4 = arith.constant 1 : i32
    scf.for %scan3A_39 = %scan3A_1 to %scan3A_3 step %scan3A_4  : i32 {
      %broadcast_in_dim3A = vector.broadcast %scan3A : f32 to vector<16xf32>
      %swap3A = arith.index_cast %scan3A_39 : i32 to index
      %swap3A_40 = arith.constant 0 : index
      %swap3A_41 = tpu.vector_load %arg8[%swap3A, %swap3A_40] {strides = array<i32>} : memref<128x64xf32, #tpu.memory_space<vmem>>, vector<1x16xf32>,
      %swap3A_42 = vector.shape_cast %swap3A_41 : vector<1x16xf32> to vector<16xf32>
      %swap3A_43 = vector.shape_cast %broadcast_in_dim3A : vector<16xf32> to vector<1x16xf32>
      tpu.vector_store %arg8[%swap3A, %swap3A_40], %swap3A_43 {strides = array<i32>} : memref<128x64xf32, #tpu.memory_space<vmem>>, vector<1x16xf32>,
      %broadcast_in_dim3A_44 = vector.broadcast %scan3A : f32 to vector<16xf32>
      %swap3A_45 = arith.index_cast %scan3A_39 : i32 to index
      %swap3A_46 = arith.constant 16 : index
      %swap3A_47 = tpu.vector_load %arg8[%swap3A_45, %swap3A_46] {strides = array<i32>} : memref<128x64xf32, #tpu.memory_space<vmem>>, vector<1x16xf32>,
      %swap3A_48 = vector.shape_cast %swap3A_47 : vector<1x16xf32> to vector<16xf32>
      %swap3A_49 = vector.shape_cast %broadcast_in_dim3A_44 : vector<16xf32> to vector<1x16xf32>
      tpu.vector_store %arg8[%swap3A_45, %swap3A_46], %swap3A_49 {strides = array<i32>} : memref<128x64xf32, #tpu.memory_space<vmem>>, vector<1x16xf32>,
      %broadcast_in_dim3A_50 = vector.broadcast %scan3A : f32 to vector<16xf32>
      %swap3A_51 = arith.index_cast %scan3A_39 : i32 to index
      %swap3A_52 = arith.constant 32 : index
      %swap3A_53 = tpu.vector_load %arg8[%swap3A_51, %swap3A_52] {strides = array<i32>} : memref<128x64xf32, #tpu.memory_space<vmem>>, vector<1x16xf32>,
      %swap3A_54 = vector.shape_cast %swap3A_53 : vector<1x16xf32> to vector<16xf32>
      %swap3A_55 = vector.shape_cast %broadcast_in_dim3A_50 : vector<16xf32> to vector<1x16xf32>
      tpu.vector_store %arg8[%swap3A_51, %swap3A_52], %swap3A_55 {strides = array<i32>} : memref<128x64xf32, #tpu.memory_space<vmem>>, vector<1x16xf32>,
      %broadcast_in_dim3A_56 = vector.broadcast %scan3A : f32 to vector<16xf32>
      %swap3A_57 = arith.index_cast %scan3A_39 : i32 to index
      %swap3A_58 = arith.constant 48 : index
      %swap3A_59 = tpu.vector_load %arg8[%swap3A_57, %swap3A_58] {strides = array<i32>} : memref<128x64xf32, #tpu.memory_space<vmem>>, vector<1x16xf32>,
      %swap3A_60 = vector.shape_cast %swap3A_59 : vector<1x16xf32> to vector<16xf32>
      %swap3A_61 = vector.shape_cast %broadcast_in_dim3A_56 : vector<16xf32> to vector<1x16xf32>
      tpu.vector_store %arg8[%swap3A_57, %swap3A_58], %swap3A_61 {strides = array<i32>} : memref<128x64xf32, #tpu.memory_space<vmem>>, vector<1x16xf32>,
    }
    %scan3A_5 = arith.constant 128 : i32
    %add3A = arith.constant 0 : i32
    %add3A_6 = arith.addi %mul3A_0, %add3A : i32
    "tpu.region"() ({
      %run_scoped3A = tpu.sem_alloc : memref<!tpu.dma_semaphore, #tpu.memory_space<semaphore_mem>>
      %dma_start3A = arith.constant 0 : i32
      %dma_start3A_39 = tpu.memref_slice %arg11[%add3A_6, %dma_start3A] : memref<10240x64xf32, #tpu.memory_space<vmem_shared>> -> memref<128x64xf32, #tpu.memory_space<vmem_shared>>
      %dma_start3A_40 = arith.constant 0 : i32
      %dma_start3A_41 = tpu.memref_slice %arg11[%add3A_6, %dma_start3A_40] : memref<10240x64xf32, #tpu.memory_space<vmem_shared>> -> memref<128x64xf32, #tpu.memory_space<vmem_shared>>
      tpu.enqueue_dma source(%arg8 : memref<128x64xf32, #tpu.memory_space<vmem>>) target(%dma_start3A_41 : memref<128x64xf32, #tpu.memory_space<vmem_shared>>) target_semaphore(%run_scoped3A : memref<!tpu.dma_semaphore, #tpu.memory_space<semaphore_mem>>)
      %dma_wait3A = arith.constant 0 : i32
      %dma_wait3A_42 = tpu.memref_slice %arg11[%add3A_6, %dma_wait3A] : memref<10240x64xf32, #tpu.memory_space<vmem_shared>> -> memref<128x64xf32, #tpu.memory_space<vmem_shared>>
      %dma_wait3A_43 = arith.constant 0 : i32
      %dma_wait3A_44 = tpu.memref_slice %arg11[%add3A_6, %dma_wait3A_43] : memref<10240x64xf32, #tpu.memory_space<vmem_shared>> -> memref<128x64xf32, #tpu.memory_space<vmem_shared>>
      tpu.wait_dma2 semaphore(%run_scoped3A : memref<!tpu.dma_semaphore, #tpu.memory_space<semaphore_mem>>) src(%arg8 : memref<128x64xf32, #tpu.memory_space<vmem>>) dst(%dma_wait3A_44 : memref<128x64xf32, #tpu.memory_space<vmem_shared>>)
      tpu.yield
    }) : () -> ()
    %add3A_7 = arith.constant 128 : i32
    %add3A_8 = arith.addi %mul3A_0, %add3A_7 : i32
    "tpu.region"() ({
      %run_scoped3A = tpu.sem_alloc : memref<!tpu.dma_semaphore, #tpu.memory_space<semaphore_mem>>
      %dma_start3A = arith.constant 0 : i32
      %dma_start3A_39 = tpu.memref_slice %arg11[%add3A_8, %dma_start3A] : memref<10240x64xf32, #tpu.memory_space<vmem_shared>> -> memref<128x64xf32, #tpu.memory_space<vmem_shared>>
      %dma_start3A_40 = arith.constant 0 : i32
      %dma_start3A_41 = tpu.memref_slice %arg11[%add3A_8, %dma_start3A_40] : memref<10240x64xf32, #tpu.memory_space<vmem_shared>> -> memref<128x64xf32, #tpu.memory_space<vmem_shared>>
      tpu.enqueue_dma source(%arg8 : memref<128x64xf32, #tpu.memory_space<vmem>>) target(%dma_start3A_41 : memref<128x64xf32, #tpu.memory_space<vmem_shared>>) target_semaphore(%run_scoped3A : memref<!tpu.dma_semaphore, #tpu.memory_space<semaphore_mem>>)
      %dma_wait3A = arith.constant 0 : i32
      %dma_wait3A_42 = tpu.memref_slice %arg11[%add3A_8, %dma_wait3A] : memref<10240x64xf32, #tpu.memory_space<vmem_shared>> -> memref<128x64xf32, #tpu.memory_space<vmem_shared>>
      %dma_wait3A_43 = arith.constant 0 : i32
      %dma_wait3A_44 = tpu.memref_slice %arg11[%add3A_8, %dma_wait3A_43] : memref<10240x64xf32, #tpu.memory_space<vmem_shared>> -> memref<128x64xf32, #tpu.memory_space<vmem_shared>>
      tpu.wait_dma2 semaphore(%run_scoped3A : memref<!tpu.dma_semaphore, #tpu.memory_space<semaphore_mem>>) src(%arg8 : memref<128x64xf32, #tpu.memory_space<vmem>>) dst(%dma_wait3A_44 : memref<128x64xf32, #tpu.memory_space<vmem_shared>>)
      tpu.yield
    }) : () -> ()
    %add3A_9 = arith.constant 256 : i32
    %add3A_10 = arith.addi %mul3A_0, %add3A_9 : i32
    "tpu.region"() ({
      %run_scoped3A = tpu.sem_alloc : memref<!tpu.dma_semaphore, #tpu.memory_space<semaphore_mem>>
      %dma_start3A = arith.constant 0 : i32
      %dma_start3A_39 = tpu.memref_slice %arg11[%add3A_10, %dma_start3A] : memref<10240x64xf32, #tpu.memory_space<vmem_shared>> -> memref<128x64xf32, #tpu.memory_space<vmem_shared>>
      %dma_start3A_40 = arith.constant 0 : i32
      %dma_start3A_41 = tpu.memref_slice %arg11[%add3A_10, %dma_start3A_40] : memref<10240x64xf32, #tpu.memory_space<vmem_shared>> -> memref<128x64xf32, #tpu.memory_space<vmem_shared>>
      tpu.enqueue_dma source(%arg8 : memref<128x64xf32, #tpu.memory_space<vmem>>) target(%dma_start3A_41 : memref<128x64xf32, #tpu.memory_space<vmem_shared>>) target_semaphore(%run_scoped3A : memref<!tpu.dma_semaphore, #tpu.memory_space<semaphore_mem>>)
      %dma_wait3A = arith.constant 0 : i32
      %dma_wait3A_42 = tpu.memref_slice %arg11[%add3A_10, %dma_wait3A] : memref<10240x64xf32, #tpu.memory_space<vmem_shared>> -> memref<128x64xf32, #tpu.memory_space<vmem_shared>>
      %dma_wait3A_43 = arith.constant 0 : i32
      %dma_wait3A_44 = tpu.memref_slice %arg11[%add3A_10, %dma_wait3A_43] : memref<10240x64xf32, #tpu.memory_space<vmem_shared>> -> memref<128x64xf32, #tpu.memory_space<vmem_shared>>
      tpu.wait_dma2 semaphore(%run_scoped3A : memref<!tpu.dma_semaphore, #tpu.memory_space<semaphore_mem>>) src(%arg8 : memref<128x64xf32, #tpu.memory_space<vmem>>) dst(%dma_wait3A_44 : memref<128x64xf32, #tpu.memory_space<vmem_shared>>)
      tpu.yield
    }) : () -> ()
    %add3A_11 = arith.constant 384 : i32
    %add3A_12 = arith.addi %mul3A_0, %add3A_11 : i32
    "tpu.region"() ({
      %run_scoped3A = tpu.sem_alloc : memref<!tpu.dma_semaphore, #tpu.memory_space<semaphore_mem>>
      %dma_start3A = arith.constant 0 : i32
      %dma_start3A_39 = tpu.memref_slice %arg11[%add3A_12, %dma_start3A] : memref<10240x64xf32, #tpu.memory_space<vmem_shared>> -> memref<128x64xf32, #tpu.memory_space<vmem_shared>>
      %dma_start3A_40 = arith.constant 0 : i32
      %dma_start3A_41 = tpu.memref_slice %arg11[%add3A_12, %dma_start3A_40] : memref<10240x64xf32, #tpu.memory_space<vmem_shared>> -> memref<128x64xf32, #tpu.memory_space<vmem_shared>>
      tpu.enqueue_dma source(%arg8 : memref<128x64xf32, #tpu.memory_space<vmem>>) target(%dma_start3A_41 : memref<128x64xf32, #tpu.memory_space<vmem_shared>>) target_semaphore(%run_scoped3A : memref<!tpu.dma_semaphore, #tpu.memory_space<semaphore_mem>>)
      %dma_wait3A = arith.constant 0 : i32
      %dma_wait3A_42 = tpu.memref_slice %arg11[%add3A_12, %dma_wait3A] : memref<10240x64xf32, #tpu.memory_space<vmem_shared>> -> memref<128x64xf32, #tpu.memory_space<vmem_shared>>
      %dma_wait3A_43 = arith.constant 0 : i32
      %dma_wait3A_44 = tpu.memref_slice %arg11[%add3A_12, %dma_wait3A_43] : memref<10240x64xf32, #tpu.memory_space<vmem_shared>> -> memref<128x64xf32, #tpu.memory_space<vmem_shared>>
      tpu.wait_dma2 semaphore(%run_scoped3A : memref<!tpu.dma_semaphore, #tpu.memory_space<semaphore_mem>>) src(%arg8 : memref<128x64xf32, #tpu.memory_space<vmem>>) dst(%dma_wait3A_44 : memref<128x64xf32, #tpu.memory_space<vmem_shared>>)
      tpu.yield
    }) : () -> ()
    %add3A_13 = arith.constant 512 : i32
    %add3A_14 = arith.addi %mul3A_0, %add3A_13 : i32
    "tpu.region"() ({
      %run_scoped3A = tpu.sem_alloc : memref<!tpu.dma_semaphore, #tpu.memory_space<semaphore_mem>>
      %dma_start3A = arith.constant 0 : i32
      %dma_start3A_39 = tpu.memref_slice %arg11[%add3A_14, %dma_start3A] : memref<10240x64xf32, #tpu.memory_space<vmem_shared>> -> memref<128x64xf32, #tpu.memory_space<vmem_shared>>
      %dma_start3A_40 = arith.constant 0 : i32
      %dma_start3A_41 = tpu.memref_slice %arg11[%add3A_14, %dma_start3A_40] : memref<10240x64xf32, #tpu.memory_space<vmem_shared>> -> memref<128x64xf32, #tpu.memory_space<vmem_shared>>
      tpu.enqueue_dma source(%arg8 : memref<128x64xf32, #tpu.memory_space<vmem>>) target(%dma_start3A_41 : memref<128x64xf32, #tpu.memory_space<vmem_shared>>) target_semaphore(%run_scoped3A : memref<!tpu.dma_semaphore, #tpu.memory_space<semaphore_mem>>)
      %dma_wait3A = arith.constant 0 : i32
      %dma_wait3A_42 = tpu.memref_slice %arg11[%add3A_14, %dma_wait3A] : memref<10240x64xf32, #tpu.memory_space<vmem_shared>> -> memref<128x64xf32, #tpu.memory_space<vmem_shared>>
      %dma_wait3A_43 = arith.constant 0 : i32
      %dma_wait3A_44 = tpu.memref_slice %arg11[%add3A_14, %dma_wait3A_43] : memref<10240x64xf32, #tpu.memory_space<vmem_shared>> -> memref<128x64xf32, #tpu.memory_space<vmem_shared>>
      tpu.wait_dma2 semaphore(%run_scoped3A : memref<!tpu.dma_semaphore, #tpu.memory_space<semaphore_mem>>) src(%arg8 : memref<128x64xf32, #tpu.memory_space<vmem>>) dst(%dma_wait3A_44 : memref<128x64xf32, #tpu.memory_space<vmem_shared>>)
      tpu.yield
    }) : () -> ()
    %eq3A = arith.constant 0 : i32
    %eq3A_15 = arith.cmpi eq, %arg0, %eq3A : i32
    %convert_element_type3A = arith.extui %eq3A_15 : i1 to i32
    %cond3A = arith.constant 0 : i32
    %cond3A_16 = arith.cmpi ne, %convert_element_type3A, %cond3A : i32
    scf.if %cond3A_16 {
      "tpu.region"() ({
        %run_scoped3A = tpu.sem_alloc : memref<!tpu.dma_semaphore, #tpu.memory_space<semaphore_mem>>
        %dma_start3A = arith.constant 0 : i32
        %dma_start3A_39 = tpu.memref_slice %arg10[%mul3A_0, %dma_start3A] : memref<10240x64xf32, #tpu.memory_space<vmem_shared>> -> memref<640x64xf32, #tpu.memory_space<vmem_shared>>
        %dma_start3A_40 = arith.constant 0 : i32
        %dma_start3A_41 = tpu.memref_slice %arg2[%mul3A_0, %dma_start3A_40] : memref<10240x64xf32, #tpu.memory_space<hbm>> -> memref<640x64xf32, #tpu.memory_space<hbm>>
        tpu.enqueue_dma source(%dma_start3A_41 : memref<640x64xf32, #tpu.memory_space<hbm>>) target(%dma_start3A_39 : memref<640x64xf32, #tpu.memory_space<vmem_shared>>) target_semaphore(%run_scoped3A : memref<!tpu.dma_semaphore, #tpu.memory_space<semaphore_mem>>)
        %dma_wait3A = arith.constant 0 : i32
        %dma_wait3A_42 = tpu.memref_slice %arg10[%mul3A_0, %dma_wait3A] : memref<10240x64xf32, #tpu.memory_space<vmem_shared>> -> memref<640x64xf32, #tpu.memory_space<vmem_shared>>
        %dma_wait3A_43 = arith.constant 0 : i32
        %dma_wait3A_44 = tpu.memref_slice %arg2[%mul3A_0, %dma_wait3A_43] : memref<10240x64xf32, #tpu.memory_space<hbm>> -> memref<640x64xf32, #tpu.memory_space<hbm>>
        tpu.wait_dma2 semaphore(%run_scoped3A : memref<!tpu.dma_semaphore, #tpu.memory_space<semaphore_mem>>) src(%dma_wait3A_44 : memref<640x64xf32, #tpu.memory_space<hbm>>) dst(%dma_wait3A_42 : memref<640x64xf32, #tpu.memory_space<vmem_shared>>)
        tpu.yield
      }) : () -> ()
    } else {
    }
    %eq3A_17 = arith.constant 1 : i32
    %eq3A_18 = arith.cmpi eq, %arg0, %eq3A_17 : i32
    %convert_element_type3A_19 = arith.extui %eq3A_18 : i1 to i32
    %cond3A_20 = arith.constant 0 : i32
    %cond3A_21 = arith.cmpi ne, %convert_element_type3A_19, %cond3A_20 : i32
    scf.if %cond3A_21 {
      "tpu.region"() ({
        %run_scoped3A = tpu.sem_alloc : memref<!tpu.dma_semaphore, #tpu.memory_space<semaphore_mem>>
        %dma_start3A = arith.constant 0 : i32
        %dma_start3A_39 = tpu.memref_slice %arg10[%mul3A_0, %dma_start3A] : memref<10240x64xf32, #tpu.memory_space<vmem_shared>> -> memref<640x64xf32, #tpu.memory_space<vmem_shared>>
        %dma_start3A_40 = arith.constant 0 : i32
        %dma_start3A_41 = tpu.memref_slice %arg3[%mul3A_0, %dma_start3A_40] : memref<10240x64xf32, #tpu.memory_space<hbm>> -> memref<640x64xf32, #tpu.memory_space<hbm>>
        tpu.enqueue_dma source(%dma_start3A_41 : memref<640x64xf32, #tpu.memory_space<hbm>>) target(%dma_start3A_39 : memref<640x64xf32, #tpu.memory_space<vmem_shared>>) target_semaphore(%run_scoped3A : memref<!tpu.dma_semaphore, #tpu.memory_space<semaphore_mem>>)
        %dma_wait3A = arith.constant 0 : i32
        %dma_wait3A_42 = tpu.memref_slice %arg10[%mul3A_0, %dma_wait3A] : memref<10240x64xf32, #tpu.memory_space<vmem_shared>> -> memref<640x64xf32, #tpu.memory_space<vmem_shared>>
        %dma_wait3A_43 = arith.constant 0 : i32
        %dma_wait3A_44 = tpu.memref_slice %arg3[%mul3A_0, %dma_wait3A_43] : memref<10240x64xf32, #tpu.memory_space<hbm>> -> memref<640x64xf32, #tpu.memory_space<hbm>>
        tpu.wait_dma2 semaphore(%run_scoped3A : memref<!tpu.dma_semaphore, #tpu.memory_space<semaphore_mem>>) src(%dma_wait3A_44 : memref<640x64xf32, #tpu.memory_space<hbm>>) dst(%dma_wait3A_42 : memref<640x64xf32, #tpu.memory_space<vmem_shared>>)
        tpu.yield
      }) : () -> ()
    } else {
    }
    %barrier3A = arith.constant 0 : index
    tpu.barrier barrier_id(%barrier3A)
    %scan3A_22 = arith.constant 0 : i32
    %scan3A_23 = arith.constant 0 : i32
    %scan3A_24 = arith.constant 158 : i32
    %scan3A_25 = arith.addi %scan3A_23, %scan3A_24 : i32
    %scan3A_26 = arith.constant 1 : i32
    scf.for %scan3A_39 = %scan3A_23 to %scan3A_25 step %scan3A_26  : i32 {
      "tpu.region"() ({
        %run_scoped3A_52 = tpu.sem_alloc : memref<!tpu.dma_semaphore, #tpu.memory_space<semaphore_mem>>
        %dma_start3A_53 = arith.constant 0 : i32
        %dma_start3A_54 = arith.constant 0 : i32
        %dma_start3A_55 = tpu.memref_slice %arg4[%arg1, %scan3A_39, %dma_start3A_53, %dma_start3A_54] : memref<16x160x2x128xi32, #tpu.memory_space<hbm>> -> memref<1x1x2x128xi32, #tpu.memory_space<hbm>>
        %dma_start3A_56 = tpu.memref_squeeze %dma_start3A_55 : memref<1x1x2x128xi32, #tpu.memory_space<hbm>> -> memref<2x128xi32, #tpu.memory_space<hbm>>
        %dma_start3A_57 = arith.constant 0 : i32
        %dma_start3A_58 = arith.constant 0 : i32
        %dma_start3A_59 = tpu.memref_slice %arg4[%arg1, %scan3A_39, %dma_start3A_57, %dma_start3A_58] : memref<16x160x2x128xi32, #tpu.memory_space<hbm>> -> memref<1x1x2x128xi32, #tpu.memory_space<hbm>>
        %dma_start3A_60 = tpu.memref_squeeze %dma_start3A_59 : memref<1x1x2x128xi32, #tpu.memory_space<hbm>> -> memref<2x128xi32, #tpu.memory_space<hbm>>
        tpu.enqueue_dma source(%dma_start3A_60 : memref<2x128xi32, #tpu.memory_space<hbm>>) target(%arg6 : memref<2x128xi32, #tpu.memory_space<vmem>>) target_semaphore(%run_scoped3A_52 : memref<!tpu.dma_semaphore, #tpu.memory_space<semaphore_mem>>)
        %dma_wait3A_61 = arith.constant 0 : i32
        %dma_wait3A_62 = arith.constant 0 : i32
        %dma_wait3A_63 = tpu.memref_slice %arg4[%arg1, %scan3A_39, %dma_wait3A_61, %dma_wait3A_62] : memref<16x160x2x128xi32, #tpu.memory_space<hbm>> -> memref<1x1x2x128xi32, #tpu.memory_space<hbm>>
        %dma_wait3A_64 = tpu.memref_squeeze %dma_wait3A_63 : memref<1x1x2x128xi32, #tpu.memory_space<hbm>> -> memref<2x128xi32, #tpu.memory_space<hbm>>
        %dma_wait3A_65 = arith.constant 0 : i32
        %dma_wait3A_66 = arith.constant 0 : i32
        %dma_wait3A_67 = tpu.memref_slice %arg4[%arg1, %scan3A_39, %dma_wait3A_65, %dma_wait3A_66] : memref<16x160x2x128xi32, #tpu.memory_space<hbm>> -> memref<1x1x2x128xi32, #tpu.memory_space<hbm>>
        %dma_wait3A_68 = tpu.memref_squeeze %dma_wait3A_67 : memref<1x1x2x128xi32, #tpu.memory_space<hbm>> -> memref<2x128xi32, #tpu.memory_space<hbm>>
        tpu.wait_dma2 semaphore(%run_scoped3A_52 : memref<!tpu.dma_semaphore, #tpu.memory_space<semaphore_mem>>) src(%dma_wait3A_68 : memref<2x128xi32, #tpu.memory_space<hbm>>) dst(%arg6 : memref<2x128xi32, #tpu.memory_space<vmem>>)
        tpu.yield
      }) : () -> ()
      %dma_start3A = arith.constant 0 : i32
      %dma_start3A_40 = arith.constant 0 : i32
      %dma_start3A_41 = tpu.memref_slice %arg6[%dma_start3A, %dma_start3A_40] : memref<2x128xi32, #tpu.memory_space<vmem>> -> memref<1x128xi32, #tpu.memory_space<vmem>>
      %dma_start3A_42 = tpu.memref_squeeze %dma_start3A_41 : memref<1x128xi32, #tpu.memory_space<vmem>> -> memref<128xi32, #tpu.memory_space<vmem>>
      %dma_start3A_43 = arith.constant 0 : i32
      %dma_start3A_44 = arith.constant 0 : i32
      %dma_start3A_45 = tpu.memref_slice %arg10[%dma_start3A_43, %dma_start3A_44] : memref<10240x64xf32, #tpu.memory_space<vmem_shared>> -> memref<10240x64xf32, #tpu.memory_space<vmem_shared>>
      tpu.enqueue_indirect_dma source(%dma_start3A_45 : memref<10240x64xf32, #tpu.memory_space<vmem_shared>>) target(%arg8 : memref<128x64xf32, #tpu.memory_space<vmem>>) offsets(%dma_start3A_42 : memref<128xi32, #tpu.memory_space<vmem>>) semaphore(%arg14 : memref<!tpu.dma_semaphore, #tpu.memory_space<semaphore_mem>>)
      %dma_wait3A = arith.constant 0 : i32
      %dma_wait3A_46 = arith.constant 0 : i32
      %dma_wait3A_47 = tpu.memref_slice %arg6[%dma_wait3A, %dma_wait3A_46] : memref<2x128xi32, #tpu.memory_space<vmem>> -> memref<1x128xi32, #tpu.memory_space<vmem>>
      %dma_wait3A_48 = tpu.memref_squeeze %dma_wait3A_47 : memref<1x128xi32, #tpu.memory_space<vmem>> -> memref<128xi32, #tpu.memory_space<vmem>>
      %dma_wait3A_49 = arith.constant 0 : i32
      %dma_wait3A_50 = arith.constant 0 : i32
      %dma_wait3A_51 = tpu.memref_slice %arg10[%dma_wait3A_49, %dma_wait3A_50] : memref<10240x64xf32, #tpu.memory_space<vmem_shared>> -> memref<10240x64xf32, #tpu.memory_space<vmem_shared>>
      tpu.wait_indirect_dma semaphore(%arg14 : memref<!tpu.dma_semaphore, #tpu.memory_space<semaphore_mem>>) src(%dma_wait3A_51 : memref<10240x64xf32, #tpu.memory_space<vmem_shared>>) dst(%arg8 : memref<128x64xf32, #tpu.memory_space<vmem>>)
      %run_scoped3A = arith.constant 1 : i32
      "tpu.region"() ({
        %run_scoped3A_52 = tpu.sem_alloc : memref<!tpu.dma_semaphore, #tpu.memory_space<semaphore_mem>>
        %dma_start3A_53 = arith.constant 0 : i32
        %dma_start3A_54 = tpu.memref_slice %arg6[%run_scoped3A, %dma_start3A_53] : memref<2x128xi32, #tpu.memory_space<vmem>> -> memref<1x128xi32, #tpu.memory_space<vmem>>
        %dma_start3A_55 = tpu.memref_squeeze %dma_start3A_54 : memref<1x128xi32, #tpu.memory_space<vmem>> -> memref<128xi32, #tpu.memory_space<vmem>>
        %dma_start3A_56 = arith.constant 0 : i32
        %dma_start3A_57 = arith.constant 0 : i32
        %dma_start3A_58 = tpu.memref_slice %arg11[%dma_start3A_56, %dma_start3A_57] : memref<10240x64xf32, #tpu.memory_space<vmem_shared>> -> memref<10240x64xf32, #tpu.memory_space<vmem_shared>>
        tpu.enqueue_indirect_dma source(%arg8 : memref<128x64xf32, #tpu.memory_space<vmem>>) target(%dma_start3A_58 : memref<10240x64xf32, #tpu.memory_space<vmem_shared>>) offsets(%dma_start3A_55 : memref<128xi32, #tpu.memory_space<vmem>>) semaphore(%run_scoped3A_52 : memref<!tpu.dma_semaphore, #tpu.memory_space<semaphore_mem>>) {add = true}
        %dma_wait3A_59 = arith.constant 0 : i32
        %dma_wait3A_60 = tpu.memref_slice %arg6[%run_scoped3A, %dma_wait3A_59] : memref<2x128xi32, #tpu.memory_space<vmem>> -> memref<1x128xi32, #tpu.memory_space<vmem>>
        %dma_wait3A_61 = tpu.memref_squeeze %dma_wait3A_60 : memref<1x128xi32, #tpu.memory_space<vmem>> -> memref<128xi32, #tpu.memory_space<vmem>>
        %dma_wait3A_62 = arith.constant 0 : i32
        %dma_wait3A_63 = arith.constant 0 : i32
        %dma_wait3A_64 = tpu.memref_slice %arg11[%dma_wait3A_62, %dma_wait3A_63] : memref<10240x64xf32, #tpu.memory_space<vmem_shared>> -> memref<10240x64xf32, #tpu.memory_space<vmem_shared>>
        tpu.wait_indirect_dma semaphore(%run_scoped3A_52 : memref<!tpu.dma_semaphore, #tpu.memory_space<semaphore_mem>>) src(%arg8 : memref<128x64xf32, #tpu.memory_space<vmem>>) dst(%dma_wait3A_64 : memref<10240x64xf32, #tpu.memory_space<vmem_shared>>)
        tpu.yield
      }) : () -> ()
    }
    %scan3A_27 = arith.constant 158 : i32
    %barrier3A_28 = arith.constant 0 : index
    tpu.barrier barrier_id(%barrier3A_28)
    %add3A_29 = arith.constant 0 : i32
    %add3A_30 = arith.addi %mul3A_0, %add3A_29 : i32
    "tpu.region"() ({
      %run_scoped3A = tpu.sem_alloc : memref<!tpu.dma_semaphore, #tpu.memory_space<semaphore_mem>>
      %dma_start3A = arith.constant 0 : i32
      %dma_start3A_39 = tpu.memref_slice %arg11[%add3A_30, %dma_start3A] : memref<10240x64xf32, #tpu.memory_space<vmem_shared>> -> memref<128x64xf32, #tpu.memory_space<vmem_shared>>
      %dma_start3A_40 = arith.constant 0 : i32
      %dma_start3A_41 = tpu.memref_slice %arg11[%add3A_30, %dma_start3A_40] : memref<10240x64xf32, #tpu.memory_space<vmem_shared>> -> memref<128x64xf32, #tpu.memory_space<vmem_shared>>
      tpu.enqueue_dma source(%dma_start3A_41 : memref<128x64xf32, #tpu.memory_space<vmem_shared>>) target(%arg8 : memref<128x64xf32, #tpu.memory_space<vmem>>) target_semaphore(%run_scoped3A : memref<!tpu.dma_semaphore, #tpu.memory_space<semaphore_mem>>)
      %dma_wait3A = arith.constant 0 : i32
      %dma_wait3A_42 = tpu.memref_slice %arg11[%add3A_30, %dma_wait3A] : memref<10240x64xf32, #tpu.memory_space<vmem_shared>> -> memref<128x64xf32, #tpu.memory_space<vmem_shared>>
      %dma_wait3A_43 = arith.constant 0 : i32
      %dma_wait3A_44 = tpu.memref_slice %arg11[%add3A_30, %dma_wait3A_43] : memref<10240x64xf32, #tpu.memory_space<vmem_shared>> -> memref<128x64xf32, #tpu.memory_space<vmem_shared>>
      tpu.wait_dma2 semaphore(%run_scoped3A : memref<!tpu.dma_semaphore, #tpu.memory_space<semaphore_mem>>) src(%dma_wait3A_44 : memref<128x64xf32, #tpu.memory_space<vmem_shared>>) dst(%arg8 : memref<128x64xf32, #tpu.memory_space<vmem>>)
      tpu.yield
    }) : () -> ()
    "tpu.region"() ({
      %run_scoped3A = tpu.sem_alloc : memref<!tpu.dma_semaphore, #tpu.memory_space<semaphore_mem>>
      %dma_start3A = arith.constant 0 : i32
      %dma_start3A_39 = tpu.memref_slice %arg5[%arg0, %add3A_30, %dma_start3A] : memref<2x10240x64xf32, #tpu.memory_space<hbm>> -> memref<1x128x64xf32, #tpu.memory_space<hbm>>
      %dma_start3A_40 = tpu.memref_squeeze %dma_start3A_39 : memref<1x128x64xf32, #tpu.memory_space<hbm>> -> memref<128x64xf32, #tpu.memory_space<hbm>>
      %dma_start3A_41 = arith.constant 0 : i32
      %dma_start3A_42 = tpu.memref_slice %arg5[%arg0, %add3A_30, %dma_start3A_41] : memref<2x10240x64xf32, #tpu.memory_space<hbm>> -> memref<1x128x64xf32, #tpu.memory_space<hbm>>
      %dma_start3A_43 = tpu.memref_squeeze %dma_start3A_42 : memref<1x128x64xf32, #tpu.memory_space<hbm>> -> memref<128x64xf32, #tpu.memory_space<hbm>>
      tpu.enqueue_dma source(%arg8 : memref<128x64xf32, #tpu.memory_space<vmem>>) target(%dma_start3A_43 : memref<128x64xf32, #tpu.memory_space<hbm>>) target_semaphore(%run_scoped3A : memref<!tpu.dma_semaphore, #tpu.memory_space<semaphore_mem>>)
      %dma_wait3A = arith.constant 0 : i32
      %dma_wait3A_44 = tpu.memref_slice %arg5[%arg0, %add3A_30, %dma_wait3A] : memref<2x10240x64xf32, #tpu.memory_space<hbm>> -> memref<1x128x64xf32, #tpu.memory_space<hbm>>
      %dma_wait3A_45 = tpu.memref_squeeze %dma_wait3A_44 : memref<1x128x64xf32, #tpu.memory_space<hbm>> -> memref<128x64xf32, #tpu.memory_space<hbm>>
      %dma_wait3A_46 = arith.constant 0 : i32
      %dma_wait3A_47 = tpu.memref_slice %arg5[%arg0, %add3A_30, %dma_wait3A_46] : memref<2x10240x64xf32, #tpu.memory_space<hbm>> -> memref<1x128x64xf32, #tpu.memory_space<hbm>>
      %dma_wait3A_48 = tpu.memref_squeeze %dma_wait3A_47 : memref<1x128x64xf32, #tpu.memory_space<hbm>> -> memref<128x64xf32, #tpu.memory_space<hbm>>
      tpu.wait_dma2 semaphore(%run_scoped3A : memref<!tpu.dma_semaphore, #tpu.memory_space<semaphore_mem>>) src(%arg8 : memref<128x64xf32, #tpu.memory_space<vmem>>) dst(%dma_wait3A_48 : memref<128x64xf32, #tpu.memory_space<hbm>>)
      tpu.yield
    }) : () -> ()
    %add3A_31 = arith.constant 128 : i32
    %add3A_32 = arith.addi %mul3A_0, %add3A_31 : i32
    "tpu.region"() ({
      %run_scoped3A = tpu.sem_alloc : memref<!tpu.dma_semaphore, #tpu.memory_space<semaphore_mem>>
      %dma_start3A = arith.constant 0 : i32
      %dma_start3A_39 = tpu.memref_slice %arg11[%add3A_32, %dma_start3A] : memref<10240x64xf32, #tpu.memory_space<vmem_shared>> -> memref<128x64xf32, #tpu.memory_space<vmem_shared>>
      %dma_start3A_40 = arith.constant 0 : i32
      %dma_start3A_41 = tpu.memref_slice %arg11[%add3A_32, %dma_start3A_40] : memref<10240x64xf32, #tpu.memory_space<vmem_shared>> -> memref<128x64xf32, #tpu.memory_space<vmem_shared>>
      tpu.enqueue_dma source(%dma_start3A_41 : memref<128x64xf32, #tpu.memory_space<vmem_shared>>) target(%arg8 : memref<128x64xf32, #tpu.memory_space<vmem>>) target_semaphore(%run_scoped3A : memref<!tpu.dma_semaphore, #tpu.memory_space<semaphore_mem>>)
      %dma_wait3A = arith.constant 0 : i32
      %dma_wait3A_42 = tpu.memref_slice %arg11[%add3A_32, %dma_wait3A] : memref<10240x64xf32, #tpu.memory_space<vmem_shared>> -> memref<128x64xf32, #tpu.memory_space<vmem_shared>>
      %dma_wait3A_43 = arith.constant 0 : i32
      %dma_wait3A_44 = tpu.memref_slice %arg11[%add3A_32, %dma_wait3A_43] : memref<10240x64xf32, #tpu.memory_space<vmem_shared>> -> memref<128x64xf32, #tpu.memory_space<vmem_shared>>
      tpu.wait_dma2 semaphore(%run_scoped3A : memref<!tpu.dma_semaphore, #tpu.memory_space<semaphore_mem>>) src(%dma_wait3A_44 : memref<128x64xf32, #tpu.memory_space<vmem_shared>>) dst(%arg8 : memref<128x64xf32, #tpu.memory_space<vmem>>)
      tpu.yield
    }) : () -> ()
    "tpu.region"() ({
      %run_scoped3A = tpu.sem_alloc : memref<!tpu.dma_semaphore, #tpu.memory_space<semaphore_mem>>
      %dma_start3A = arith.constant 0 : i32
      %dma_start3A_39 = tpu.memref_slice %arg5[%arg0, %add3A_32, %dma_start3A] : memref<2x10240x64xf32, #tpu.memory_space<hbm>> -> memref<1x128x64xf32, #tpu.memory_space<hbm>>
      %dma_start3A_40 = tpu.memref_squeeze %dma_start3A_39 : memref<1x128x64xf32, #tpu.memory_space<hbm>> -> memref<128x64xf32, #tpu.memory_space<hbm>>
      %dma_start3A_41 = arith.constant 0 : i32
      %dma_start3A_42 = tpu.memref_slice %arg5[%arg0, %add3A_32, %dma_start3A_41] : memref<2x10240x64xf32, #tpu.memory_space<hbm>> -> memref<1x128x64xf32, #tpu.memory_space<hbm>>
      %dma_start3A_43 = tpu.memref_squeeze %dma_start3A_42 : memref<1x128x64xf32, #tpu.memory_space<hbm>> -> memref<128x64xf32, #tpu.memory_space<hbm>>
      tpu.enqueue_dma source(%arg8 : memref<128x64xf32, #tpu.memory_space<vmem>>) target(%dma_start3A_43 : memref<128x64xf32, #tpu.memory_space<hbm>>) target_semaphore(%run_scoped3A : memref<!tpu.dma_semaphore, #tpu.memory_space<semaphore_mem>>)
      %dma_wait3A = arith.constant 0 : i32
      %dma_wait3A_44 = tpu.memref_slice %arg5[%arg0, %add3A_32, %dma_wait3A] : memref<2x10240x64xf32, #tpu.memory_space<hbm>> -> memref<1x128x64xf32, #tpu.memory_space<hbm>>
      %dma_wait3A_45 = tpu.memref_squeeze %dma_wait3A_44 : memref<1x128x64xf32, #tpu.memory_space<hbm>> -> memref<128x64xf32, #tpu.memory_space<hbm>>
      %dma_wait3A_46 = arith.constant 0 : i32
      %dma_wait3A_47 = tpu.memref_slice %arg5[%arg0, %add3A_32, %dma_wait3A_46] : memref<2x10240x64xf32, #tpu.memory_space<hbm>> -> memref<1x128x64xf32, #tpu.memory_space<hbm>>
      %dma_wait3A_48 = tpu.memref_squeeze %dma_wait3A_47 : memref<1x128x64xf32, #tpu.memory_space<hbm>> -> memref<128x64xf32, #tpu.memory_space<hbm>>
      tpu.wait_dma2 semaphore(%run_scoped3A : memref<!tpu.dma_semaphore, #tpu.memory_space<semaphore_mem>>) src(%arg8 : memref<128x64xf32, #tpu.memory_space<vmem>>) dst(%dma_wait3A_48 : memref<128x64xf32, #tpu.memory_space<hbm>>)
      tpu.yield
    }) : () -> ()
    %add3A_33 = arith.constant 256 : i32
    %add3A_34 = arith.addi %mul3A_0, %add3A_33 : i32
    "tpu.region"() ({
      %run_scoped3A = tpu.sem_alloc : memref<!tpu.dma_semaphore, #tpu.memory_space<semaphore_mem>>
      %dma_start3A = arith.constant 0 : i32
      %dma_start3A_39 = tpu.memref_slice %arg11[%add3A_34, %dma_start3A] : memref<10240x64xf32, #tpu.memory_space<vmem_shared>> -> memref<128x64xf32, #tpu.memory_space<vmem_shared>>
      %dma_start3A_40 = arith.constant 0 : i32
      %dma_start3A_41 = tpu.memref_slice %arg11[%add3A_34, %dma_start3A_40] : memref<10240x64xf32, #tpu.memory_space<vmem_shared>> -> memref<128x64xf32, #tpu.memory_space<vmem_shared>>
      tpu.enqueue_dma source(%dma_start3A_41 : memref<128x64xf32, #tpu.memory_space<vmem_shared>>) target(%arg8 : memref<128x64xf32, #tpu.memory_space<vmem>>) target_semaphore(%run_scoped3A : memref<!tpu.dma_semaphore, #tpu.memory_space<semaphore_mem>>)
      %dma_wait3A = arith.constant 0 : i32
      %dma_wait3A_42 = tpu.memref_slice %arg11[%add3A_34, %dma_wait3A] : memref<10240x64xf32, #tpu.memory_space<vmem_shared>> -> memref<128x64xf32, #tpu.memory_space<vmem_shared>>
      %dma_wait3A_43 = arith.constant 0 : i32
      %dma_wait3A_44 = tpu.memref_slice %arg11[%add3A_34, %dma_wait3A_43] : memref<10240x64xf32, #tpu.memory_space<vmem_shared>> -> memref<128x64xf32, #tpu.memory_space<vmem_shared>>
      tpu.wait_dma2 semaphore(%run_scoped3A : memref<!tpu.dma_semaphore, #tpu.memory_space<semaphore_mem>>) src(%dma_wait3A_44 : memref<128x64xf32, #tpu.memory_space<vmem_shared>>) dst(%arg8 : memref<128x64xf32, #tpu.memory_space<vmem>>)
      tpu.yield
    }) : () -> ()
    "tpu.region"() ({
      %run_scoped3A = tpu.sem_alloc : memref<!tpu.dma_semaphore, #tpu.memory_space<semaphore_mem>>
      %dma_start3A = arith.constant 0 : i32
      %dma_start3A_39 = tpu.memref_slice %arg5[%arg0, %add3A_34, %dma_start3A] : memref<2x10240x64xf32, #tpu.memory_space<hbm>> -> memref<1x128x64xf32, #tpu.memory_space<hbm>>
      %dma_start3A_40 = tpu.memref_squeeze %dma_start3A_39 : memref<1x128x64xf32, #tpu.memory_space<hbm>> -> memref<128x64xf32, #tpu.memory_space<hbm>>
      %dma_start3A_41 = arith.constant 0 : i32
      %dma_start3A_42 = tpu.memref_slice %arg5[%arg0, %add3A_34, %dma_start3A_41] : memref<2x10240x64xf32, #tpu.memory_space<hbm>> -> memref<1x128x64xf32, #tpu.memory_space<hbm>>
      %dma_start3A_43 = tpu.memref_squeeze %dma_start3A_42 : memref<1x128x64xf32, #tpu.memory_space<hbm>> -> memref<128x64xf32, #tpu.memory_space<hbm>>
      tpu.enqueue_dma source(%arg8 : memref<128x64xf32, #tpu.memory_space<vmem>>) target(%dma_start3A_43 : memref<128x64xf32, #tpu.memory_space<hbm>>) target_semaphore(%run_scoped3A : memref<!tpu.dma_semaphore, #tpu.memory_space<semaphore_mem>>)
      %dma_wait3A = arith.constant 0 : i32
      %dma_wait3A_44 = tpu.memref_slice %arg5[%arg0, %add3A_34, %dma_wait3A] : memref<2x10240x64xf32, #tpu.memory_space<hbm>> -> memref<1x128x64xf32, #tpu.memory_space<hbm>>
      %dma_wait3A_45 = tpu.memref_squeeze %dma_wait3A_44 : memref<1x128x64xf32, #tpu.memory_space<hbm>> -> memref<128x64xf32, #tpu.memory_space<hbm>>
      %dma_wait3A_46 = arith.constant 0 : i32
      %dma_wait3A_47 = tpu.memref_slice %arg5[%arg0, %add3A_34, %dma_wait3A_46] : memref<2x10240x64xf32, #tpu.memory_space<hbm>> -> memref<1x128x64xf32, #tpu.memory_space<hbm>>
      %dma_wait3A_48 = tpu.memref_squeeze %dma_wait3A_47 : memref<1x128x64xf32, #tpu.memory_space<hbm>> -> memref<128x64xf32, #tpu.memory_space<hbm>>
      tpu.wait_dma2 semaphore(%run_scoped3A : memref<!tpu.dma_semaphore, #tpu.memory_space<semaphore_mem>>) src(%arg8 : memref<128x64xf32, #tpu.memory_space<vmem>>) dst(%dma_wait3A_48 : memref<128x64xf32, #tpu.memory_space<hbm>>)
      tpu.yield
    }) : () -> ()
    %add3A_35 = arith.constant 384 : i32
    %add3A_36 = arith.addi %mul3A_0, %add3A_35 : i32
    "tpu.region"() ({
      %run_scoped3A = tpu.sem_alloc : memref<!tpu.dma_semaphore, #tpu.memory_space<semaphore_mem>>
      %dma_start3A = arith.constant 0 : i32
      %dma_start3A_39 = tpu.memref_slice %arg11[%add3A_36, %dma_start3A] : memref<10240x64xf32, #tpu.memory_space<vmem_shared>> -> memref<128x64xf32, #tpu.memory_space<vmem_shared>>
      %dma_start3A_40 = arith.constant 0 : i32
      %dma_start3A_41 = tpu.memref_slice %arg11[%add3A_36, %dma_start3A_40] : memref<10240x64xf32, #tpu.memory_space<vmem_shared>> -> memref<128x64xf32, #tpu.memory_space<vmem_shared>>
      tpu.enqueue_dma source(%dma_start3A_41 : memref<128x64xf32, #tpu.memory_space<vmem_shared>>) target(%arg8 : memref<128x64xf32, #tpu.memory_space<vmem>>) target_semaphore(%run_scoped3A : memref<!tpu.dma_semaphore, #tpu.memory_space<semaphore_mem>>)
      %dma_wait3A = arith.constant 0 : i32
      %dma_wait3A_42 = tpu.memref_slice %arg11[%add3A_36, %dma_wait3A] : memref<10240x64xf32, #tpu.memory_space<vmem_shared>> -> memref<128x64xf32, #tpu.memory_space<vmem_shared>>
      %dma_wait3A_43 = arith.constant 0 : i32
      %dma_wait3A_44 = tpu.memref_slice %arg11[%add3A_36, %dma_wait3A_43] : memref<10240x64xf32, #tpu.memory_space<vmem_shared>> -> memref<128x64xf32, #tpu.memory_space<vmem_shared>>
      tpu.wait_dma2 semaphore(%run_scoped3A : memref<!tpu.dma_semaphore, #tpu.memory_space<semaphore_mem>>) src(%dma_wait3A_44 : memref<128x64xf32, #tpu.memory_space<vmem_shared>>) dst(%arg8 : memref<128x64xf32, #tpu.memory_space<vmem>>)
      tpu.yield
    }) : () -> ()
    "tpu.region"() ({
      %run_scoped3A = tpu.sem_alloc : memref<!tpu.dma_semaphore, #tpu.memory_space<semaphore_mem>>
      %dma_start3A = arith.constant 0 : i32
      %dma_start3A_39 = tpu.memref_slice %arg5[%arg0, %add3A_36, %dma_start3A] : memref<2x10240x64xf32, #tpu.memory_space<hbm>> -> memref<1x128x64xf32, #tpu.memory_space<hbm>>
      %dma_start3A_40 = tpu.memref_squeeze %dma_start3A_39 : memref<1x128x64xf32, #tpu.memory_space<hbm>> -> memref<128x64xf32, #tpu.memory_space<hbm>>
      %dma_start3A_41 = arith.constant 0 : i32
      %dma_start3A_42 = tpu.memref_slice %arg5[%arg0, %add3A_36, %dma_start3A_41] : memref<2x10240x64xf32, #tpu.memory_space<hbm>> -> memref<1x128x64xf32, #tpu.memory_space<hbm>>
      %dma_start3A_43 = tpu.memref_squeeze %dma_start3A_42 : memref<1x128x64xf32, #tpu.memory_space<hbm>> -> memref<128x64xf32, #tpu.memory_space<hbm>>
      tpu.enqueue_dma source(%arg8 : memref<128x64xf32, #tpu.memory_space<vmem>>) target(%dma_start3A_43 : memref<128x64xf32, #tpu.memory_space<hbm>>) target_semaphore(%run_scoped3A : memref<!tpu.dma_semaphore, #tpu.memory_space<semaphore_mem>>)
      %dma_wait3A = arith.constant 0 : i32
      %dma_wait3A_44 = tpu.memref_slice %arg5[%arg0, %add3A_36, %dma_wait3A] : memref<2x10240x64xf32, #tpu.memory_space<hbm>> -> memref<1x128x64xf32, #tpu.memory_space<hbm>>
      %dma_wait3A_45 = tpu.memref_squeeze %dma_wait3A_44 : memref<1x128x64xf32, #tpu.memory_space<hbm>> -> memref<128x64xf32, #tpu.memory_space<hbm>>
      %dma_wait3A_46 = arith.constant 0 : i32
      %dma_wait3A_47 = tpu.memref_slice %arg5[%arg0, %add3A_36, %dma_wait3A_46] : memref<2x10240x64xf32, #tpu.memory_space<hbm>> -> memref<1x128x64xf32, #tpu.memory_space<hbm>>
      %dma_wait3A_48 = tpu.memref_squeeze %dma_wait3A_47 : memref<1x128x64xf32, #tpu.memory_space<hbm>> -> memref<128x64xf32, #tpu.memory_space<hbm>>
      tpu.wait_dma2 semaphore(%run_scoped3A : memref<!tpu.dma_semaphore, #tpu.memory_space<semaphore_mem>>) src(%arg8 : memref<128x64xf32, #tpu.memory_space<vmem>>) dst(%dma_wait3A_48 : memref<128x64xf32, #tpu.memory_space<hbm>>)
      tpu.yield
    }) : () -> ()
    %add3A_37 = arith.constant 512 : i32
    %add3A_38 = arith.addi %mul3A_0, %add3A_37 : i32
    "tpu.region"() ({
      %run_scoped3A = tpu.sem_alloc : memref<!tpu.dma_semaphore, #tpu.memory_space<semaphore_mem>>
      %dma_start3A = arith.constant 0 : i32
      %dma_start3A_39 = tpu.memref_slice %arg11[%add3A_38, %dma_start3A] : memref<10240x64xf32, #tpu.memory_space<vmem_shared>> -> memref<128x64xf32, #tpu.memory_space<vmem_shared>>
      %dma_start3A_40 = arith.constant 0 : i32
      %dma_start3A_41 = tpu.memref_slice %arg11[%add3A_38, %dma_start3A_40] : memref<10240x64xf32, #tpu.memory_space<vmem_shared>> -> memref<128x64xf32, #tpu.memory_space<vmem_shared>>
      tpu.enqueue_dma source(%dma_start3A_41 : memref<128x64xf32, #tpu.memory_space<vmem_shared>>) target(%arg8 : memref<128x64xf32, #tpu.memory_space<vmem>>) target_semaphore(%run_scoped3A : memref<!tpu.dma_semaphore, #tpu.memory_space<semaphore_mem>>)
      %dma_wait3A = arith.constant 0 : i32
      %dma_wait3A_42 = tpu.memref_slice %arg11[%add3A_38, %dma_wait3A] : memref<10240x64xf32, #tpu.memory_space<vmem_shared>> -> memref<128x64xf32, #tpu.memory_space<vmem_shared>>
      %dma_wait3A_43 = arith.constant 0 : i32
      %dma_wait3A_44 = tpu.memref_slice %arg11[%add3A_38, %dma_wait3A_43] : memref<10240x64xf32, #tpu.memory_space<vmem_shared>> -> memref<128x64xf32, #tpu.memory_space<vmem_shared>>
      tpu.wait_dma2 semaphore(%run_scoped3A : memref<!tpu.dma_semaphore, #tpu.memory_space<semaphore_mem>>) src(%dma_wait3A_44 : memref<128x64xf32, #tpu.memory_space<vmem_shared>>) dst(%arg8 : memref<128x64xf32, #tpu.memory_space<vmem>>)
      tpu.yield
    }) : () -> ()
    "tpu.region"() ({
      %run_scoped3A = tpu.sem_alloc : memref<!tpu.dma_semaphore, #tpu.memory_space<semaphore_mem>>
      %dma_start3A = arith.constant 0 : i32
      %dma_start3A_39 = tpu.memref_slice %arg5[%arg0, %add3A_38, %dma_start3A] : memref<2x10240x64xf32, #tpu.memory_space<hbm>> -> memref<1x128x64xf32, #tpu.memory_space<hbm>>
      %dma_start3A_40 = tpu.memref_squeeze %dma_start3A_39 : memref<1x128x64xf32, #tpu.memory_space<hbm>> -> memref<128x64xf32, #tpu.memory_space<hbm>>
      %dma_start3A_41 = arith.constant 0 : i32
      %dma_start3A_42 = tpu.memref_slice %arg5[%arg0, %add3A_38, %dma_start3A_41] : memref<2x10240x64xf32, #tpu.memory_space<hbm>> -> memref<1x128x64xf32, #tpu.memory_space<hbm>>
      %dma_start3A_43 = tpu.memref_squeeze %dma_start3A_42 : memref<1x128x64xf32, #tpu.memory_space<hbm>> -> memref<128x64xf32, #tpu.memory_space<hbm>>
      tpu.enqueue_dma source(%arg8 : memref<128x64xf32, #tpu.memory_space<vmem>>) target(%dma_start3A_43 : memref<128x64xf32, #tpu.memory_space<hbm>>) target_semaphore(%run_scoped3A : memref<!tpu.dma_semaphore, #tpu.memory_space<semaphore_mem>>)
      %dma_wait3A = arith.constant 0 : i32
      %dma_wait3A_44 = tpu.memref_slice %arg5[%arg0, %add3A_38, %dma_wait3A] : memref<2x10240x64xf32, #tpu.memory_space<hbm>> -> memref<1x128x64xf32, #tpu.memory_space<hbm>>
      %dma_wait3A_45 = tpu.memref_squeeze %dma_wait3A_44 : memref<1x128x64xf32, #tpu.memory_space<hbm>> -> memref<128x64xf32, #tpu.memory_space<hbm>>
      %dma_wait3A_46 = arith.constant 0 : i32
      %dma_wait3A_47 = tpu.memref_slice %arg5[%arg0, %add3A_38, %dma_wait3A_46] : memref<2x10240x64xf32, #tpu.memory_space<hbm>> -> memref<1x128x64xf32, #tpu.memory_space<hbm>>
      %dma_wait3A_48 = tpu.memref_squeeze %dma_wait3A_47 : memref<1x128x64xf32, #tpu.memory_space<hbm>> -> memref<128x64xf32, #tpu.memory_space<hbm>>
      tpu.wait_dma2 semaphore(%run_scoped3A : memref<!tpu.dma_semaphore, #tpu.memory_space<semaphore_mem>>) src(%arg8 : memref<128x64xf32, #tpu.memory_space<vmem>>) dst(%dma_wait3A_48 : memref<128x64xf32, #tpu.memory_space<hbm>>)
      tpu.yield
    }) : () -> ()
    return
  }
}

module attributes {stable_mosaic.version = 14 : i64} {
  func.func @_tc1_body(%arg0: i32, %arg1: memref<1000x8xf32, #tpu.memory_space<vmem>>, %arg2: memref<1000x8xf32, #tpu.memory_space<vmem>>, %arg3: memref<1000x128xf32, #tpu.memory_space<vmem>>, %arg4: memref<128x128xf32, #tpu.memory_space<vmem>>, %arg5: memref<1000x64xf32, #tpu.memory_space<vmem>>, %arg6: memref<1000x64xf32, #tpu.memory_space<vmem>>) attributes {dimension_semantics = [#tpu.dimension_semantics<arbitrary>], iteration_bounds = array<i64: 10>, scalar_prefetch = 0 : i64, scratch_operands = 0 : i64, tpu.core_type = #tpu.core_type<tc>, window_params = [{transform_indices = @transform_0, window_bounds = array<i64: 1000, 8>}, {transform_indices = @transform_1, window_bounds = array<i64: 1000, 8>}, {transform_indices = @transform_2, window_bounds = array<i64: 1000, 128>}, {pipeline_mode = #tpu.pipeline_mode<synchronous>, transform_indices = @transform_3, window_bounds = array<i64: 128, 128>}, {transform_indices = @transform_4, window_bounds = array<i64: 1000, 64>}, {transform_indices = @transform_5, window_bounds = array<i64: 1000, 64>}]} {
    %get3A = arith.constant 0 : index
    %get3A_0 = arith.constant 0 : index
    %get3A_1 = vector.load %arg1[%get3A, %get3A_0] : memref<1000x8xf32, #tpu.memory_space<vmem>>, vector<1000x8xf32>
    %get3A_2 = arith.constant 0 : index
    %get3A_3 = arith.constant 0 : index
    %get3A_4 = vector.load %arg2[%get3A_2, %get3A_3] : memref<1000x8xf32, #tpu.memory_space<vmem>>, vector<1000x8xf32>
    %slice3A = vector.extract_strided_slice %get3A_1 {offsets = [0, 0], sizes = [1000, 1], strides = [1, 1]} : vector<1000x8xf32> to vector<1000x1xf32>
    %slice3A_5 = vector.extract_strided_slice %get3A_4 {offsets = [0, 0], sizes = [1000, 1], strides = [1, 1]} : vector<1000x8xf32> to vector<1000x1xf32>
    %add3A = arith.addf %slice3A, %slice3A_5 : vector<1000x1xf32>
    %add3A_6 = arith.constant 1.000000e+00 : f32
    %add3A_7 = vector.broadcast %add3A_6 : f32 to vector<1000x1xf32>
    %add3A_8 = arith.addf %add3A, %add3A_7 : vector<1000x1xf32>
    %rsqrt3A = math.rsqrt %add3A_8 : vector<1000x1xf32>
    %get3A_9 = arith.constant 0 : index
    %get3A_10 = arith.constant 0 : index
    %get3A_11 = vector.load %arg3[%get3A_9, %get3A_10] : memref<1000x128xf32, #tpu.memory_space<vmem>>, vector<1000x128xf32>
    %get3A_12 = arith.constant 0 : index
    %get3A_13 = arith.constant 0 : index
    %get3A_14 = vector.load %arg4[%get3A_12, %get3A_13] : memref<128x128xf32, #tpu.memory_space<vmem>>, vector<128x128xf32>
    %dot_general3A = arith.constant dense<0.000000e+00> : vector<1000x128xf32>
    %dot_general3A_15 = tpu.matmul %get3A_11, %get3A_14, %dot_general3A {dimension_numbers = #tpu.dot_dimension_numbers<[1], [0], [0], [1], [0, 0, 1, 1], [], []>, transpose_lhs_hint = false} : vector<1000x128xf32>, vector<128x128xf32>, vector<1000x128xf32> -> vector<1000x128xf32>
    %mul3A = vector.broadcast %rsqrt3A : vector<1000x1xf32> to vector<1000x128xf32>
    %mul3A_16 = arith.mulf %mul3A, %dot_general3A_15 : vector<1000x128xf32>
    %slice3A_17 = vector.extract_strided_slice %mul3A_16 {offsets = [0, 0], sizes = [1000, 64], strides = [1, 1]} : vector<1000x128xf32> to vector<1000x64xf32>
    %swap3A = arith.constant 0 : index
    %swap3A_18 = arith.constant 0 : index
    %swap3A_19 = vector.load %arg5[%swap3A, %swap3A_18] : memref<1000x64xf32, #tpu.memory_space<vmem>>, vector<1000x64xf32>
    tpu.vector_store %arg5[%swap3A, %swap3A_18], %slice3A_17 {strides = array<i32>} : memref<1000x64xf32, #tpu.memory_space<vmem>>, vector<1000x64xf32>,
    %slice3A_20 = vector.extract_strided_slice %mul3A_16 {offsets = [0, 64], sizes = [1000, 64], strides = [1, 1]} : vector<1000x128xf32> to vector<1000x64xf32>
    %swap3A_21 = arith.constant 0 : index
    %swap3A_22 = arith.constant 0 : index
    %swap3A_23 = vector.load %arg6[%swap3A_21, %swap3A_22] : memref<1000x64xf32, #tpu.memory_space<vmem>>, vector<1000x64xf32>
    tpu.vector_store %arg6[%swap3A_21, %swap3A_22], %slice3A_20 {strides = array<i32>} : memref<1000x64xf32, #tpu.memory_space<vmem>>, vector<1000x64xf32>,
    return
  }
  func.func @transform_0(%arg0: i32) -> (i32, i32) {
    %c0_i32 = arith.constant 0 : i32
    %c0_i32_0 = arith.constant 0 : i32
    return %arg0, %c0_i32 : i32, i32
  }
  func.func @transform_1(%arg0: i32) -> (i32, i32) {
    %c0_i32 = arith.constant 0 : i32
    %c0_i32_0 = arith.constant 0 : i32
    return %arg0, %c0_i32 : i32, i32
  }
  func.func @transform_2(%arg0: i32) -> (i32, i32) {
    %c0_i32 = arith.constant 0 : i32
    %c0_i32_0 = arith.constant 0 : i32
    return %arg0, %c0_i32 : i32, i32
  }
  func.func @transform_3(%arg0: i32) -> (i32, i32) {
    %c0_i32 = arith.constant 0 : i32
    %c0_i32_0 = arith.constant 0 : i32
    %c0_i32_1 = arith.constant 0 : i32
    return %c0_i32, %c0_i32_0 : i32, i32
  }
  func.func @transform_4(%arg0: i32) -> (i32, i32) {
    %c0_i32 = arith.constant 0 : i32
    %c0_i32_0 = arith.constant 0 : i32
    return %arg0, %c0_i32 : i32, i32
  }
  func.func @transform_5(%arg0: i32) -> (i32, i32) {
    %c0_i32 = arith.constant 0 : i32
    %c0_i32_0 = arith.constant 0 : i32
    return %arg0, %c0_i32 : i32, i32
  }
}

module attributes {stable_mosaic.version = 14 : i64} {
  func.func @_tc2_body(%arg0: i32, %arg1: memref<1000x8xf32, #tpu.memory_space<vmem>>, %arg2: memref<1000x8xf32, #tpu.memory_space<vmem>>, %arg3: memref<1000x64xf32, #tpu.memory_space<vmem>>, %arg4: memref<1000x64xf32, #tpu.memory_space<vmem>>, %arg5: memref<1000x64xf32, #tpu.memory_space<vmem>>, %arg6: memref<1000x64xf32, #tpu.memory_space<vmem>>, %arg7: memref<1x128xf32, #tpu.memory_space<vmem>>, %arg8: memref<128x64xf32, #tpu.memory_space<vmem>>, %arg9: memref<1000x32xf32, #tpu.memory_space<vmem>>, %arg10: memref<1000x32xf32, #tpu.memory_space<vmem>>) attributes {dimension_semantics = [#tpu.dimension_semantics<arbitrary>], iteration_bounds = array<i64: 10>, scalar_prefetch = 0 : i64, scratch_operands = 0 : i64, tpu.core_type = #tpu.core_type<tc>, window_params = [{transform_indices = @transform_0, window_bounds = array<i64: 1000, 8>}, {transform_indices = @transform_1, window_bounds = array<i64: 1000, 8>}, {transform_indices = @transform_2, window_bounds = array<i64: 1000, 64>}, {transform_indices = @transform_3, window_bounds = array<i64: 1000, 64>}, {transform_indices = @transform_4, window_bounds = array<i64: 1000, 64>}, {transform_indices = @transform_5, window_bounds = array<i64: 1000, 64>}, {pipeline_mode = #tpu.pipeline_mode<synchronous>, transform_indices = @transform_6, window_bounds = array<i64: 1, 128>}, {pipeline_mode = #tpu.pipeline_mode<synchronous>, transform_indices = @transform_7, window_bounds = array<i64: 128, 64>}, {transform_indices = @transform_8, window_bounds = array<i64: 1000, 32>}, {transform_indices = @transform_9, window_bounds = array<i64: 1000, 32>}]} {
    %get3A = arith.constant 0 : index
    %get3A_0 = arith.constant 0 : index
    %get3A_1 = vector.load %arg1[%get3A, %get3A_0] : memref<1000x8xf32, #tpu.memory_space<vmem>>, vector<1000x8xf32>
    %get3A_2 = arith.constant 0 : index
    %get3A_3 = arith.constant 0 : index
    %get3A_4 = vector.load %arg2[%get3A_2, %get3A_3] : memref<1000x8xf32, #tpu.memory_space<vmem>>, vector<1000x8xf32>
    %slice3A = vector.extract_strided_slice %get3A_1 {offsets = [0, 0], sizes = [1000, 1], strides = [1, 1]} : vector<1000x8xf32> to vector<1000x1xf32>
    %slice3A_5 = vector.extract_strided_slice %get3A_4 {offsets = [0, 0], sizes = [1000, 1], strides = [1, 1]} : vector<1000x8xf32> to vector<1000x1xf32>
    %add3A = arith.addf %slice3A, %slice3A_5 : vector<1000x1xf32>
    %add3A_6 = arith.constant 1.000000e+00 : f32
    %add3A_7 = vector.broadcast %add3A_6 : f32 to vector<1000x1xf32>
    %add3A_8 = arith.addf %add3A, %add3A_7 : vector<1000x1xf32>
    %rsqrt3A = math.rsqrt %add3A_8 : vector<1000x1xf32>
    %get3A_9 = arith.constant 0 : index
    %get3A_10 = arith.constant 0 : index
    %get3A_11 = vector.load %arg3[%get3A_9, %get3A_10] : memref<1000x64xf32, #tpu.memory_space<vmem>>, vector<1000x64xf32>
    %get3A_12 = arith.constant 0 : index
    %get3A_13 = arith.constant 0 : index
    %get3A_14 = vector.load %arg5[%get3A_12, %get3A_13] : memref<1000x64xf32, #tpu.memory_space<vmem>>, vector<1000x64xf32>
    %add3A_15 = arith.addf %get3A_11, %get3A_14 : vector<1000x64xf32>
    %get3A_16 = arith.constant 0 : index
    %get3A_17 = arith.constant 0 : index
    %get3A_18 = vector.load %arg4[%get3A_16, %get3A_17] : memref<1000x64xf32, #tpu.memory_space<vmem>>, vector<1000x64xf32>
    %get3A_19 = arith.constant 0 : index
    %get3A_20 = arith.constant 0 : index
    %get3A_21 = vector.load %arg6[%get3A_19, %get3A_20] : memref<1000x64xf32, #tpu.memory_space<vmem>>, vector<1000x64xf32>
    %add3A_22 = arith.addf %get3A_18, %get3A_21 : vector<1000x64xf32>
    %concatenate3A = tpu.concatenate %add3A_15, %add3A_22 in 1 : vector<1000x64xf32>, vector<1000x64xf32> -> vector<1000x128xf32>
    %mul3A = vector.broadcast %rsqrt3A : vector<1000x1xf32> to vector<1000x128xf32>
    %mul3A_23 = arith.mulf %mul3A, %concatenate3A : vector<1000x128xf32>
    %get3A_24 = arith.constant 0 : index
    %get3A_25 = arith.constant 0 : index
    %get3A_26 = vector.load %arg7[%get3A_24, %get3A_25] : memref<1x128xf32, #tpu.memory_space<vmem>>, vector<1x128xf32>
    %add3A_27 = vector.broadcast %get3A_26 : vector<1x128xf32> to vector<1000x128xf32>
    %add3A_28 = arith.addf %mul3A_23, %add3A_27 : vector<1000x128xf32>
    %max3A = arith.constant 0.000000e+00 : f32
    %max3A_29 = vector.broadcast %max3A : f32 to vector<1000x128xf32>
    %max3A_30 = arith.maximumf %add3A_28, %max3A_29 : vector<1000x128xf32>
    %get3A_31 = arith.constant 0 : index
    %get3A_32 = arith.constant 0 : index
    %get3A_33 = vector.load %arg8[%get3A_31, %get3A_32] : memref<128x64xf32, #tpu.memory_space<vmem>>, vector<128x64xf32>
    %dot_general3A = arith.constant dense<0.000000e+00> : vector<1000x64xf32>
    %dot_general3A_34 = tpu.matmul %max3A_30, %get3A_33, %dot_general3A {dimension_numbers = #tpu.dot_dimension_numbers<[1], [0], [0], [1], [0, 0, 1, 1], [], []>, transpose_lhs_hint = false} : vector<1000x128xf32>, vector<128x64xf32>, vector<1000x64xf32> -> vector<1000x64xf32>
    %mul3A_35 = vector.broadcast %rsqrt3A : vector<1000x1xf32> to vector<1000x64xf32>
    %mul3A_36 = arith.mulf %mul3A_35, %dot_general3A_34 : vector<1000x64xf32>
    %slice3A_37 = vector.extract_strided_slice %mul3A_36 {offsets = [0, 0], sizes = [1000, 32], strides = [1, 1]} : vector<1000x64xf32> to vector<1000x32xf32>
    %swap3A = arith.constant 0 : index
    %swap3A_38 = arith.constant 0 : index
    %swap3A_39 = vector.load %arg9[%swap3A, %swap3A_38] : memref<1000x32xf32, #tpu.memory_space<vmem>>, vector<1000x32xf32>
    tpu.vector_store %arg9[%swap3A, %swap3A_38], %slice3A_37 {strides = array<i32>} : memref<1000x32xf32, #tpu.memory_space<vmem>>, vector<1000x32xf32>,
    %slice3A_40 = vector.extract_strided_slice %mul3A_36 {offsets = [0, 32], sizes = [1000, 32], strides = [1, 1]} : vector<1000x64xf32> to vector<1000x32xf32>
    %swap3A_41 = arith.constant 0 : index
    %swap3A_42 = arith.constant 0 : index
    %swap3A_43 = vector.load %arg10[%swap3A_41, %swap3A_42] : memref<1000x32xf32, #tpu.memory_space<vmem>>, vector<1000x32xf32>
    tpu.vector_store %arg10[%swap3A_41, %swap3A_42], %slice3A_40 {strides = array<i32>} : memref<1000x32xf32, #tpu.memory_space<vmem>>, vector<1000x32xf32>,
    return
  }
  func.func @transform_0(%arg0: i32) -> (i32, i32) {
    %c0_i32 = arith.constant 0 : i32
    %c0_i32_0 = arith.constant 0 : i32
    return %arg0, %c0_i32 : i32, i32
  }
  func.func @transform_1(%arg0: i32) -> (i32, i32) {
    %c0_i32 = arith.constant 0 : i32
    %c0_i32_0 = arith.constant 0 : i32
    return %arg0, %c0_i32 : i32, i32
  }
  func.func @transform_2(%arg0: i32) -> (i32, i32) {
    %c0_i32 = arith.constant 0 : i32
    %c0_i32_0 = arith.constant 0 : i32
    return %arg0, %c0_i32 : i32, i32
  }
  func.func @transform_3(%arg0: i32) -> (i32, i32) {
    %c0_i32 = arith.constant 0 : i32
    %c0_i32_0 = arith.constant 0 : i32
    return %arg0, %c0_i32 : i32, i32
  }
  func.func @transform_4(%arg0: i32) -> (i32, i32) {
    %c0_i32 = arith.constant 0 : i32
    %c0_i32_0 = arith.constant 0 : i32
    return %arg0, %c0_i32 : i32, i32
  }
  func.func @transform_5(%arg0: i32) -> (i32, i32) {
    %c0_i32 = arith.constant 0 : i32
    %c0_i32_0 = arith.constant 0 : i32
    return %arg0, %c0_i32 : i32, i32
  }
  func.func @transform_6(%arg0: i32) -> (i32, i32) {
    %c0_i32 = arith.constant 0 : i32
    %c0_i32_0 = arith.constant 0 : i32
    %c0_i32_1 = arith.constant 0 : i32
    return %c0_i32, %c0_i32_0 : i32, i32
  }
  func.func @transform_7(%arg0: i32) -> (i32, i32) {
    %c0_i32 = arith.constant 0 : i32
    %c0_i32_0 = arith.constant 0 : i32
    %c0_i32_1 = arith.constant 0 : i32
    return %c0_i32, %c0_i32_0 : i32, i32
  }
  func.func @transform_8(%arg0: i32) -> (i32, i32) {
    %c0_i32 = arith.constant 0 : i32
    %c0_i32_0 = arith.constant 0 : i32
    return %arg0, %c0_i32 : i32, i32
  }
  func.func @transform_9(%arg0: i32) -> (i32, i32) {
    %c0_i32 = arith.constant 0 : i32
    %c0_i32_0 = arith.constant 0 : i32
    return %arg0, %c0_i32 : i32, i32
  }
}

module attributes {stable_mosaic.version = 14 : i64} {
  func.func @_tc3_body(%arg0: i32, %arg1: memref<1000x8xf32, #tpu.memory_space<vmem>>, %arg2: memref<1000x8xf32, #tpu.memory_space<vmem>>, %arg3: memref<1000x32xf32, #tpu.memory_space<vmem>>, %arg4: memref<1000x32xf32, #tpu.memory_space<vmem>>, %arg5: memref<1000x32xf32, #tpu.memory_space<vmem>>, %arg6: memref<1000x32xf32, #tpu.memory_space<vmem>>, %arg7: memref<1x64xf32, #tpu.memory_space<vmem>>, %arg8: memref<1000x64xf32, #tpu.memory_space<vmem>>) attributes {dimension_semantics = [#tpu.dimension_semantics<arbitrary>], iteration_bounds = array<i64: 10>, scalar_prefetch = 0 : i64, scratch_operands = 0 : i64, tpu.core_type = #tpu.core_type<tc>, window_params = [{transform_indices = @transform_0, window_bounds = array<i64: 1000, 8>}, {transform_indices = @transform_1, window_bounds = array<i64: 1000, 8>}, {transform_indices = @transform_2, window_bounds = array<i64: 1000, 32>}, {transform_indices = @transform_3, window_bounds = array<i64: 1000, 32>}, {transform_indices = @transform_4, window_bounds = array<i64: 1000, 32>}, {transform_indices = @transform_5, window_bounds = array<i64: 1000, 32>}, {pipeline_mode = #tpu.pipeline_mode<synchronous>, transform_indices = @transform_6, window_bounds = array<i64: 1, 64>}, {transform_indices = @transform_7, window_bounds = array<i64: 1000, 64>}]} {
    %get3A = arith.constant 0 : index
    %get3A_0 = arith.constant 0 : index
    %get3A_1 = vector.load %arg1[%get3A, %get3A_0] : memref<1000x8xf32, #tpu.memory_space<vmem>>, vector<1000x8xf32>
    %get3A_2 = arith.constant 0 : index
    %get3A_3 = arith.constant 0 : index
    %get3A_4 = vector.load %arg2[%get3A_2, %get3A_3] : memref<1000x8xf32, #tpu.memory_space<vmem>>, vector<1000x8xf32>
    %slice3A = vector.extract_strided_slice %get3A_1 {offsets = [0, 0], sizes = [1000, 1], strides = [1, 1]} : vector<1000x8xf32> to vector<1000x1xf32>
    %slice3A_5 = vector.extract_strided_slice %get3A_4 {offsets = [0, 0], sizes = [1000, 1], strides = [1, 1]} : vector<1000x8xf32> to vector<1000x1xf32>
    %add3A = arith.addf %slice3A, %slice3A_5 : vector<1000x1xf32>
    %add3A_6 = arith.constant 1.000000e+00 : f32
    %add3A_7 = vector.broadcast %add3A_6 : f32 to vector<1000x1xf32>
    %add3A_8 = arith.addf %add3A, %add3A_7 : vector<1000x1xf32>
    %rsqrt3A = math.rsqrt %add3A_8 : vector<1000x1xf32>
    %get3A_9 = arith.constant 0 : index
    %get3A_10 = arith.constant 0 : index
    %get3A_11 = vector.load %arg3[%get3A_9, %get3A_10] : memref<1000x32xf32, #tpu.memory_space<vmem>>, vector<1000x32xf32>
    %get3A_12 = arith.constant 0 : index
    %get3A_13 = arith.constant 0 : index
    %get3A_14 = vector.load %arg5[%get3A_12, %get3A_13] : memref<1000x32xf32, #tpu.memory_space<vmem>>, vector<1000x32xf32>
    %add3A_15 = arith.addf %get3A_11, %get3A_14 : vector<1000x32xf32>
    %get3A_16 = arith.constant 0 : index
    %get3A_17 = arith.constant 0 : index
    %get3A_18 = vector.load %arg4[%get3A_16, %get3A_17] : memref<1000x32xf32, #tpu.memory_space<vmem>>, vector<1000x32xf32>
    %get3A_19 = arith.constant 0 : index
    %get3A_20 = arith.constant 0 : index
    %get3A_21 = vector.load %arg6[%get3A_19, %get3A_20] : memref<1000x32xf32, #tpu.memory_space<vmem>>, vector<1000x32xf32>
    %add3A_22 = arith.addf %get3A_18, %get3A_21 : vector<1000x32xf32>
    %concatenate3A = tpu.concatenate %add3A_15, %add3A_22 in 1 : vector<1000x32xf32>, vector<1000x32xf32> -> vector<1000x64xf32>
    %mul3A = vector.broadcast %rsqrt3A : vector<1000x1xf32> to vector<1000x64xf32>
    %mul3A_23 = arith.mulf %mul3A, %concatenate3A : vector<1000x64xf32>
    %get3A_24 = arith.constant 0 : index
    %get3A_25 = arith.constant 0 : index
    %get3A_26 = vector.load %arg7[%get3A_24, %get3A_25] : memref<1x64xf32, #tpu.memory_space<vmem>>, vector<1x64xf32>
    %add3A_27 = vector.broadcast %get3A_26 : vector<1x64xf32> to vector<1000x64xf32>
    %add3A_28 = arith.addf %mul3A_23, %add3A_27 : vector<1000x64xf32>
    %reduce_max3A = arith.constant dense<0xFF800000> : vector<1000xf32>
    %reduce_max3A_29 = vector.multi_reduction <maximumf>, %add3A_28, %reduce_max3A [1] : vector<1000x64xf32> to vector<1000xf32>
    %broadcast_in_dim3A = vector.shape_cast %reduce_max3A_29 : vector<1000xf32> to vector<1000x1xf32>
    %sub3A = vector.broadcast %broadcast_in_dim3A : vector<1000x1xf32> to vector<1000x64xf32>
    %sub3A_30 = arith.subf %add3A_28, %sub3A : vector<1000x64xf32>
    %exp3A = math.exp %sub3A_30 : vector<1000x64xf32>
    %sub3A_31 = vector.broadcast %broadcast_in_dim3A : vector<1000x1xf32> to vector<1000x64xf32>
    %sub3A_32 = arith.subf %add3A_28, %sub3A_31 : vector<1000x64xf32>
    %reduce_sum3A = arith.constant dense<0.000000e+00> : vector<1000xf32>
    %reduce_sum3A_33 = vector.multi_reduction <add>, %exp3A, %reduce_sum3A [1] : vector<1000x64xf32> to vector<1000xf32>
    %broadcast_in_dim3A_34 = vector.shape_cast %reduce_sum3A_33 : vector<1000xf32> to vector<1000x1xf32>
    %log3A = math.log %broadcast_in_dim3A_34 : vector<1000x1xf32>
    %sub3A_35 = vector.broadcast %log3A : vector<1000x1xf32> to vector<1000x64xf32>
    %sub3A_36 = arith.subf %sub3A_32, %sub3A_35 : vector<1000x64xf32>
    %swap3A = arith.constant 0 : index
    %swap3A_37 = arith.constant 0 : index
    %swap3A_38 = vector.load %arg8[%swap3A, %swap3A_37] : memref<1000x64xf32, #tpu.memory_space<vmem>>, vector<1000x64xf32>
    tpu.vector_store %arg8[%swap3A, %swap3A_37], %sub3A_36 {strides = array<i32>} : memref<1000x64xf32, #tpu.memory_space<vmem>>, vector<1000x64xf32>,
    return
  }
  func.func @transform_0(%arg0: i32) -> (i32, i32) {
    %c0_i32 = arith.constant 0 : i32
    %c0_i32_0 = arith.constant 0 : i32
    return %arg0, %c0_i32 : i32, i32
  }
  func.func @transform_1(%arg0: i32) -> (i32, i32) {
    %c0_i32 = arith.constant 0 : i32
    %c0_i32_0 = arith.constant 0 : i32
    return %arg0, %c0_i32 : i32, i32
  }
  func.func @transform_2(%arg0: i32) -> (i32, i32) {
    %c0_i32 = arith.constant 0 : i32
    %c0_i32_0 = arith.constant 0 : i32
    return %arg0, %c0_i32 : i32, i32
  }
  func.func @transform_3(%arg0: i32) -> (i32, i32) {
    %c0_i32 = arith.constant 0 : i32
    %c0_i32_0 = arith.constant 0 : i32
    return %arg0, %c0_i32 : i32, i32
  }
  func.func @transform_4(%arg0: i32) -> (i32, i32) {
    %c0_i32 = arith.constant 0 : i32
    %c0_i32_0 = arith.constant 0 : i32
    return %arg0, %c0_i32 : i32, i32
  }
  func.func @transform_5(%arg0: i32) -> (i32, i32) {
    %c0_i32 = arith.constant 0 : i32
    %c0_i32_0 = arith.constant 0 : i32
    return %arg0, %c0_i32 : i32, i32
  }
  func.func @transform_6(%arg0: i32) -> (i32, i32) {
    %c0_i32 = arith.constant 0 : i32
    %c0_i32_0 = arith.constant 0 : i32
    %c0_i32_1 = arith.constant 0 : i32
    return %c0_i32, %c0_i32_0 : i32, i32
  }
  func.func @transform_7(%arg0: i32) -> (i32, i32) {
    %c0_i32 = arith.constant 0 : i32
    %c0_i32_0 = arith.constant 0 : i32
    return %arg0, %c0_i32 : i32, i32
  }
}

</mosaic_0001>

<sc_bundles>
// kernel: kernel.11.cloned.1.call-start
scs
__scs_entry_jumppad:
0x0: {  	(pc) =	sbr.rel $0x88, $3  }
0x1: {  	(tag) =	ssettag $0x0;
	lr =	simm.s32 $0x1  }
0x2: {  	[smem:$0x3F9B] =	sst lr;
	_ =	strace $0xD0000000  }
0x3: {  	_ = 	snop  }
0x4: {  	_ = 	snop  }
0x5: {  	_ = 	snop  }
0x6: {  	_ = 	snop  }
0x7: {  	_ = 	snop  }
__scs_overlays_trampoline_lowered:
0x8: {  	[smem:$0x3FAA] =	sst s0  }
0x9: {  	[smem:$0x3FAB] =	sst s1  }
0xa: {  	[smem:$0x3FAC] =	sst s2  }
0xb: {  	[smem:$0x3FAD] =	sst s3  }
0xc: {  	[smem:$0x3FAE] =	sst s4  }
0xd: {  	[smem:$0x3FAF] =	sst s5  }
0xe: {  	[smem:$0x3FB0] =	sst s6  }
0xf: {  	[smem:$0x3FB1] =	sst s7  }
0x10: {  	[smem:$0x3FB2] =	sst s8  }
0x11: {  	[smem:$0x3FB3] =	sst s9;
	s0 =	simm.s32 @!p0 $0x0  }
0x12: {  	s1 =	sld [smem:$0x3F99];
	s0 =	simm.s32 @p0 $0x1  }
0x13: {  	[smem:$0x3FB4] =	sst s0;
	s0 =	simm.s32 @!p1 $0x0  }
0x14: {  	s2 =	sld [smem:$0x3F98];
	s0 =	simm.s32 @p1 $0x1  }
0x15: {  	[smem:$0x3FB5] =	sst s0;
	s0 =	simm.s32 @!p2 $0x0  }
0x16: {  	s3 =	sld [smem:$0x3FDB];
	s0 =	simm.s32 @p2 $0x1  }
0x17: {  	s4 =	simm.s32 $0x1BF5;
	[smem:$0x3FB7] =	sst s0  }
0x18: {  	s0 =	sld [smem:$0x3F9A];
	_ =	swait.ge [sflag:s4], $0x0  }
0x19: {  	s7 =	sld [smem:$0x3F9B]  }
0x1a: {  	s8 =	sadd.s32 $0xFFFFE003, lr  }
0x1b: {  	s9 =	sadd.s32 $0xFFFFFEF7, lr;
	s5 =	simm.s32 $0xFFFFFFFF;
	p2 =	slt.u32 s8, $0xFFFFF086  }
0x1c: {  	p1 =	slt.u32 s9, $0xF7A;
	s5 =	simm.s32 @!p2 $0x0  }
0x1d: {  	s5 =	simm.s32 @p1 $0x1;
	p0 =	seq.s32 s7, s2  }
0x1e: {  	s7 =	smul.u32 @!p0 $0xF7A, s2;
	p2 =	seq.s32 @!p0 s5, $0x0  }
0x1f: {  	s9 =	smul.u32 $0xF7A, s1;
	s8 =	simm.s32 @!p0 $0x1BF5;
	p2 =	por !p2, p0  }
0x20: {  	[sflag:s8] =	ssyncset.s32 @!p0 $0xFFFFF086;
	s6 =	sadd.s32 @!p0 s3, s7;
	s7 =	simm.s32 @!p0 $0x108  }
0x21: {  	s3 =	sadd.s32 s3, s9;
	s6 =	sadd.s32 @!p0 $0x88, s6;
	s7 =	simm.s32 @p2 $0x1082  }
0x22: {  	[simem:s7], [sflag:s8] =	dma.local @!p0 [hbm:s6], $0xF7A  }
0x23: {  	s9 =	sor.u32 $0xD0000000, s2;
	s6 =	simm.s32 $0x108;
	_ =	swait.ge @!p0 [sflag:s8], $0x0  }
0x24: {  	s3 =	sadd.s32 $0x88, s3;
	s6 =	simm.s32 @!p1 $0x1082;
	[sflag:s4] =	ssyncset.s32 $0xFFFFF086  }
0x25: {  	[simem:s6], [sflag:s4] =	dma.local [hbm:s3], $0xF7A  }
0x26: {  	[smem:$0x3F9B] =	sst s1;
	(tag) =	ssettag s2;
	_ =	strace s9  }
0x27: {  	s1 =	sld [smem:$0x3FAB]  }
0x28: {  	s2 =	sld [smem:$0x3FAC]  }
0x29: {  	s4 =	sld [smem:$0x3FAE]  }
0x2a: {  	p0 =	seq.s32 s5, $0x0;
	s5 =	sld [smem:$0x3FAF]  }
0x2b: {  	s6 =	sld [smem:$0x3FB0]  }
0x2c: {  	s7 =	sld [smem:$0x3FB1]  }
0x2d: {  	s3 =	simm.s32 $0x108;
	s8 =	sld [smem:$0x3FB2]  }
0x2e: {  	s3 =	simm.s32 @!p0 $0x1082;
	s9 =	sld [smem:$0x3FB3]  }
0x2f: {  	lr =	sadd.s32 s0, s3;
	s0 =	sld [smem:$0x3FAA]  }
0x30: {  	s3 =	sld [smem:$0x3FAD]  }
0x31: {  	[smem:$0x3FB6] =	sst s10  }
0x32: {  	s10 =	sld [smem:$0x3FB4];
	_ =	sdelay $0x3  }
0x33: {  	p0 =	seq.s32 s10, $0x1;
	s10 =	sld [smem:$0x3FB6];
	_ =	sdelay $0x3  }
0x34: {  	[smem:$0x3FB6] =	sst s10  }
0x35: {  	s10 =	sld [smem:$0x3FB5];
	_ =	sdelay $0x3  }
0x36: {  	p1 =	seq.s32 s10, $0x1;
	s10 =	sld [smem:$0x3FB6];
	_ =	sdelay $0x3  }
0x37: {  	[smem:$0x3FB6] =	sst s10  }
0x38: {  	s10 =	sld [smem:$0x3FB7]  }
0x39: {  	_ = 	snop;
	(pc) =	sbr.ind lr, $3  }
0x3a: {  	_ = 	snop  }
0x3b: {  	_ = 	snop  }
0x3c: {  	p2 =	seq.s32 s10, $0x1;
	s10 =	sld [smem:$0x3FB6]  }
0x3d: {  	_ =	shalt  }
0x3e: {  	_ =	shalt  }
0x3f: {  	_ =	shalt  }
0x40: {  	_ =	shalt  }
0x41: {  	_ =	shalt  }
0x42: {  	_ =	shalt  }
0x43: {  	_ =	shalt  }
0x44: {  	_ =	shalt  }
0x45: {  	_ =	shalt  }
0x46: {  	_ =	shalt  }
0x47: {  	_ =	shalt  }
0x48: {  	_ =	shalt  }
0x49: {  	_ =	shalt  }
0x4a: {  	_ =	shalt  }
0x4b: {  	_ =	shalt  }
0x4c: {  	_ =	shalt  }
0x4d: {  	_ =	shalt  }
0x4e: {  	_ =	shalt  }
0x4f: {  	_ =	shalt  }
0x50: {  	_ =	shalt  }
0x51: {  	_ =	shalt  }
0x52: {  	_ =	shalt  }
0x53: {  	_ =	shalt  }
0x54: {  	_ =	shalt  }
0x55: {  	_ =	shalt  }
0x56: {  	_ =	shalt  }
0x57: {  	_ =	shalt  }
0x58: {  	_ =	shalt  }
0x59: {  	_ =	shalt  }
0x5a: {  	_ =	shalt  }
0x5b: {  	_ =	shalt  }
0x5c: {  	_ =	shalt  }
0x5d: {  	_ =	shalt  }
0x5e: {  	_ =	shalt  }
0x5f: {  	_ =	shalt  }
0x60: {  	_ =	shalt  }
0x61: {  	_ =	shalt  }
0x62: {  	_ =	shalt  }
0x63: {  	_ =	shalt  }
0x64: {  	_ =	shalt  }
0x65: {  	_ =	shalt  }
0x66: {  	_ =	shalt  }
0x67: {  	_ =	shalt  }
0x68: {  	_ =	shalt  }
0x69: {  	_ =	shalt  }
0x6a: {  	_ =	shalt  }
0x6b: {  	_ =	shalt  }
0x6c: {  	_ =	shalt  }
0x6d: {  	_ =	shalt  }
0x6e: {  	_ =	shalt  }
0x6f: {  	_ =	shalt  }
0x70: {  	_ =	shalt  }
0x71: {  	_ =	shalt  }
0x72: {  	_ =	shalt  }
0x73: {  	_ =	shalt  }
0x74: {  	_ =	shalt  }
0x75: {  	_ =	shalt  }
0x76: {  	_ =	shalt  }
0x77: {  	_ =	shalt  }
0x78: {  	_ =	shalt  }
0x79: {  	_ =	shalt  }
0x7a: {  	_ =	shalt  }
0x7b: {  	_ =	shalt  }
0x7c: {  	_ =	shalt  }
0x7d: {  	_ =	shalt  }
0x7e: {  	_ =	shalt  }
0x7f: {  	_ =	shalt  }
0x80: {  	_ =	shalt  }
0x81: {  	_ =	shalt  }
0x82: {  	_ =	shalt  }
0x83: {  	_ =	shalt  }
0x84: {  	_ =	shalt  }
0x85: {  	_ =	shalt  }
0x86: {  	_ =	shalt  }
0x87: {  	_ =	shalt  }
.Lfunc_end0:
.L_simem_size_0:
called_computation.1_lowered:
.L_overlay_start_0:
0x88: {  	s2 =	sld [smem:$0x3FD9]  }
0x89: {  	s3 =	sld [smem:$0x3FFE];
	_ =	sdelay $0x1  }
0x8a: {  	s1 =	srdreg.scid  }
0x8b: {  	s0 =	sand.u32 $0x1, s1  }
0x8c: {  	s16 =	sshll.u32 s0, $0xA;
	s2 =	sadd.s32 s3, s2  }
0x8d: {  	s2 =	sadd.s32 s2, s16  }
0x8e: {  	[smem:$0x3FC2] =	sst s2  }
0x8f: {  	_ = 	snop  }
0x90: {  	(tm) =	ssettm $0x1  }
0x91: {  	s17 =	sld [smem:$0x3FFB];
	_ =	sdelay $0x3  }
0x92: {  	_ =	strace s17  }
0x93: {  	s2 =	sld [smem:$0x3FFC];
	_ =	sdelay $0x3  }
0x94: {  	_ =	strace s2  }
0x95: {  	s2 =	sld [smem:$0x3FFD];
	_ =	sdelay $0x3  }
0x96: {  	_ =	strace s2  }
0x97: {  	_ =	strace $0x8FFFFFFF  }
0x98: {  	s18 =	sld [smem:$0x3FDB];
	_ =	sdelay $0x1  }
0x99: {  	s19 =	simm.s32 $_scs_section_size  }
0x9a: {  	s4 =	simm.s32 $_size__tile_overlayer_lowered;
	s5 =	simm.s32 $_tile_overlayer_lowered  }
0x9b: {  	s22 =	simm.s32 $0x1BFF;
	s21 =	sshll.u32 s5, $0x1;
	s2 =	sadd.s32 s19, s18  }
0x9c: {  	s6 =	simm.s32 $0x0;
	s20 =	sshll.u32 s4, $0x1;
	s4 =	sadd.s32 s21, s2  }
0x9d: {  	[timem:s6], [sflag:s22] =	dma.local [hbm:s4], s20  }
0x9e: {  	_ =	swait.ge [sflag:s22], s20  }
0x9f: {  	s3 =	ssub.s32 $0x0, s20;
	[sflag:s22] =	ssyncset.done $0x0  }
0xa0: {  	[sflag:s22] =	ssyncadd.s32 s3;
	_ =	sdelay $0x1  }
0xa1: {  	s23 =	simm.s32 $0x1B8B  }
0xa2: {  	_ =	swait.ge [sflag:s23], $0x1  }
0xa3: {  	[sflag:s23] =	ssyncset.done $0x0  }
0xa4: {  	s25 =	simm.s32 $0x1B8E;
	s24 =	sld [smem:$0x3FFE];
	[sflag:s23] =	ssyncadd.s32 $0xFFFFFFFF  }
0xa5: {  	s26 =	simm.s32 $execute0_lowered;
	[smem:$0x3FD2] =	sst s25  }
0xa6: {  	s4 =	sshll.u32 s26, $0x1;
	_ =	strace $0x80000049;
	[dreg:$0x1] =	wrdreg $0xFFFFFFFF  }
0xa7: {  	s28 =	simm.s32 $_size_execute0_lowered;
	s2 =	sadd.s32 s2, s4;
	[dreg:$0x0] =	wrdreg $0x0  }
0xa8: {  	s4 =	sshll.u32 s28, $0x1;
	[dreg:$0x2] =	wrdreg s2  }
0xa9: {  	[dreg:$0x3] =	wrdreg s4  }
0xaa: {  	[dreg:$0x4] =	wrdreg $0xC0  }
0xab: {  	_ =	task [dreg:s6], $0x5FFFF  }
0xac: {  	[dreg:$0x1] =	wrdreg $0xFFFFFFFF  }
0xad: {  	[dreg:$0x0] =	wrdreg $0x60  }
0xae: {  	[dreg:$0x2] =	wrdreg s24  }
0xaf: {  	[dreg:$0x3] =	wrdreg $0xC1000  }
0xb0: {  	[dreg:$0x4] =	wrdreg $0x21000  }
0xb1: {  	[dreg:$0x5] =	wrdreg $0x9  }
0xb2: {  	_ =	task.clear_ibuf [dreg:s6], $0x6FFFF;
	_ =	strace $0x90000049  }
0xb3: {  	s29 =	simm.s32 $0x9;
	_ =	strace $0x8000004B  }
0xb4: {  	_ =	swait.ge [sflag:s29], $0x1  }
0xb5: {  	[sflag:s29] =	ssyncadd.s32 $0xFFFFFFFF  }
0xb6: {  	_ =	strace $0x9000004B  }
0xb7: {  	_ =	sfence  }
0xb8: {  	s30 =	sld [smem:$0x0];
	_ =	sdelay $0x2  }
0xb9: {  	s31 =	sshll.u32 s1, $0xD;
	s1 =	sshrl.u32 s1, $0x2  }
0xba: {  	s3 =	sand.u32 $0x4000, s31;
	s1 =	sadd.s32 s1, s30  }
0xbb: {  	s0 =	sor.u32 s3, s0;
	s1 =	sshll.u32 s1, $0x11  }
0xbc: {  	s0 =	sor.u32 s1, s0  }
0xbd: {  	s0 =	sadd.s32 $0x8F2B, s0  }
0xbe: {  	[sflag:s0] =	ssyncadd.remote.s32 $0x1  }
0xbf: {  	_ =	sfence.sel $0xFFFF  }
0xc0: {  	[dreg:$0x0] =	wrdreg $0xFFFFFFFF;
	(pc) =	sbr.abs _section_cstart, $3  }
0xc1: {  	[dreg:$0x1] =	wrdreg $0xFFFFFFFF  }
0xc2: {  	_ =	task.clear_ibuf [dreg:s6], $0x2FFFF;
	_ =	strace $0x9FFFFFFF  }
0xc3: {  	(tm) =	ssettm $0x7FFFFFFF  }
tec
execute0_lowered:
.L_overlay_start_1:
0x0: {  	(tag) =	ssettag $0x1  }
0x1: {  	s15 =	rddreg [dreg:$0x0]  }
0x2: {  	s2 =	rddreg [dreg:$0x1]  }
0x3: {  	s3 =	rddreg [dreg:$0x2]  }
0x4: {  	s0 =	rddreg [dreg:$0x3]  }
0x5: {  	s1 =	stileid.u32;
	s5 =	srdreg.scid  }
0x6: {  	s4 =	simm.s32 $0x0;
	s23 =	simm.s32 $0x0;
	s6 =	smul.u32 $0x1400, s1  }
0x7: {  	s10 =	sand.u32 $0x1, s5;
	[smem:$0x7FF] =	sst s4;
	s11 =	smul.u32 $0xA000, s1  }
0x8: {  	s14 =	sadd.s32 $0x2C00, s15;
	s5 =	ssub.s32 $0x2, s10;
	_ =	strace $0x8000004A  }
0x9: {  	s20 =	smul.u32 $0xA0000, s10;
	p0 =	seq.s32 s10, $0x1;
	s17 =	sadd.s32 s6, s15  }
0xa: {  	s24 =	sshrl.u32 s5, $0x1;
	s12 =	sadd.s32 $0x2000, s11;
	s13 =	sadd.s32 $0x4000, s11  }
0xb: {  	s18 =	sadd.s32 $0x6000, s11;
	s19 =	sadd.s32 $0x8000, s11;
	s21 =	sadd.s32 s11, s3  }
0xc: {  	s22 =	sshrl.u32 s11, $0x3;
	s16 =	ssub.s32 s5, s24;
	s5 =	sadd.s32 s11, s2  }
0xd: {  	s6 =	sadd.s32 s12, s2;
	s7 =	sadd.s32 s13, s2;
	s8 =	sadd.s32 s18, s2  }
0xe: {  	s9 =	sadd.s32 s19, s2;
	s25 =	sadd.s32 s11, s20;
	s26 =	sadd.s32 s20, s12  }
0xf: {  	s28 =	sadd.s32 s20, s13;
	s29 =	sadd.s32 s20, s18;
	s30 =	sadd.s32 s20, s19  }
0x10: {  	s19 =	simm.s32 $0x3EC00;
	s17 =	sadd.s32 $0x52C00, s17;
	s20 =	sshrl.u32 s21, $0x3  }
0x11: {  	s21 =	simm.s32 $0x80;
	s10 =	sshrl.u32 s25, $0x3;
	s11 =	sshrl.u32 s26, $0x3  }
0x12: {  	s12 =	sshrl.u32 s28, $0x3;
	s13 =	sshrl.u32 s29, $0x3;
	s18 =	sshrl.u32 s30, $0x3  }
0x13: {  	s19 =	simm.s32 @!p0 $0x2AC00;
	s10 =	sadd.s32 s14, s10;
	s11 =	sadd.s32 s14, s11  }
0x14: {  	s12 =	sadd.s32 s14, s12;
	s13 =	sadd.s32 s14, s13;
	s14 =	sadd.s32 s14, s18  }
0x15: {  	s31 =	sadd.s32 s19, s15;
	s15 =	smax.u32 s16, $0x1;
	s18 =	simm.s32 $0x100  }
0x16: {  	v0 =	vimm.f32 $0.0e+00;
	s19 =	simm.s32 $0x2;
	s16 =	sadd.s32 s31, s22;
	s22 =	simm.s32 $0x1  }
.LBB2_1:
0x17: {  	s25 =	simm.s32 $0x100;
	s24 =	simm.s32 $0x0  }
.LBB2_2:
0x18: {  	p0 =	sne.s32 s25, $0x7F00;
	[tilespmem:s24+$0x130] =	vst v0;
	s26 =	smov.u32 s25;
	s25 =	sadd.s32 $0x100, s25  }
.Ltmp0:
0x19: {  	[tilespmem:s24+$0x120] =	vst v0;
	(pc) =	sbr.rel @p0 .LBB2_2-.Ltmp0, $3  }
0x1a: {  	[tilespmem:s24+$0x100] =	vst v0  }
0x1b: {  	[tilespmem:s24+$0x110] =	vst v0;
	_ =	sdelay $0x1  }
0x1c: {  	s24 =	sshra.s32 s26, $0x2  }
0x1d: {  	[tilespmem:s24+$0x130] =	vst v0  }
0x1e: {  	[tilespmem:s24+$0x120] =	vst v0  }
0x1f: {  	[tilespmem:s24+$0x100] =	vst v0  }
0x20: {  	[tilespmem:s24+$0x110] =	vst v0  }
0x21: {  	[spmem:s5] =	stream.linear.scatter [tilespmem:s18], [sflag:$0x2], $0x2000, $0x38;
	[tilespmem:$0x16100] =	vst v63  }
0x22: {  	_ =	swait.ge [sflag:s19], $0x2000  }
0x23: {  	[sflag:s19] =	ssyncset.done $0x0  }
0x24: {  	[sflag:s19] =	ssyncadd.s32 $0xFFFFE000  }
0x25: {  	[spmem:s6] =	stream.linear.scatter [tilespmem:s18], [sflag:$0x2], $0x2000, $0x38;
	[tilespmem:$0x16100] =	vst v63  }
0x26: {  	_ =	swait.ge [sflag:s19], $0x2000  }
0x27: {  	[sflag:s19] =	ssyncset.done $0x0  }
0x28: {  	[sflag:s19] =	ssyncadd.s32 $0xFFFFE000  }
0x29: {  	[spmem:s7] =	stream.linear.scatter [tilespmem:s18], [sflag:$0x2], $0x2000, $0x38;
	[tilespmem:$0x16100] =	vst v63  }
0x2a: {  	_ =	swait.ge [sflag:s19], $0x2000  }
0x2b: {  	[sflag:s19] =	ssyncset.done $0x0  }
0x2c: {  	[sflag:s19] =	ssyncadd.s32 $0xFFFFE000  }
0x2d: {  	[spmem:s8] =	stream.linear.scatter [tilespmem:s18], [sflag:$0x2], $0x2000, $0x38;
	[tilespmem:$0x16100] =	vst v63  }
0x2e: {  	_ =	swait.ge [sflag:s19], $0x2000  }
0x2f: {  	[sflag:s19] =	ssyncset.done $0x0  }
0x30: {  	[sflag:s19] =	ssyncadd.s32 $0xFFFFE000  }
0x31: {  	[spmem:s9] =	stream.linear.scatter [tilespmem:s18], [sflag:$0x2], $0x2000, $0x38;
	[tilespmem:$0x16100] =	vst v63  }
0x32: {  	_ =	swait.ge [sflag:s19], $0x2000  }
0x33: {  	s30 =	sshll.u32 s1, $0x6;
	[sflag:s19] =	ssyncset.done $0x0  }
0x34: {  	s24 =	sor.u32 $0x1C02, s30;
	[sflag:s19] =	ssyncadd.s32 $0xFFFFE000  }
0x35: {  	[spmem:s20], [sflag:s24] =	dma.local [hbm:s16], $0x1400  }
0x36: {  	_ =	swait.ge [sflag:s19], $0x1400  }
0x37: {  	[sflag:s19] =	ssyncset.done $0x0  }
0x38: {  	[sflag:s19] =	ssyncadd.s32 $0xFFFFEC00  }
0x39: {  	s31 =	sadd.s32 $0x0, s17;
	[bflag:$0x0] =	sbarrier.arrive $0xFFFF  }
0x3a: {  	[tilespmem:s4], [sflag:$0x2] =	stream.linear.gather [hbm4b:s31+s4], $0x100, $0x38;
	[tilespmem:$0x16100] =	vst v63  }
0x3b: {  	_ =	swait.ge [sflag:s19], $0x100  }
0x3c: {  	[sflag:s19] =	ssyncset.done $0x0  }
0x3d: {  	[sflag:s19] =	ssyncadd.s32 $0xFFFFFF00  }
0x3e: {  	[tilespmem:s18], [sflag:$0x1] =	stream.indirect.gather [spmem:s3], $0x40, s4, s21, $0xb8;
	[tilespmem:$0x16100] =	vst v63  }
0x3f: {  	_ =	swait.ge [sflag:s22], $0x2000  }
0x40: {  	[sflag:s22] =	ssyncset.done $0x0  }
0x41: {  	[sflag:s22] =	ssyncadd.s32 $0xFFFFE000  }
0x42: {  	[spmem:s2] =	stream.indirect.scatter.add.f32 [tilespmem:s18], [sflag:$0x2], $0x40, s21, s21, $0xb8;
	[tilespmem:$0x16100] =	vst v63  }
0x43: {  	_ =	swait.ge [sflag:s19], $0x2000  }
0x44: {  	s25 =	simm.s32 $0x40;
	s24 =	simm.s32 $0x20;
	[sflag:s19] =	ssyncset.done $0x0  }
.LBB2_4:
0x45: {  	s26 =	sadd.s32 s24, s17  }
0x46: {  	[sflag:s19] =	ssyncadd.s32 $0xFFFFE000;
	s24 =	smov.u32 s25;
	s28 =	sadd.s32 $0x20, s25  }
0x47: {  	[tilespmem:s4], [sflag:$0x2] =	stream.linear.gather [hbm4b:s26+s4], $0x100, $0x38;
	[tilespmem:$0x16100] =	vst v63  }
0x48: {  	p0 =	sne.s32 s25, $0x13A0;
	_ =	swait.ge [sflag:s19], $0x100  }
0x49: {  	[sflag:s19] =	ssyncset.done $0x0  }
0x4a: {  	[sflag:s19] =	ssyncadd.s32 $0xFFFFFF00  }
0x4b: {  	[tilespmem:s18], [sflag:$0x1] =	stream.indirect.gather [spmem:s3], $0x40, s4, s21, $0xb8;
	[tilespmem:$0x16100] =	vst v63  }
0x4c: {  	_ =	swait.ge [sflag:s22], $0x2000  }
.Ltmp1:
0x4d: {  	[sflag:s22] =	ssyncset.done $0x0;
	(pc) =	sbr.rel @p0 .LBB2_4-.Ltmp1, $4  }
0x4e: {  	[sflag:s22] =	ssyncadd.s32 $0xFFFFE000  }
0x4f: {  	[spmem:s2] =	stream.indirect.scatter.add.f32 [tilespmem:s18], [sflag:$0x2], $0x40, s21, s21, $0xb8;
	[tilespmem:$0x16100] =	vst v63  }
0x50: {  	_ =	swait.ge [sflag:s19], $0x2000  }
0x51: {  	s25 =	smov.u32 s28;
	[sflag:s19] =	ssyncset.done $0x0  }
0x52: {  	s24 =	sadd.s32 s24, s17;
	[sflag:s19] =	ssyncadd.s32 $0xFFFFE000  }
0x53: {  	[tilespmem:s4], [sflag:$0x2] =	stream.linear.gather [hbm4b:s24+s4], $0x100, $0x38;
	[tilespmem:$0x16100] =	vst v63  }
0x54: {  	_ =	swait.ge [sflag:s19], $0x100  }
0x55: {  	[sflag:s19] =	ssyncset.done $0x0  }
0x56: {  	[sflag:s19] =	ssyncadd.s32 $0xFFFFFF00  }
0x57: {  	[tilespmem:s18], [sflag:$0x1] =	stream.indirect.gather [spmem:s3], $0x40, s4, s21, $0xb8;
	[tilespmem:$0x16100] =	vst v63  }
0x58: {  	_ =	swait.ge [sflag:s22], $0x2000  }
0x59: {  	[sflag:s22] =	ssyncset.done $0x0  }
0x5a: {  	[sflag:s22] =	ssyncadd.s32 $0xFFFFE000  }
0x5b: {  	[spmem:s2] =	stream.indirect.scatter.add.f32 [tilespmem:s18], [sflag:$0x2], $0x40, s21, s21, $0xb8;
	[tilespmem:$0x16100] =	vst v63  }
0x5c: {  	_ =	swait.ge [sflag:s19], $0x2000  }
0x5d: {  	[sflag:s19] =	ssyncset.done $0x0  }
0x5e: {  	[sflag:s19] =	ssyncadd.s32 $0xFFFFE000  }
0x5f: {  	[bflag:$0x0] =	sbarrier.arrive $0xFFFF  }
0x60: {  	[tilespmem:s18], [sflag:$0x2] =	stream.linear.gather [spmem:s5], $0x2000, $0x38;
	[tilespmem:$0x16100] =	vst v63  }
0x61: {  	_ =	swait.ge [sflag:s19], $0x2000  }
0x62: {  	[sflag:s19] =	ssyncset.done $0x0  }
0x63: {  	[sflag:s19] =	ssyncadd.s32 $0xFFFFE000  }
0x64: {  	[hbm4b:s10+s4] =	stream.linear.scatter [tilespmem:s18], [sflag:$0x2], $0x2000, $0x38;
	[tilespmem:$0x16100] =	vst v63  }
0x65: {  	_ =	swait.ge [sflag:s19], $0x2000  }
0x66: {  	[sflag:s19] =	ssyncset.done $0x0  }
0x67: {  	[sflag:s19] =	ssyncadd.s32 $0xFFFFE000  }
0x68: {  	[tilespmem:s18], [sflag:$0x2] =	stream.linear.gather [spmem:s6], $0x2000, $0x38;
	[tilespmem:$0x16100] =	vst v63  }
0x69: {  	_ =	swait.ge [sflag:s19], $0x2000  }
0x6a: {  	[sflag:s19] =	ssyncset.done $0x0  }
0x6b: {  	[sflag:s19] =	ssyncadd.s32 $0xFFFFE000  }
0x6c: {  	[hbm4b:s11+s4] =	stream.linear.scatter [tilespmem:s18], [sflag:$0x2], $0x2000, $0x38;
	[tilespmem:$0x16100] =	vst v63  }
0x6d: {  	_ =	swait.ge [sflag:s19], $0x2000  }
0x6e: {  	[sflag:s19] =	ssyncset.done $0x0  }
0x6f: {  	[sflag:s19] =	ssyncadd.s32 $0xFFFFE000  }
0x70: {  	[tilespmem:s18], [sflag:$0x2] =	stream.linear.gather [spmem:s7], $0x2000, $0x38;
	[tilespmem:$0x16100] =	vst v63  }
0x71: {  	_ =	swait.ge [sflag:s19], $0x2000  }
0x72: {  	[sflag:s19] =	ssyncset.done $0x0  }
0x73: {  	[sflag:s19] =	ssyncadd.s32 $0xFFFFE000  }
0x74: {  	[hbm4b:s12+s4] =	stream.linear.scatter [tilespmem:s18], [sflag:$0x2], $0x2000, $0x38;
	[tilespmem:$0x16100] =	vst v63  }
0x75: {  	_ =	swait.ge [sflag:s19], $0x2000  }
0x76: {  	[sflag:s19] =	ssyncset.done $0x0  }
0x77: {  	[sflag:s19] =	ssyncadd.s32 $0xFFFFE000  }
0x78: {  	[tilespmem:s18], [sflag:$0x2] =	stream.linear.gather [spmem:s8], $0x2000, $0x38;
	[tilespmem:$0x16100] =	vst v63  }
0x79: {  	_ =	swait.ge [sflag:s19], $0x2000  }
0x7a: {  	[sflag:s19] =	ssyncset.done $0x0  }
0x7b: {  	[sflag:s19] =	ssyncadd.s32 $0xFFFFE000  }
0x7c: {  	[hbm4b:s13+s4] =	stream.linear.scatter [tilespmem:s18], [sflag:$0x2], $0x2000, $0x38;
	[tilespmem:$0x16100] =	vst v63  }
0x7d: {  	_ =	swait.ge [sflag:s19], $0x2000  }
0x7e: {  	[sflag:s19] =	ssyncset.done $0x0  }
0x7f: {  	[sflag:s19] =	ssyncadd.s32 $0xFFFFE000  }
0x80: {  	[tilespmem:s18], [sflag:$0x2] =	stream.linear.gather [spmem:s9], $0x2000, $0x38;
	[tilespmem:$0x16100] =	vst v63  }
0x81: {  	s23 =	sadd.s32 $0x1, s23;
	_ =	swait.ge [sflag:s19], $0x2000  }
0x82: {  	p0 =	sne.s32 s23, s15;
	[sflag:s19] =	ssyncset.done $0x0  }
.Ltmp2:
0x83: {  	[sflag:s19] =	ssyncadd.s32 $0xFFFFE000;
	(pc) =	sbr.rel @p0 .LBB2_1-.Ltmp2, $4  }
0x84: {  	[hbm4b:s14+s4] =	stream.linear.scatter [tilespmem:s18], [sflag:$0x2], $0x2000, $0x38;
	[tilespmem:$0x16100] =	vst v63  }
0x85: {  	_ =	swait.ge [sflag:s19], $0x2000  }
0x86: {  	[sflag:s19] =	ssyncset.done $0x0  }
0x87: {  	[sflag:s19] =	ssyncadd.s32 $0xFFFFE000  }
0x88: {  	_ =	sfence.sel $0x180000  }
0x89: {  	[bflag:$0x0] =	sbarrier.arrive $0xFFFF  }
0x8a: {  	p0 =	sne.s32 s1, $0x0;
	_ =	strace $0x9000004A  }
0x8b: {  	s0 =	sadd.s32 @!p0 $0x100000, s0;
	[bflag:$0x2] =	sbarrier.arrive $0xFFFF  }
0x8c: {  	[sflag:s0] =	ssyncadd.tile.s32 @!p0 $0x1;
	_ =	shalt  }
.Lfunc_end2:
_tile_overlayer_lowered:
.L_overlay_start_2:
0x8d: {  	(tag) =	ssettag $0x2  }
0x8e: {  	s0 =	rddreg [dreg:$0x0];
	s2 =	stileid.u32  }
0x8f: {  	s1 =	rddreg [dreg:$0x1];
	p0 =	sne.s32 s2, $0x0  }
0x90: {  	s3 =	rddreg [dreg:$0x2];
	[bflag:$0x3] =	sbarrier.arrive $0xFFFF;
	s2 =	simm.s32 @!p0 $0x1C02  }
0x91: {  	[timem:s3], [sflag:s2] =	dma.local @!p0 [hbm:s0], s1  }
0x92: {  	s0 =	simm.s32 @!p0 $0x2  }
0x93: {  	_ =	swait.ge @!p0 [sflag:s0], s1  }
0x94: {  	s1 =	ssub.s32 @!p0 $0x0, s1;
	[sflag:s0] =	ssyncset.done @!p0 $0x0  }
0x95: {  	[sflag:s0] =	ssyncadd.s32 @!p0 s1  }
0x96: {  	[bflag:$0x3] =	sbarrier.arrive $0xFFFF  }
0x97: {  	_ =	shalt  }

// kernel: kernel.14.cloned.1.call-start
scs
__scs_entry_jumppad:
0x0: {  	(pc) =	sbr.rel $0x88, $3  }
0x1: {  	(tag) =	ssettag $0x0;
	lr =	simm.s32 $0x1  }
0x2: {  	[smem:$0x3F9B] =	sst lr;
	_ =	strace $0xD0000000  }
0x3: {  	_ = 	snop  }
0x4: {  	_ = 	snop  }
0x5: {  	_ = 	snop  }
0x6: {  	_ = 	snop  }
0x7: {  	_ = 	snop  }
__scs_overlays_trampoline_lowered:
0x8: {  	[smem:$0x3FAA] =	sst s0  }
0x9: {  	[smem:$0x3FAB] =	sst s1  }
0xa: {  	[smem:$0x3FAC] =	sst s2  }
0xb: {  	[smem:$0x3FAD] =	sst s3  }
0xc: {  	[smem:$0x3FAE] =	sst s4  }
0xd: {  	[smem:$0x3FAF] =	sst s5  }
0xe: {  	[smem:$0x3FB0] =	sst s6  }
0xf: {  	[smem:$0x3FB1] =	sst s7  }
0x10: {  	[smem:$0x3FB2] =	sst s8  }
0x11: {  	[smem:$0x3FB3] =	sst s9;
	s0 =	simm.s32 @!p0 $0x0  }
0x12: {  	s1 =	sld [smem:$0x3F99];
	s0 =	simm.s32 @p0 $0x1  }
0x13: {  	[smem:$0x3FB4] =	sst s0;
	s0 =	simm.s32 @!p1 $0x0  }
0x14: {  	s2 =	sld [smem:$0x3F98];
	s0 =	simm.s32 @p1 $0x1  }
0x15: {  	[smem:$0x3FB5] =	sst s0;
	s0 =	simm.s32 @!p2 $0x0  }
0x16: {  	s3 =	sld [smem:$0x3FDB];
	s0 =	simm.s32 @p2 $0x1  }
0x17: {  	s4 =	simm.s32 $0x1BF5;
	[smem:$0x3FB7] =	sst s0  }
0x18: {  	s0 =	sld [smem:$0x3F9A];
	_ =	swait.ge [sflag:s4], $0x0  }
0x19: {  	s7 =	sld [smem:$0x3F9B]  }
0x1a: {  	s8 =	sadd.s32 $0xFFFFE003, lr  }
0x1b: {  	s9 =	sadd.s32 $0xFFFFFEF7, lr;
	s5 =	simm.s32 $0xFFFFFFFF;
	p2 =	slt.u32 s8, $0xFFFFF086  }
0x1c: {  	p1 =	slt.u32 s9, $0xF7A;
	s5 =	simm.s32 @!p2 $0x0  }
0x1d: {  	s5 =	simm.s32 @p1 $0x1;
	p0 =	seq.s32 s7, s2  }
0x1e: {  	s7 =	smul.u32 @!p0 $0xF7A, s2;
	p2 =	seq.s32 @!p0 s5, $0x0  }
0x1f: {  	s9 =	smul.u32 $0xF7A, s1;
	s8 =	simm.s32 @!p0 $0x1BF5;
	p2 =	por !p2, p0  }
0x20: {  	[sflag:s8] =	ssyncset.s32 @!p0 $0xFFFFF086;
	s6 =	sadd.s32 @!p0 s3, s7;
	s7 =	simm.s32 @!p0 $0x108  }
0x21: {  	s3 =	sadd.s32 s3, s9;
	s6 =	sadd.s32 @!p0 $0x88, s6;
	s7 =	simm.s32 @p2 $0x1082  }
0x22: {  	[simem:s7], [sflag:s8] =	dma.local @!p0 [hbm:s6], $0xF7A  }
0x23: {  	s9 =	sor.u32 $0xD0000000, s2;
	s6 =	simm.s32 $0x108;
	_ =	swait.ge @!p0 [sflag:s8], $0x0  }
0x24: {  	s3 =	sadd.s32 $0x88, s3;
	s6 =	simm.s32 @!p1 $0x1082;
	[sflag:s4] =	ssyncset.s32 $0xFFFFF086  }
0x25: {  	[simem:s6], [sflag:s4] =	dma.local [hbm:s3], $0xF7A  }
0x26: {  	[smem:$0x3F9B] =	sst s1;
	(tag) =	ssettag s2;
	_ =	strace s9  }
0x27: {  	s1 =	sld [smem:$0x3FAB]  }
0x28: {  	s2 =	sld [smem:$0x3FAC]  }
0x29: {  	s4 =	sld [smem:$0x3FAE]  }
0x2a: {  	p0 =	seq.s32 s5, $0x0;
	s5 =	sld [smem:$0x3FAF]  }
0x2b: {  	s6 =	sld [smem:$0x3FB0]  }
0x2c: {  	s7 =	sld [smem:$0x3FB1]  }
0x2d: {  	s3 =	simm.s32 $0x108;
	s8 =	sld [smem:$0x3FB2]  }
0x2e: {  	s3 =	simm.s32 @!p0 $0x1082;
	s9 =	sld [smem:$0x3FB3]  }
0x2f: {  	lr =	sadd.s32 s0, s3;
	s0 =	sld [smem:$0x3FAA]  }
0x30: {  	s3 =	sld [smem:$0x3FAD]  }
0x31: {  	[smem:$0x3FB6] =	sst s10  }
0x32: {  	s10 =	sld [smem:$0x3FB4];
	_ =	sdelay $0x3  }
0x33: {  	p0 =	seq.s32 s10, $0x1;
	s10 =	sld [smem:$0x3FB6];
	_ =	sdelay $0x3  }
0x34: {  	[smem:$0x3FB6] =	sst s10  }
0x35: {  	s10 =	sld [smem:$0x3FB5];
	_ =	sdelay $0x3  }
0x36: {  	p1 =	seq.s32 s10, $0x1;
	s10 =	sld [smem:$0x3FB6];
	_ =	sdelay $0x3  }
0x37: {  	[smem:$0x3FB6] =	sst s10  }
0x38: {  	s10 =	sld [smem:$0x3FB7]  }
0x39: {  	_ = 	snop;
	(pc) =	sbr.ind lr, $3  }
0x3a: {  	_ = 	snop  }
0x3b: {  	_ = 	snop  }
0x3c: {  	p2 =	seq.s32 s10, $0x1;
	s10 =	sld [smem:$0x3FB6]  }
0x3d: {  	_ =	shalt  }
0x3e: {  	_ =	shalt  }
0x3f: {  	_ =	shalt  }
0x40: {  	_ =	shalt  }
0x41: {  	_ =	shalt  }
0x42: {  	_ =	shalt  }
0x43: {  	_ =	shalt  }
0x44: {  	_ =	shalt  }
0x45: {  	_ =	shalt  }
0x46: {  	_ =	shalt  }
0x47: {  	_ =	shalt  }
0x48: {  	_ =	shalt  }
0x49: {  	_ =	shalt  }
0x4a: {  	_ =	shalt  }
0x4b: {  	_ =	shalt  }
0x4c: {  	_ =	shalt  }
0x4d: {  	_ =	shalt  }
0x4e: {  	_ =	shalt  }
0x4f: {  	_ =	shalt  }
0x50: {  	_ =	shalt  }
0x51: {  	_ =	shalt  }
0x52: {  	_ =	shalt  }
0x53: {  	_ =	shalt  }
0x54: {  	_ =	shalt  }
0x55: {  	_ =	shalt  }
0x56: {  	_ =	shalt  }
0x57: {  	_ =	shalt  }
0x58: {  	_ =	shalt  }
0x59: {  	_ =	shalt  }
0x5a: {  	_ =	shalt  }
0x5b: {  	_ =	shalt  }
0x5c: {  	_ =	shalt  }
0x5d: {  	_ =	shalt  }
0x5e: {  	_ =	shalt  }
0x5f: {  	_ =	shalt  }
0x60: {  	_ =	shalt  }
0x61: {  	_ =	shalt  }
0x62: {  	_ =	shalt  }
0x63: {  	_ =	shalt  }
0x64: {  	_ =	shalt  }
0x65: {  	_ =	shalt  }
0x66: {  	_ =	shalt  }
0x67: {  	_ =	shalt  }
0x68: {  	_ =	shalt  }
0x69: {  	_ =	shalt  }
0x6a: {  	_ =	shalt  }
0x6b: {  	_ =	shalt  }
0x6c: {  	_ =	shalt  }
0x6d: {  	_ =	shalt  }
0x6e: {  	_ =	shalt  }
0x6f: {  	_ =	shalt  }
0x70: {  	_ =	shalt  }
0x71: {  	_ =	shalt  }
0x72: {  	_ =	shalt  }
0x73: {  	_ =	shalt  }
0x74: {  	_ =	shalt  }
0x75: {  	_ =	shalt  }
0x76: {  	_ =	shalt  }
0x77: {  	_ =	shalt  }
0x78: {  	_ =	shalt  }
0x79: {  	_ =	shalt  }
0x7a: {  	_ =	shalt  }
0x7b: {  	_ =	shalt  }
0x7c: {  	_ =	shalt  }
0x7d: {  	_ =	shalt  }
0x7e: {  	_ =	shalt  }
0x7f: {  	_ =	shalt  }
0x80: {  	_ =	shalt  }
0x81: {  	_ =	shalt  }
0x82: {  	_ =	shalt  }
0x83: {  	_ =	shalt  }
0x84: {  	_ =	shalt  }
0x85: {  	_ =	shalt  }
0x86: {  	_ =	shalt  }
0x87: {  	_ =	shalt  }
.Lfunc_end0:
.L_simem_size_0:
called_computation.2_lowered:
.L_overlay_start_0:
0x88: {  	s2 =	sld [smem:$0x3FD9]  }
0x89: {  	s3 =	sld [smem:$0x3FFE];
	_ =	sdelay $0x1  }
0x8a: {  	s1 =	srdreg.scid  }
0x8b: {  	s0 =	sand.u32 $0x1, s1  }
0x8c: {  	s17 =	sshll.u32 s0, $0xA;
	s2 =	sadd.s32 s3, s2  }
0x8d: {  	s2 =	sadd.s32 s2, s17  }
0x8e: {  	[smem:$0x3FC2] =	sst s2  }
0x8f: {  	_ = 	snop  }
0x90: {  	s2 =	sld [smem:$0x3FD0];
	(tm) =	ssettm $0x1  }
0x91: {  	s18 =	sld [smem:$0x3FFB];
	_ =	sdelay $0x3  }
0x92: {  	_ =	strace s18  }
0x93: {  	s3 =	sld [smem:$0x3FFC];
	_ =	sdelay $0x3  }
0x94: {  	_ =	strace s3  }
0x95: {  	s3 =	sld [smem:$0x3FFD];
	_ =	sdelay $0x3  }
0x96: {  	_ =	strace s3  }
0x97: {  	_ =	strace $0x8FFFFFFF  }
0x98: {  	s19 =	sld [smem:$0x3FDB];
	_ =	sdelay $0x1  }
0x99: {  	s4 =	simm.s32 $_scs_section_size  }
0x9a: {  	s5 =	simm.s32 $_size__tile_overlayer_lowered;
	s6 =	simm.s32 $_tile_overlayer_lowered  }
0x9b: {  	s22 =	simm.s32 $0x1BFF;
	s21 =	sshll.u32 s6, $0x1;
	s3 =	sadd.s32 s4, s19  }
0x9c: {  	s7 =	simm.s32 $0x0;
	s20 =	sshll.u32 s5, $0x1;
	s5 =	sadd.s32 s21, s3  }
0x9d: {  	[timem:s7], [sflag:s22] =	dma.local [hbm:s5], s20  }
0x9e: {  	_ =	swait.ge [sflag:s22], s20  }
0x9f: {  	s4 =	ssub.s32 $0x0, s20;
	[sflag:s22] =	ssyncset.done $0x0  }
0xa0: {  	[sflag:s22] =	ssyncadd.s32 s4;
	_ =	sdelay $0x1  }
0xa1: {  	s23 =	simm.s32 $0x1B8B  }
0xa2: {  	_ =	swait.ge [sflag:s23], $0x1  }
0xa3: {  	[sflag:s23] =	ssyncset.done $0x0  }
0xa4: {  	s25 =	simm.s32 $0x1B8E;
	s24 =	sld [smem:$0x3FFE];
	[sflag:s23] =	ssyncadd.s32 $0xFFFFFFFF  }
0xa5: {  	s26 =	simm.s32 $execute0_lowered;
	[smem:$0x3FD2] =	sst s25  }
0xa6: {  	s5 =	sshll.u32 s26, $0x1;
	_ =	strace $0x8000004C;
	[dreg:$0x1] =	wrdreg $0xFFFFFFFF  }
0xa7: {  	s28 =	simm.s32 $_size_execute0_lowered;
	s3 =	sadd.s32 s3, s5;
	[dreg:$0x0] =	wrdreg $0x0  }
0xa8: {  	s5 =	sshll.u32 s28, $0x1;
	[dreg:$0x2] =	wrdreg s3  }
0xa9: {  	[dreg:$0x3] =	wrdreg s5  }
0xaa: {  	[dreg:$0x4] =	wrdreg $0xC0  }
0xab: {  	_ =	task [dreg:s7], $0x5FFFF  }
0xac: {  	[dreg:$0x1] =	wrdreg $0xFFFFFFFF  }
0xad: {  	[dreg:$0x0] =	wrdreg $0x60  }
0xae: {  	[dreg:$0x2] =	wrdreg s2  }
0xaf: {  	[dreg:$0x3] =	wrdreg s24  }
0xb0: {  	[dreg:$0x4] =	wrdreg $0x61000  }
0xb1: {  	[dreg:$0x5] =	wrdreg $0x11000  }
0xb2: {  	[dreg:$0x6] =	wrdreg $0x9  }
0xb3: {  	_ =	task.clear_ibuf [dreg:s7], $0x7FFFF;
	_ =	strace $0x9000004C  }
0xb4: {  	s29 =	simm.s32 $0x9;
	_ =	strace $0x8000004E  }
0xb5: {  	_ =	swait.ge [sflag:s29], $0x1  }
0xb6: {  	[sflag:s29] =	ssyncadd.s32 $0xFFFFFFFF  }
0xb7: {  	_ =	strace $0x9000004E  }
0xb8: {  	_ =	sfence  }
0xb9: {  	s30 =	sld [smem:$0x0];
	_ =	sdelay $0x2  }
0xba: {  	s31 =	sshll.u32 s1, $0xD;
	s1 =	sshrl.u32 s1, $0x2  }
0xbb: {  	s3 =	sand.u32 $0x4000, s31;
	s1 =	sadd.s32 s1, s30  }
0xbc: {  	s0 =	sor.u32 s3, s0;
	s1 =	sshll.u32 s1, $0x11  }
0xbd: {  	s0 =	sor.u32 s1, s0  }
0xbe: {  	s0 =	sadd.s32 $0x8F2B, s0  }
0xbf: {  	[sflag:s0] =	ssyncadd.remote.s32 $0x1  }
0xc0: {  	_ =	sfence.sel $0xFFFF  }
0xc1: {  	[dreg:$0x0] =	wrdreg $0xFFFFFFFF;
	(pc) =	sbr.abs _section_cstart, $3  }
0xc2: {  	[dreg:$0x1] =	wrdreg $0xFFFFFFFF  }
0xc3: {  	_ =	task.clear_ibuf [dreg:s7], $0x2FFFF;
	_ =	strace $0x9FFFFFFF  }
0xc4: {  	(tm) =	ssettm $0x7FFFFFFF  }
0xc5: {  	_ =	shalt  }
tec
execute0_lowered:
.L_overlay_start_1:
0x0: {  	(tag) =	ssettag $0x1  }
0x1: {  	s16 =	rddreg [dreg:$0x0]  }
0x2: {  	s5 =	rddreg [dreg:$0x1]  }
0x3: {  	s1 =	rddreg [dreg:$0x2]  }
0x4: {  	s3 =	rddreg [dreg:$0x3]  }
0x5: {  	s0 =	rddreg [dreg:$0x4];
	s4 =	simm.s32 $0x0;
	s2 =	stileid.u32  }
0x6: {  	s6 =	srdreg.scid;
	[smem:$0x7FF] =	sst s4  }
0x7: {  	s7 =	smul.u32 $0x1400, s2;
	s10 =	sand.u32 $0x1, s6;
	s15 =	sadd.s32 $0x2C00, s5  }
0x8: {  	s11 =	smul.u32 $0x5000, s2;
	s14 =	sadd.s32 $0xCC00, s5;
	_ =	strace $0x8000004D  }
0x9: {  	s6 =	ssub.s32 $0x2, s10;
	s21 =	smul.u32 $0x50000, s10;
	p0 =	seq.s32 s10, $0x1  }
0xa: {  	s17 =	sadd.s32 s7, s5;
	s25 =	sshrl.u32 s6, $0x1;
	s12 =	sadd.s32 $0x1000, s11  }
0xb: {  	s13 =	sadd.s32 $0x2000, s11;
	s5 =	sadd.s32 s11, s1;
	s19 =	sadd.s32 $0x3000, s11  }
0xc: {  	s20 =	sadd.s32 $0x4000, s11;
	s22 =	sadd.s32 s11, s3;
	s23 =	sshrl.u32 s11, $0x3  }
0xd: {  	s16 =	smov.u32 @p0 s15;
	s18 =	ssub.s32 s6, s25;
	s6 =	sadd.s32 s12, s1  }
0xe: {  	s7 =	sadd.s32 s13, s1;
	s8 =	sadd.s32 s19, s1;
	s9 =	sadd.s32 s20, s1  }
0xf: {  	s26 =	sadd.s32 s11, s21;
	s12 =	sadd.s32 s21, s12;
	s29 =	sadd.s32 s21, s13  }
0x10: {  	s30 =	sadd.s32 s21, s19;
	s31 =	sadd.s32 s21, s20;
	s16 =	sadd.s32 s16, s23  }
0x11: {  	s17 =	sadd.s32 $0x52C00, s17;
	s20 =	sshrl.u32 s22, $0x3;
	s21 =	simm.s32 $0x80  }
0x12: {  	s22 =	simm.s32 $0x1;
	s23 =	simm.s32 $0x0;
	s10 =	sshrl.u32 s26, $0x3  }
0x13: {  	s28 =	sshrl.u32 s12, $0x3;
	s12 =	sshrl.u32 s29, $0x3;
	s13 =	sshrl.u32 s30, $0x3  }
0x14: {  	s19 =	sshrl.u32 s31, $0x3;
	s15 =	smax.u32 s18, $0x1;
	s18 =	simm.s32 $0x100  }
0x15: {  	s10 =	sadd.s32 s14, s10;
	s11 =	sadd.s32 s14, s28;
	s12 =	sadd.s32 s14, s12  }
0x16: {  	v0 =	vimm.f32 $0.0e+00;
	s13 =	sadd.s32 s14, s13;
	s14 =	sadd.s32 s14, s19;
	s19 =	simm.s32 $0x2  }
.LBB2_1:
0x17: {  	s24 =	simm.s32 $0x80;
	s25 =	simm.s32 $0x0  }
.LBB2_2:
0x18: {  	p0 =	sne.s32 s24, $0x3F80;
	[tilespmem:s25+$0x100] =	vst v0;
	s26 =	smov.u32 s24;
	s24 =	sadd.s32 $0x80, s24  }
.Ltmp0:
0x19: {  	[tilespmem:s25+$0x110] =	vst v0;
	(pc) =	sbr.rel @p0 .LBB2_2-.Ltmp0, $2  }
0x1a: {  	_ =	sdelay $0x2  }
0x1b: {  	s25 =	sshra.s32 s26, $0x2  }
0x1c: {  	[tilespmem:s25+$0x100] =	vst v0  }
0x1d: {  	[tilespmem:s25+$0x110] =	vst v0  }
0x1e: {  	[spmem:s5] =	stream.linear.scatter [tilespmem:s18], [sflag:$0x2], $0x1000, $0x38;
	[tilespmem:$0xB100] =	vst v63  }
0x1f: {  	_ =	swait.ge [sflag:s19], $0x1000  }
0x20: {  	[sflag:s19] =	ssyncset.done $0x0  }
0x21: {  	[sflag:s19] =	ssyncadd.s32 $0xFFFFF000  }
0x22: {  	[spmem:s6] =	stream.linear.scatter [tilespmem:s18], [sflag:$0x2], $0x1000, $0x38;
	[tilespmem:$0xB100] =	vst v63  }
0x23: {  	_ =	swait.ge [sflag:s19], $0x1000  }
0x24: {  	[sflag:s19] =	ssyncset.done $0x0  }
0x25: {  	[sflag:s19] =	ssyncadd.s32 $0xFFFFF000  }
0x26: {  	[spmem:s7] =	stream.linear.scatter [tilespmem:s18], [sflag:$0x2], $0x1000, $0x38;
	[tilespmem:$0xB100] =	vst v63  }
0x27: {  	_ =	swait.ge [sflag:s19], $0x1000  }
0x28: {  	[sflag:s19] =	ssyncset.done $0x0  }
0x29: {  	[sflag:s19] =	ssyncadd.s32 $0xFFFFF000  }
0x2a: {  	[spmem:s8] =	stream.linear.scatter [tilespmem:s18], [sflag:$0x2], $0x1000, $0x38;
	[tilespmem:$0xB100] =	vst v63  }
0x2b: {  	_ =	swait.ge [sflag:s19], $0x1000  }
0x2c: {  	[sflag:s19] =	ssyncset.done $0x0  }
0x2d: {  	[sflag:s19] =	ssyncadd.s32 $0xFFFFF000  }
0x2e: {  	[spmem:s9] =	stream.linear.scatter [tilespmem:s18], [sflag:$0x2], $0x1000, $0x38;
	[tilespmem:$0xB100] =	vst v63  }
0x2f: {  	_ =	swait.ge [sflag:s19], $0x1000  }
0x30: {  	s24 =	sshll.u32 s2, $0x6;
	[sflag:s19] =	ssyncset.done $0x0  }
0x31: {  	s24 =	sor.u32 $0x1C02, s24;
	[sflag:s19] =	ssyncadd.s32 $0xFFFFF000  }
0x32: {  	[spmem:s20], [sflag:s24] =	dma.local [hbm:s16], $0xA00  }
0x33: {  	_ =	swait.ge [sflag:s19], $0xA00  }
0x34: {  	[sflag:s19] =	ssyncset.done $0x0  }
0x35: {  	[sflag:s19] =	ssyncadd.s32 $0xFFFFF600  }
0x36: {  	s31 =	sadd.s32 $0x0, s17;
	[bflag:$0x0] =	sbarrier.arrive $0xFFFF  }
0x37: {  	[tilespmem:s4], [sflag:$0x2] =	stream.linear.gather [hbm4b:s31+s4], $0x100, $0x38;
	[tilespmem:$0xB100] =	vst v63  }
0x38: {  	_ =	swait.ge [sflag:s19], $0x100  }
0x39: {  	[sflag:s19] =	ssyncset.done $0x0  }
0x3a: {  	[sflag:s19] =	ssyncadd.s32 $0xFFFFFF00  }
0x3b: {  	[tilespmem:s18], [sflag:$0x1] =	stream.indirect.gather [spmem:s3], $0x20, s4, s21, $0xb8;
	[tilespmem:$0xB100] =	vst v63  }
0x3c: {  	_ =	swait.ge [sflag:s22], $0x1000  }
0x3d: {  	[sflag:s22] =	ssyncset.done $0x0  }
0x3e: {  	[sflag:s22] =	ssyncadd.s32 $0xFFFFF000  }
0x3f: {  	[spmem:s1] =	stream.indirect.scatter.add.f32 [tilespmem:s18], [sflag:$0x2], $0x20, s21, s21, $0xb8;
	[tilespmem:$0xB100] =	vst v63  }
0x40: {  	_ =	swait.ge [sflag:s19], $0x1000  }
0x41: {  	s25 =	simm.s32 $0x40;
	s24 =	simm.s32 $0x20;
	[sflag:s19] =	ssyncset.done $0x0  }
.LBB2_4:
0x42: {  	s26 =	sadd.s32 s24, s17  }
0x43: {  	[sflag:s19] =	ssyncadd.s32 $0xFFFFF000;
	s24 =	smov.u32 s25;
	s28 =	sadd.s32 $0x20, s25  }
0x44: {  	[tilespmem:s4], [sflag:$0x2] =	stream.linear.gather [hbm4b:s26+s4], $0x100, $0x38;
	[tilespmem:$0xB100] =	vst v63  }
0x45: {  	p0 =	sne.s32 s25, $0x13A0;
	_ =	swait.ge [sflag:s19], $0x100  }
0x46: {  	[sflag:s19] =	ssyncset.done $0x0  }
0x47: {  	[sflag:s19] =	ssyncadd.s32 $0xFFFFFF00  }
0x48: {  	[tilespmem:s18], [sflag:$0x1] =	stream.indirect.gather [spmem:s3], $0x20, s4, s21, $0xb8;
	[tilespmem:$0xB100] =	vst v63  }
0x49: {  	_ =	swait.ge [sflag:s22], $0x1000  }
.Ltmp1:
0x4a: {  	[sflag:s22] =	ssyncset.done $0x0;
	(pc) =	sbr.rel @p0 .LBB2_4-.Ltmp1, $4  }
0x4b: {  	[sflag:s22] =	ssyncadd.s32 $0xFFFFF000  }
0x4c: {  	[spmem:s1] =	stream.indirect.scatter.add.f32 [tilespmem:s18], [sflag:$0x2], $0x20, s21, s21, $0xb8;
	[tilespmem:$0xB100] =	vst v63  }
0x4d: {  	_ =	swait.ge [sflag:s19], $0x1000  }
0x4e: {  	s25 =	smov.u32 s28;
	[sflag:s19] =	ssyncset.done $0x0  }
0x4f: {  	s24 =	sadd.s32 s24, s17;
	[sflag:s19] =	ssyncadd.s32 $0xFFFFF000  }
0x50: {  	[tilespmem:s4], [sflag:$0x2] =	stream.linear.gather [hbm4b:s24+s4], $0x100, $0x38;
	[tilespmem:$0xB100] =	vst v63  }
0x51: {  	_ =	swait.ge [sflag:s19], $0x100  }
0x52: {  	[sflag:s19] =	ssyncset.done $0x0  }
0x53: {  	[sflag:s19] =	ssyncadd.s32 $0xFFFFFF00  }
0x54: {  	[tilespmem:s18], [sflag:$0x1] =	stream.indirect.gather [spmem:s3], $0x20, s4, s21, $0xb8;
	[tilespmem:$0xB100] =	vst v63  }
0x55: {  	_ =	swait.ge [sflag:s22], $0x1000  }
0x56: {  	[sflag:s22] =	ssyncset.done $0x0  }
0x57: {  	[sflag:s22] =	ssyncadd.s32 $0xFFFFF000  }
0x58: {  	[spmem:s1] =	stream.indirect.scatter.add.f32 [tilespmem:s18], [sflag:$0x2], $0x20, s21, s21, $0xb8;
	[tilespmem:$0xB100] =	vst v63  }
0x59: {  	_ =	swait.ge [sflag:s19], $0x1000  }
0x5a: {  	[sflag:s19] =	ssyncset.done $0x0  }
0x5b: {  	[sflag:s19] =	ssyncadd.s32 $0xFFFFF000  }
0x5c: {  	[bflag:$0x0] =	sbarrier.arrive $0xFFFF  }
0x5d: {  	[tilespmem:s18], [sflag:$0x2] =	stream.linear.gather [spmem:s5], $0x1000, $0x38;
	[tilespmem:$0xB100] =	vst v63  }
0x5e: {  	_ =	swait.ge [sflag:s19], $0x1000  }
0x5f: {  	[sflag:s19] =	ssyncset.done $0x0  }
0x60: {  	[sflag:s19] =	ssyncadd.s32 $0xFFFFF000  }
0x61: {  	[hbm4b:s10+s4] =	stream.linear.scatter [tilespmem:s18], [sflag:$0x2], $0x1000, $0x38;
	[tilespmem:$0xB100] =	vst v63  }
0x62: {  	_ =	swait.ge [sflag:s19], $0x1000  }
0x63: {  	[sflag:s19] =	ssyncset.done $0x0  }
0x64: {  	[sflag:s19] =	ssyncadd.s32 $0xFFFFF000  }
0x65: {  	[tilespmem:s18], [sflag:$0x2] =	stream.linear.gather [spmem:s6], $0x1000, $0x38;
	[tilespmem:$0xB100] =	vst v63  }
0x66: {  	_ =	swait.ge [sflag:s19], $0x1000  }
0x67: {  	[sflag:s19] =	ssyncset.done $0x0  }
0x68: {  	[sflag:s19] =	ssyncadd.s32 $0xFFFFF000  }
0x69: {  	[hbm4b:s11+s4] =	stream.linear.scatter [tilespmem:s18], [sflag:$0x2], $0x1000, $0x38;
	[tilespmem:$0xB100] =	vst v63  }
0x6a: {  	_ =	swait.ge [sflag:s19], $0x1000  }
0x6b: {  	[sflag:s19] =	ssyncset.done $0x0  }
0x6c: {  	[sflag:s19] =	ssyncadd.s32 $0xFFFFF000  }
0x6d: {  	[tilespmem:s18], [sflag:$0x2] =	stream.linear.gather [spmem:s7], $0x1000, $0x38;
	[tilespmem:$0xB100] =	vst v63  }
0x6e: {  	_ =	swait.ge [sflag:s19], $0x1000  }
0x6f: {  	[sflag:s19] =	ssyncset.done $0x0  }
0x70: {  	[sflag:s19] =	ssyncadd.s32 $0xFFFFF000  }
0x71: {  	[hbm4b:s12+s4] =	stream.linear.scatter [tilespmem:s18], [sflag:$0x2], $0x1000, $0x38;
	[tilespmem:$0xB100] =	vst v63  }
0x72: {  	_ =	swait.ge [sflag:s19], $0x1000  }
0x73: {  	[sflag:s19] =	ssyncset.done $0x0  }
0x74: {  	[sflag:s19] =	ssyncadd.s32 $0xFFFFF000  }
0x75: {  	[tilespmem:s18], [sflag:$0x2] =	stream.linear.gather [spmem:s8], $0x1000, $0x38;
	[tilespmem:$0xB100] =	vst v63  }
0x76: {  	_ =	swait.ge [sflag:s19], $0x1000  }
0x77: {  	[sflag:s19] =	ssyncset.done $0x0  }
0x78: {  	[sflag:s19] =	ssyncadd.s32 $0xFFFFF000  }
0x79: {  	[hbm4b:s13+s4] =	stream.linear.scatter [tilespmem:s18], [sflag:$0x2], $0x1000, $0x38;
	[tilespmem:$0xB100] =	vst v63  }
0x7a: {  	_ =	swait.ge [sflag:s19], $0x1000  }
0x7b: {  	[sflag:s19] =	ssyncset.done $0x0  }
0x7c: {  	[sflag:s19] =	ssyncadd.s32 $0xFFFFF000  }
0x7d: {  	[tilespmem:s18], [sflag:$0x2] =	stream.linear.gather [spmem:s9], $0x1000, $0x38;
	[tilespmem:$0xB100] =	vst v63  }
0x7e: {  	s23 =	sadd.s32 $0x1, s23;
	_ =	swait.ge [sflag:s19], $0x1000  }
0x7f: {  	p0 =	sne.s32 s23, s15;
	[sflag:s19] =	ssyncset.done $0x0  }
.Ltmp2:
0x80: {  	[sflag:s19] =	ssyncadd.s32 $0xFFFFF000;
	(pc) =	sbr.rel @p0 .LBB2_1-.Ltmp2, $4  }
0x81: {  	[hbm4b:s14+s4] =	stream.linear.scatter [tilespmem:s18], [sflag:$0x2], $0x1000, $0x38;
	[tilespmem:$0xB100] =	vst v63  }
0x82: {  	_ =	swait.ge [sflag:s19], $0x1000  }
0x83: {  	[sflag:s19] =	ssyncset.done $0x0  }
0x84: {  	[sflag:s19] =	ssyncadd.s32 $0xFFFFF000  }
0x85: {  	_ =	sfence.sel $0x180000  }
0x86: {  	[bflag:$0x0] =	sbarrier.arrive $0xFFFF  }
0x87: {  	p0 =	sne.s32 s2, $0x0;
	_ =	strace $0x9000004D  }
0x88: {  	s0 =	sadd.s32 @!p0 $0x100000, s0;
	[bflag:$0x2] =	sbarrier.arrive $0xFFFF  }
0x89: {  	[sflag:s0] =	ssyncadd.tile.s32 @!p0 $0x1;
	_ =	shalt  }
.Lfunc_end2:
_tile_overlayer_lowered:
.L_overlay_start_2:
0x8a: {  	(tag) =	ssettag $0x2  }
0x8b: {  	s0 =	rddreg [dreg:$0x0];
	s2 =	stileid.u32  }
0x8c: {  	s1 =	rddreg [dreg:$0x1];
	p0 =	sne.s32 s2, $0x0  }
0x8d: {  	s3 =	rddreg [dreg:$0x2];
	[bflag:$0x3] =	sbarrier.arrive $0xFFFF;
	s2 =	simm.s32 @!p0 $0x1C02  }
0x8e: {  	[timem:s3], [sflag:s2] =	dma.local @!p0 [hbm:s0], s1  }
0x8f: {  	s0 =	simm.s32 @!p0 $0x2  }
0x90: {  	_ =	swait.ge @!p0 [sflag:s0], s1  }
0x91: {  	s1 =	ssub.s32 @!p0 $0x0, s1;
	[sflag:s0] =	ssyncset.done @!p0 $0x0  }
0x92: {  	[sflag:s0] =	ssyncadd.s32 @!p0 s1  }
0x93: {  	[bflag:$0x3] =	sbarrier.arrive $0xFFFF  }
0x94: {  	_ =	shalt  }

// kernel: kernel.8.cloned.1.call-start
scs
__scs_entry_jumppad:
0x0: {  	(pc) =	sbr.rel $0x88, $3  }
0x1: {  	(tag) =	ssettag $0x0;
	lr =	simm.s32 $0x1  }
0x2: {  	[smem:$0x3F9B] =	sst lr;
	_ =	strace $0xD0000000  }
0x3: {  	_ = 	snop  }
0x4: {  	_ = 	snop  }
0x5: {  	_ = 	snop  }
0x6: {  	_ = 	snop  }
0x7: {  	_ = 	snop  }
__scs_overlays_trampoline_lowered:
0x8: {  	[smem:$0x3FAA] =	sst s0  }
0x9: {  	[smem:$0x3FAB] =	sst s1  }
0xa: {  	[smem:$0x3FAC] =	sst s2  }
0xb: {  	[smem:$0x3FAD] =	sst s3  }
0xc: {  	[smem:$0x3FAE] =	sst s4  }
0xd: {  	[smem:$0x3FAF] =	sst s5  }
0xe: {  	[smem:$0x3FB0] =	sst s6  }
0xf: {  	[smem:$0x3FB1] =	sst s7  }
0x10: {  	[smem:$0x3FB2] =	sst s8  }
0x11: {  	[smem:$0x3FB3] =	sst s9;
	s0 =	simm.s32 @!p0 $0x0  }
0x12: {  	s1 =	sld [smem:$0x3F99];
	s0 =	simm.s32 @p0 $0x1  }
0x13: {  	[smem:$0x3FB4] =	sst s0;
	s0 =	simm.s32 @!p1 $0x0  }
0x14: {  	s2 =	sld [smem:$0x3F98];
	s0 =	simm.s32 @p1 $0x1  }
0x15: {  	[smem:$0x3FB5] =	sst s0;
	s0 =	simm.s32 @!p2 $0x0  }
0x16: {  	s3 =	sld [smem:$0x3FDB];
	s0 =	simm.s32 @p2 $0x1  }
0x17: {  	s4 =	simm.s32 $0x1BF5;
	[smem:$0x3FB7] =	sst s0  }
0x18: {  	s0 =	sld [smem:$0x3F9A];
	_ =	swait.ge [sflag:s4], $0x0  }
0x19: {  	s7 =	sld [smem:$0x3F9B]  }
0x1a: {  	s8 =	sadd.s32 $0xFFFFE003, lr  }
0x1b: {  	s9 =	sadd.s32 $0xFFFFFEF7, lr;
	s5 =	simm.s32 $0xFFFFFFFF;
	p2 =	slt.u32 s8, $0xFFFFF086  }
0x1c: {  	p1 =	slt.u32 s9, $0xF7A;
	s5 =	simm.s32 @!p2 $0x0  }
0x1d: {  	s5 =	simm.s32 @p1 $0x1;
	p0 =	seq.s32 s7, s2  }
0x1e: {  	s7 =	smul.u32 @!p0 $0xF7A, s2;
	p2 =	seq.s32 @!p0 s5, $0x0  }
0x1f: {  	s9 =	smul.u32 $0xF7A, s1;
	s8 =	simm.s32 @!p0 $0x1BF5;
	p2 =	por !p2, p0  }
0x20: {  	[sflag:s8] =	ssyncset.s32 @!p0 $0xFFFFF086;
	s6 =	sadd.s32 @!p0 s3, s7;
	s7 =	simm.s32 @!p0 $0x108  }
0x21: {  	s3 =	sadd.s32 s3, s9;
	s6 =	sadd.s32 @!p0 $0x88, s6;
	s7 =	simm.s32 @p2 $0x1082  }
0x22: {  	[simem:s7], [sflag:s8] =	dma.local @!p0 [hbm:s6], $0xF7A  }
0x23: {  	s9 =	sor.u32 $0xD0000000, s2;
	s6 =	simm.s32 $0x108;
	_ =	swait.ge @!p0 [sflag:s8], $0x0  }
0x24: {  	s3 =	sadd.s32 $0x88, s3;
	s6 =	simm.s32 @!p1 $0x1082;
	[sflag:s4] =	ssyncset.s32 $0xFFFFF086  }
0x25: {  	[simem:s6], [sflag:s4] =	dma.local [hbm:s3], $0xF7A  }
0x26: {  	[smem:$0x3F9B] =	sst s1;
	(tag) =	ssettag s2;
	_ =	strace s9  }
0x27: {  	s1 =	sld [smem:$0x3FAB]  }
0x28: {  	s2 =	sld [smem:$0x3FAC]  }
0x29: {  	s4 =	sld [smem:$0x3FAE]  }
0x2a: {  	p0 =	seq.s32 s5, $0x0;
	s5 =	sld [smem:$0x3FAF]  }
0x2b: {  	s6 =	sld [smem:$0x3FB0]  }
0x2c: {  	s7 =	sld [smem:$0x3FB1]  }
0x2d: {  	s3 =	simm.s32 $0x108;
	s8 =	sld [smem:$0x3FB2]  }
0x2e: {  	s3 =	simm.s32 @!p0 $0x1082;
	s9 =	sld [smem:$0x3FB3]  }
0x2f: {  	lr =	sadd.s32 s0, s3;
	s0 =	sld [smem:$0x3FAA]  }
0x30: {  	s3 =	sld [smem:$0x3FAD]  }
0x31: {  	[smem:$0x3FB6] =	sst s10  }
0x32: {  	s10 =	sld [smem:$0x3FB4];
	_ =	sdelay $0x3  }
0x33: {  	p0 =	seq.s32 s10, $0x1;
	s10 =	sld [smem:$0x3FB6];
	_ =	sdelay $0x3  }
0x34: {  	[smem:$0x3FB6] =	sst s10  }
0x35: {  	s10 =	sld [smem:$0x3FB5];
	_ =	sdelay $0x3  }
0x36: {  	p1 =	seq.s32 s10, $0x1;
	s10 =	sld [smem:$0x3FB6];
	_ =	sdelay $0x3  }
0x37: {  	[smem:$0x3FB6] =	sst s10  }
0x38: {  	s10 =	sld [smem:$0x3FB7]  }
0x39: {  	_ = 	snop;
	(pc) =	sbr.ind lr, $3  }
0x3a: {  	_ = 	snop  }
0x3b: {  	_ = 	snop  }
0x3c: {  	p2 =	seq.s32 s10, $0x1;
	s10 =	sld [smem:$0x3FB6]  }
0x3d: {  	_ =	shalt  }
0x3e: {  	_ =	shalt  }
0x3f: {  	_ =	shalt  }
0x40: {  	_ =	shalt  }
0x41: {  	_ =	shalt  }
0x42: {  	_ =	shalt  }
0x43: {  	_ =	shalt  }
0x44: {  	_ =	shalt  }
0x45: {  	_ =	shalt  }
0x46: {  	_ =	shalt  }
0x47: {  	_ =	shalt  }
0x48: {  	_ =	shalt  }
0x49: {  	_ =	shalt  }
0x4a: {  	_ =	shalt  }
0x4b: {  	_ =	shalt  }
0x4c: {  	_ =	shalt  }
0x4d: {  	_ =	shalt  }
0x4e: {  	_ =	shalt  }
0x4f: {  	_ =	shalt  }
0x50: {  	_ =	shalt  }
0x51: {  	_ =	shalt  }
0x52: {  	_ =	shalt  }
0x53: {  	_ =	shalt  }
0x54: {  	_ =	shalt  }
0x55: {  	_ =	shalt  }
0x56: {  	_ =	shalt  }
0x57: {  	_ =	shalt  }
0x58: {  	_ =	shalt  }
0x59: {  	_ =	shalt  }
0x5a: {  	_ =	shalt  }
0x5b: {  	_ =	shalt  }
0x5c: {  	_ =	shalt  }
0x5d: {  	_ =	shalt  }
0x5e: {  	_ =	shalt  }
0x5f: {  	_ =	shalt  }
0x60: {  	_ =	shalt  }
0x61: {  	_ =	shalt  }
0x62: {  	_ =	shalt  }
0x63: {  	_ =	shalt  }
0x64: {  	_ =	shalt  }
0x65: {  	_ =	shalt  }
0x66: {  	_ =	shalt  }
0x67: {  	_ =	shalt  }
0x68: {  	_ =	shalt  }
0x69: {  	_ =	shalt  }
0x6a: {  	_ =	shalt  }
0x6b: {  	_ =	shalt  }
0x6c: {  	_ =	shalt  }
0x6d: {  	_ =	shalt  }
0x6e: {  	_ =	shalt  }
0x6f: {  	_ =	shalt  }
0x70: {  	_ =	shalt  }
0x71: {  	_ =	shalt  }
0x72: {  	_ =	shalt  }
0x73: {  	_ =	shalt  }
0x74: {  	_ =	shalt  }
0x75: {  	_ =	shalt  }
0x76: {  	_ =	shalt  }
0x77: {  	_ =	shalt  }
0x78: {  	_ =	shalt  }
0x79: {  	_ =	shalt  }
0x7a: {  	_ =	shalt  }
0x7b: {  	_ =	shalt  }
0x7c: {  	_ =	shalt  }
0x7d: {  	_ =	shalt  }
0x7e: {  	_ =	shalt  }
0x7f: {  	_ =	shalt  }
0x80: {  	_ =	shalt  }
0x81: {  	_ =	shalt  }
0x82: {  	_ =	shalt  }
0x83: {  	_ =	shalt  }
0x84: {  	_ =	shalt  }
0x85: {  	_ =	shalt  }
0x86: {  	_ =	shalt  }
0x87: {  	_ =	shalt  }
.Lfunc_end0:
.L_simem_size_0:
called_computation_lowered:
.L_overlay_start_0:
0x88: {  	s2 =	sld [smem:$0x3FD9]  }
0x89: {  	s3 =	sld [smem:$0x3FFE];
	_ =	sdelay $0x1  }
0x8a: {  	s1 =	srdreg.scid  }
0x8b: {  	s0 =	sand.u32 $0x1, s1  }
0x8c: {  	s17 =	sshll.u32 s0, $0xA;
	s2 =	sadd.s32 s3, s2  }
0x8d: {  	s2 =	sadd.s32 s2, s17  }
0x8e: {  	[smem:$0x3FC2] =	sst s2  }
0x8f: {  	_ = 	snop  }
0x90: {  	s2 =	sld [smem:$0x3FD0];
	(tm) =	ssettm $0x1  }
0x91: {  	s18 =	sld [smem:$0x3FFB];
	_ =	sdelay $0x3  }
0x92: {  	_ =	strace s18  }
0x93: {  	s3 =	sld [smem:$0x3FFC];
	_ =	sdelay $0x3  }
0x94: {  	_ =	strace s3  }
0x95: {  	s3 =	sld [smem:$0x3FFD];
	_ =	sdelay $0x3  }
0x96: {  	_ =	strace s3  }
0x97: {  	_ =	strace $0x8FFFFFFF  }
0x98: {  	s19 =	sld [smem:$0x3FDB];
	_ =	sdelay $0x1  }
0x99: {  	s4 =	simm.s32 $_scs_section_size  }
0x9a: {  	s5 =	simm.s32 $_size__tile_overlayer_lowered;
	s6 =	simm.s32 $_tile_overlayer_lowered  }
0x9b: {  	s22 =	simm.s32 $0x1BFF;
	s21 =	sshll.u32 s6, $0x1;
	s3 =	sadd.s32 s4, s19  }
0x9c: {  	s7 =	simm.s32 $0x0;
	s20 =	sshll.u32 s5, $0x1;
	s5 =	sadd.s32 s21, s3  }
0x9d: {  	[timem:s7], [sflag:s22] =	dma.local [hbm:s5], s20  }
0x9e: {  	_ =	swait.ge [sflag:s22], s20  }
0x9f: {  	s4 =	ssub.s32 $0x0, s20;
	[sflag:s22] =	ssyncset.done $0x0  }
0xa0: {  	[sflag:s22] =	ssyncadd.s32 s4;
	_ =	sdelay $0x1  }
0xa1: {  	s23 =	simm.s32 $0x1B8B  }
0xa2: {  	_ =	swait.ge [sflag:s23], $0x1  }
0xa3: {  	[sflag:s23] =	ssyncset.done $0x0  }
0xa4: {  	s25 =	simm.s32 $0x1B8E;
	s24 =	sld [smem:$0x3FFE];
	[sflag:s23] =	ssyncadd.s32 $0xFFFFFFFF  }
0xa5: {  	s26 =	simm.s32 $execute0_lowered;
	[smem:$0x3FD2] =	sst s25  }
0xa6: {  	s5 =	sshll.u32 s26, $0x1;
	_ =	strace $0x80000046;
	[dreg:$0x1] =	wrdreg $0xFFFFFFFF  }
0xa7: {  	s28 =	simm.s32 $_size_execute0_lowered;
	s3 =	sadd.s32 s3, s5;
	[dreg:$0x0] =	wrdreg $0x0  }
0xa8: {  	s5 =	sshll.u32 s28, $0x1;
	[dreg:$0x2] =	wrdreg s3  }
0xa9: {  	[dreg:$0x3] =	wrdreg s5  }
0xaa: {  	[dreg:$0x4] =	wrdreg $0xC0  }
0xab: {  	_ =	task [dreg:s7], $0x5FFFF  }
0xac: {  	[dreg:$0x1] =	wrdreg $0xFFFFFFFF  }
0xad: {  	[dreg:$0x0] =	wrdreg $0x60  }
0xae: {  	[dreg:$0x2] =	wrdreg s2  }
0xaf: {  	[dreg:$0x3] =	wrdreg s24  }
0xb0: {  	[dreg:$0x4] =	wrdreg $0x40800  }
0xb1: {  	[dreg:$0x5] =	wrdreg $0x9  }
0xb2: {  	_ =	task.clear_ibuf [dreg:s7], $0x6FFFF;
	_ =	strace $0x90000046  }
0xb3: {  	s29 =	simm.s32 $0x9;
	_ =	strace $0x80000048  }
0xb4: {  	_ =	swait.ge [sflag:s29], $0x1  }
0xb5: {  	[sflag:s29] =	ssyncadd.s32 $0xFFFFFFFF  }
0xb6: {  	_ =	strace $0x90000048  }
0xb7: {  	_ =	sfence  }
0xb8: {  	s30 =	sld [smem:$0x0];
	_ =	sdelay $0x2  }
0xb9: {  	s31 =	sshll.u32 s1, $0xD;
	s1 =	sshrl.u32 s1, $0x2  }
0xba: {  	s3 =	sand.u32 $0x4000, s31;
	s1 =	sadd.s32 s1, s30  }
0xbb: {  	s0 =	sor.u32 s3, s0;
	s1 =	sshll.u32 s1, $0x11  }
0xbc: {  	s0 =	sor.u32 s1, s0  }
0xbd: {  	s0 =	sadd.s32 $0x8F2B, s0  }
0xbe: {  	[sflag:s0] =	ssyncadd.remote.s32 $0x1  }
0xbf: {  	_ =	sfence.sel $0xFFFF  }
0xc0: {  	[dreg:$0x0] =	wrdreg $0xFFFFFFFF;
	(pc) =	sbr.abs _section_cstart, $3  }
0xc1: {  	[dreg:$0x1] =	wrdreg $0xFFFFFFFF  }
0xc2: {  	_ =	task.clear_ibuf [dreg:s7], $0x2FFFF;
	_ =	strace $0x9FFFFFFF  }
0xc3: {  	(tm) =	ssettm $0x7FFFFFFF  }
tec
execute0_lowered:
.L_overlay_start_1:
0x0: {  	(tag) =	ssettag $0x1  }
0x1: {  	s1 =	rddreg [dreg:$0x0]  }
0x2: {  	s5 =	rddreg [dreg:$0x1]  }
0x3: {  	s3 =	rddreg [dreg:$0x2]  }
0x4: {  	s4 =	srdreg.scid;
	s2 =	stileid.u32  }
0x5: {  	s0 =	rddreg [dreg:$0x3];
	s8 =	smul.u32 $0x50000, s2  }
0x6: {  	s7 =	sand.u32 $0x1, s4;
	s4 =	simm.s32 $0x0;
	s10 =	smul.u32 $0x14000, s2  }
0x7: {  	s15 =	sadd.s32 $0x2C00, s5;
	s28 =	sshll.u32 s2, $0x1;
	s6 =	ssub.s32 $0x2, s7  }
0x8: {  	[smem:$0x7FF] =	sst s4;
	s12 =	sor.u32 s7, s28;
	s17 =	smul.u32 $0x140000, s7  }
0x9: {  	s9 =	sshrl.u32 s6, $0x1;
	_ =	strace $0x80000047;
	s29 =	sshrl.u32 s8, $0x2  }
0xa: {  	s11 =	sadd.s32 $0x4000, s10;
	s13 =	sadd.s32 $0x8000, s10;
	s14 =	sadd.s32 $0xC000, s10  }
0xb: {  	s18 =	sadd.s32 $0x10000, s10;
	s16 =	ssub.s32 s6, s9;
	s5 =	sadd.s32 s29, s3  }
0xc: {  	s6 =	sadd.s32 s11, s3;
	s7 =	sadd.s32 s13, s3;
	s8 =	sadd.s32 s14, s3  }
0xd: {  	s9 =	sadd.s32 s18, s3;
	s19 =	sadd.s32 s10, s17;
	s11 =	sadd.s32 s17, s11  }
0xe: {  	s10 =	smul.u32 $0x2800, s12;
	s13 =	sadd.s32 s17, s13;
	s14 =	sadd.s32 s17, s14  }
0xf: {  	s17 =	sadd.s32 s17, s18;
	s18 =	simm.s32 $0x1;
	s30 =	sshrl.u32 s19, $0x3  }
0x10: {  	s31 =	sshrl.u32 s11, $0x3;
	s13 =	sshrl.u32 s13, $0x3;
	s14 =	sshrl.u32 s14, $0x3  }
0x11: {  	s17 =	sshrl.u32 s17, $0x3;
	s16 =	smax.u32 s16, $0x1;
	s19 =	simm.s32 $0x0  }
0x12: {  	s11 =	sadd.s32 s15, s30;
	s12 =	sadd.s32 s15, s31;
	s13 =	sadd.s32 s15, s13  }
0x13: {  	s14 =	sadd.s32 s15, s14;
	s15 =	sadd.s32 s15, s17;
	s17 =	simm.s32 $0x80  }
.LBB2_1:
0x14: {  	[spmem:s5] =	stream.linear.scatter [tilespmem:s17], [sflag:$0x1], $0x4000, $0x38;
	[tilespmem:$0x5480] =	vst v63  }
0x15: {  	_ =	swait.ge [sflag:s18], $0x4000  }
0x16: {  	[sflag:s18] =	ssyncset.done $0x0  }
0x17: {  	[sflag:s18] =	ssyncadd.s32 $0xFFFFC000  }
0x18: {  	[spmem:s6] =	stream.linear.scatter [tilespmem:s17], [sflag:$0x1], $0x4000, $0x38;
	[tilespmem:$0x5480] =	vst v63  }
0x19: {  	_ =	swait.ge [sflag:s18], $0x4000  }
0x1a: {  	[sflag:s18] =	ssyncset.done $0x0  }
0x1b: {  	[sflag:s18] =	ssyncadd.s32 $0xFFFFC000  }
0x1c: {  	[spmem:s7] =	stream.linear.scatter [tilespmem:s17], [sflag:$0x1], $0x4000, $0x38;
	[tilespmem:$0x5480] =	vst v63  }
0x1d: {  	_ =	swait.ge [sflag:s18], $0x4000  }
0x1e: {  	[sflag:s18] =	ssyncset.done $0x0  }
0x1f: {  	[sflag:s18] =	ssyncadd.s32 $0xFFFFC000  }
0x20: {  	[spmem:s8] =	stream.linear.scatter [tilespmem:s17], [sflag:$0x1], $0x4000, $0x38;
	[tilespmem:$0x5480] =	vst v63  }
0x21: {  	_ =	swait.ge [sflag:s18], $0x4000  }
0x22: {  	[sflag:s18] =	ssyncset.done $0x0  }
0x23: {  	s20 =	sand.u32 $0x3C00, s4;
	[sflag:s18] =	ssyncadd.s32 $0xFFFFC000  }
0x24: {  	[spmem:s9] =	stream.linear.scatter [tilespmem:s17], [sflag:$0x1], $0x4000, $0x38;
	[tilespmem:$0x5480] =	vst v63  }
0x25: {  	s21 =	sand.u32 $0x380, s4;
	s20 =	sadd.s32 s10, s20;
	_ =	swait.ge [sflag:s18], $0x4000  }
0x26: {  	s20 =	sor.u32 s21, s20;
	[sflag:s18] =	ssyncset.done $0x0  }
0x27: {  	s20 =	sshrl.u32 s20, $0x3;
	[sflag:s18] =	ssyncadd.s32 $0xFFFFC000  }
0x28: {  	s20 =	sadd.s32 s1, s20;
	[bflag:$0x0] =	sbarrier.arrive $0xFFFF  }
0x29: {  	[tilespmem:s4], [sflag:$0x1] =	stream.linear.gather [hbm4b:s20+s4], $0x80, $0x38;
	[tilespmem:$0x5480] =	vst v63  }
0x2a: {  	_ =	swait.ge [sflag:s18], $0x80  }
0x2b: {  	s30 =	simm.s32 $0x80;
	[sflag:s18] =	ssyncset.done $0x0  }
0x2c: {  	s31 =	sand.u32 $0x3C00, s30;
	[sflag:s18] =	ssyncadd.s32 $0xFFFFFF80  }
0x2d: {  	[spmem:s3] =	stream.indirect.scatter.add.f32 [tilespmem:s17], [sflag:$0x1], $0x8, s4, s17, $0xb8;
	[tilespmem:$0x5480] =	vst v63  }
0x2e: {  	s22 =	sand.u32 $0x380, s30;
	s21 =	sadd.s32 s10, s31;
	_ =	swait.ge [sflag:s18], $0x400  }
0x2f: {  	s21 =	sor.u32 s22, s21;
	s20 =	simm.s32 $0x100;
	[sflag:s18] =	ssyncset.done $0x0  }
.LBB2_2:
0x30: {  	s21 =	sshrl.u32 s21, $0x3  }
0x31: {  	[sflag:s18] =	ssyncadd.s32 $0xFFFFFC00;
	s22 =	smov.u32 s20;
	s23 =	sadd.s32 $0x80, s20  }
0x32: {  	p0 =	sne.s32 s20, $0x2700;
	s20 =	sadd.s32 s1, s21  }
0x33: {  	[tilespmem:s4], [sflag:$0x1] =	stream.linear.gather [hbm4b:s20+s4], $0x80, $0x38;
	[tilespmem:$0x5480] =	vst v63  }
0x34: {  	_ =	swait.ge [sflag:s18], $0x80  }
.Ltmp0:
0x35: {  	[sflag:s18] =	ssyncset.done $0x0;
	(pc) =	sbr.rel @p0 .LBB2_2-.Ltmp0, $4  }
0x36: {  	s20 =	sand.u32 $0x3C00, s22;
	[sflag:s18] =	ssyncadd.s32 $0xFFFFFF80  }
0x37: {  	[spmem:s3] =	stream.indirect.scatter.add.f32 [tilespmem:s17], [sflag:$0x1], $0x8, s4, s17, $0xb8;
	[tilespmem:$0x5480] =	vst v63  }
0x38: {  	s21 =	sand.u32 $0x380, s22;
	s20 =	sadd.s32 s10, s20;
	_ =	swait.ge [sflag:s18], $0x400  }
0x39: {  	s21 =	sor.u32 s21, s20;
	s20 =	smov.u32 s23;
	[sflag:s18] =	ssyncset.done $0x0  }
0x3a: {  	s20 =	sshrl.u32 s21, $0x3  }
0x3b: {  	[sflag:s18] =	ssyncadd.s32 $0xFFFFFC00;
	s20 =	sadd.s32 s1, s20  }
0x3c: {  	[tilespmem:s4], [sflag:$0x1] =	stream.linear.gather [hbm4b:s20+s4], $0x80, $0x38;
	[tilespmem:$0x5480] =	vst v63  }
0x3d: {  	_ =	swait.ge [sflag:s18], $0x80  }
0x3e: {  	[sflag:s18] =	ssyncset.done $0x0  }
0x3f: {  	[sflag:s18] =	ssyncadd.s32 $0xFFFFFF80  }
0x40: {  	[spmem:s3] =	stream.indirect.scatter.add.f32 [tilespmem:s17], [sflag:$0x1], $0x8, s4, s17, $0xb8;
	[tilespmem:$0x5480] =	vst v63  }
0x41: {  	_ =	swait.ge [sflag:s18], $0x400  }
0x42: {  	[sflag:s18] =	ssyncset.done $0x0  }
0x43: {  	[sflag:s18] =	ssyncadd.s32 $0xFFFFFC00  }
0x44: {  	[bflag:$0x0] =	sbarrier.arrive $0xFFFF  }
0x45: {  	[tilespmem:s17], [sflag:$0x1] =	stream.linear.gather [spmem:s5], $0x4000, $0x38;
	[tilespmem:$0x5480] =	vst v63  }
0x46: {  	_ =	swait.ge [sflag:s18], $0x4000  }
0x47: {  	[sflag:s18] =	ssyncset.done $0x0  }
0x48: {  	[sflag:s18] =	ssyncadd.s32 $0xFFFFC000  }
0x49: {  	[hbm4b:s11+s4] =	stream.linear.scatter [tilespmem:s17], [sflag:$0x1], $0x4000, $0x38;
	[tilespmem:$0x5480] =	vst v63  }
0x4a: {  	_ =	swait.ge [sflag:s18], $0x4000  }
0x4b: {  	[sflag:s18] =	ssyncset.done $0x0  }
0x4c: {  	[sflag:s18] =	ssyncadd.s32 $0xFFFFC000  }
0x4d: {  	[tilespmem:s17], [sflag:$0x1] =	stream.linear.gather [spmem:s6], $0x4000, $0x38;
	[tilespmem:$0x5480] =	vst v63  }
0x4e: {  	_ =	swait.ge [sflag:s18], $0x4000  }
0x4f: {  	[sflag:s18] =	ssyncset.done $0x0  }
0x50: {  	[sflag:s18] =	ssyncadd.s32 $0xFFFFC000  }
0x51: {  	[hbm4b:s12+s4] =	stream.linear.scatter [tilespmem:s17], [sflag:$0x1], $0x4000, $0x38;
	[tilespmem:$0x5480] =	vst v63  }
0x52: {  	_ =	swait.ge [sflag:s18], $0x4000  }
0x53: {  	[sflag:s18] =	ssyncset.done $0x0  }
0x54: {  	[sflag:s18] =	ssyncadd.s32 $0xFFFFC000  }
0x55: {  	[tilespmem:s17], [sflag:$0x1] =	stream.linear.gather [spmem:s7], $0x4000, $0x38;
	[tilespmem:$0x5480] =	vst v63  }
0x56: {  	_ =	swait.ge [sflag:s18], $0x4000  }
0x57: {  	[sflag:s18] =	ssyncset.done $0x0  }
0x58: {  	[sflag:s18] =	ssyncadd.s32 $0xFFFFC000  }
0x59: {  	[hbm4b:s13+s4] =	stream.linear.scatter [tilespmem:s17], [sflag:$0x1], $0x4000, $0x38;
	[tilespmem:$0x5480] =	vst v63  }
0x5a: {  	_ =	swait.ge [sflag:s18], $0x4000  }
0x5b: {  	[sflag:s18] =	ssyncset.done $0x0  }
0x5c: {  	[sflag:s18] =	ssyncadd.s32 $0xFFFFC000  }
0x5d: {  	[tilespmem:s17], [sflag:$0x1] =	stream.linear.gather [spmem:s8], $0x4000, $0x38;
	[tilespmem:$0x5480] =	vst v63  }
0x5e: {  	_ =	swait.ge [sflag:s18], $0x4000  }
0x5f: {  	[sflag:s18] =	ssyncset.done $0x0  }
0x60: {  	[sflag:s18] =	ssyncadd.s32 $0xFFFFC000  }
0x61: {  	[hbm4b:s14+s4] =	stream.linear.scatter [tilespmem:s17], [sflag:$0x1], $0x4000, $0x38;
	[tilespmem:$0x5480] =	vst v63  }
0x62: {  	_ =	swait.ge [sflag:s18], $0x4000  }
0x63: {  	[sflag:s18] =	ssyncset.done $0x0  }
0x64: {  	[sflag:s18] =	ssyncadd.s32 $0xFFFFC000  }
0x65: {  	[tilespmem:s17], [sflag:$0x1] =	stream.linear.gather [spmem:s9], $0x4000, $0x38;
	[tilespmem:$0x5480] =	vst v63  }
0x66: {  	s19 =	sadd.s32 $0x1, s19;
	_ =	swait.ge [sflag:s18], $0x4000  }
0x67: {  	p0 =	sne.s32 s19, s16;
	[sflag:s18] =	ssyncset.done $0x0  }
.Ltmp1:
0x68: {  	[sflag:s18] =	ssyncadd.s32 $0xFFFFC000;
	(pc) =	sbr.rel @p0 .LBB2_1-.Ltmp1, $4  }
0x69: {  	[hbm4b:s15+s4] =	stream.linear.scatter [tilespmem:s17], [sflag:$0x1], $0x4000, $0x38;
	[tilespmem:$0x5480] =	vst v63  }
0x6a: {  	_ =	swait.ge [sflag:s18], $0x4000  }
0x6b: {  	[sflag:s18] =	ssyncset.done $0x0  }
0x6c: {  	[sflag:s18] =	ssyncadd.s32 $0xFFFFC000  }
0x6d: {  	_ =	sfence.sel $0x180000  }
0x6e: {  	[bflag:$0x0] =	sbarrier.arrive $0xFFFF  }
0x6f: {  	p0 =	sne.s32 s2, $0x0;
	_ =	strace $0x90000047  }
0x70: {  	s0 =	sadd.s32 @!p0 $0x100000, s0;
	[bflag:$0x2] =	sbarrier.arrive $0xFFFF  }
0x71: {  	[sflag:s0] =	ssyncadd.tile.s32 @!p0 $0x1;
	_ =	shalt  }
.Lfunc_end2:
_tile_overlayer_lowered:
.L_overlay_start_2:
0x72: {  	(tag) =	ssettag $0x2  }
0x73: {  	s0 =	rddreg [dreg:$0x0];
	s2 =	stileid.u32  }
0x74: {  	s1 =	rddreg [dreg:$0x1];
	p0 =	sne.s32 s2, $0x0  }
0x75: {  	s3 =	rddreg [dreg:$0x2];
	[bflag:$0x3] =	sbarrier.arrive $0xFFFF;
	s2 =	simm.s32 @!p0 $0x1C01  }
0x76: {  	[timem:s3], [sflag:s2] =	dma.local @!p0 [hbm:s0], s1  }
0x77: {  	s0 =	simm.s32 @!p0 $0x1  }
0x78: {  	_ =	swait.ge @!p0 [sflag:s0], s1  }
0x79: {  	s1 =	ssub.s32 @!p0 $0x0, s1;
	[sflag:s0] =	ssyncset.done @!p0 $0x0  }
0x7a: {  	[sflag:s0] =	ssyncadd.s32 @!p0 s1  }
0x7b: {  	[bflag:$0x3] =	sbarrier.arrive $0xFFFF  }
0x7c: {  	_ =	shalt  }

</sc_bundles>
